<compile_context>
chip_gen: v7x
topology: tpu7x:2x2x1
jax: 0.10.2.dev20260603
libtpu: 0.0.44.dev20260713+nightly
codegen_flags: <defaults>
</compile_context>

<pallas_src>
import dataclasses
import functools

import jax
import jax.numpy as jnp
from jax import lax
from jax.experimental import pallas as pl
from jax.experimental.pallas import tpu as pltpu
from jax.experimental.pallas import tpu_sc as plsc

N, E, D, H, O, B = 10000, 320000, 128, 128, 128, 64

NC, NS = 2, 16
NW = NC * NS
CH = 128
NCHUNK = 84
HALF = NCHUNK // 2
EP = NW * NCHUNK * CH
NP = 10240
ZT = 10
ZROWS = N // ZT


NR = NP // 128
NRD = NR // NS


def _deg_body(dst_hbm, out_hbm, idx_v, hist_v, iota_v, acc_sh):
    cid = lax.axis_index("c")
    sid = lax.axis_index("s")
    wid = cid * NS + sid

    @pl.loop(0, NR)
    def _(r):
        @pl.loop(0, 8)
        def _(k):
            hist_v[r, pl.ds(k * 16, 16)] = jnp.zeros((16,), jnp.float32)

    @pl.loop(0, NR // 16)
    def _(g):
        iota_v[g, :] = lax.iota(jnp.int32, 16) + g * 16

    @pl.when(sid == 0)
    def _():
        pltpu.sync_copy(hist_v, acc_sh)
    plsc.subcore_barrier()

    pltpu.sync_copy(dst_hbm.at[wid], idx_v)
    ones = jnp.ones((16,), jnp.float32)

    @pl.loop(0, NCHUNK)
    def _(j):
        @pl.loop(0, CH // 16)
        def _(g):
            iv = idx_v[j, pl.ds(g * 16, 16)]
            plsc.addupdate_scatter(hist_v, [iv >> 7, iv & 127], ones)

    @pl.loop(0, NR // 16)
    def _(g):
        pltpu.sync_copy(hist_v.at[pl.ds(g * 16, 16)],
                        acc_sh.at[iota_v.at[g]], add=True)

    plsc.subcore_barrier()

    @pl.when(sid == 0)
    def _():
        pltpu.sync_copy(acc_sh, hist_v)
        pltpu.sync_copy(hist_v, out_hbm.at[cid])


_ZPIECES = [(128, i * 128) for i in range(7)] + [(104, 896)]


def _msg_body(xs_hbm, src_hbm, dst_hbm, out_hbm, src_v, dst_v, bufa, bufb,
              acc_sh, sema, semb):
    cid = lax.axis_index("c")
    sid = lax.axis_index("s")
    wid = cid * NS + sid

    @pl.loop(0, CH)
    def _(r):
        @pl.loop(0, D // 16)
        def _(k):
            bufa[r, pl.ds(k * 16, 16)] = jnp.zeros((16,), jnp.float32)

    @pl.when(sid < ZT)
    def _():
        for sz, off in _ZPIECES:
            pltpu.sync_copy(bufa.at[pl.ds(0, sz)],
                            acc_sh.at[pl.ds(sid * ZROWS + off, sz)])

    plsc.subcore_barrier()

    @pl.loop(0, 2)
    def _(h):
        pltpu.sync_copy(src_hbm.at[wid, h], src_v)
        pltpu.sync_copy(dst_hbm.at[wid, h], dst_v)
        pltpu.async_copy(xs_hbm.at[src_v.at[0]], bufa, sema)

        @pl.loop(0, HALF // 2)
        def _(p):
            j = p * 2
            pltpu.make_async_copy(xs_hbm.at[src_v.at[j]], bufa, sema).wait()
            pltpu.async_copy(xs_hbm.at[src_v.at[j + 1]], bufb, semb)
            pltpu.sync_copy(bufa, acc_sh.at[dst_v.at[j]], add=True)
            pltpu.make_async_copy(xs_hbm.at[src_v.at[j + 1]], bufb, semb).wait()

            @pl.when(p + 1 < HALF // 2)
            def _():
                pltpu.async_copy(xs_hbm.at[src_v.at[j + 2]], bufa, sema)

            pltpu.sync_copy(bufb, acc_sh.at[dst_v.at[j + 1]], add=True)

    plsc.subcore_barrier()

    @pl.when(sid < ZT)
    def _():
        for sz, off in _ZPIECES:
            pltpu.sync_copy(acc_sh.at[pl.ds(sid * ZROWS + off, sz)],
                            bufa.at[pl.ds(0, sz)])
            pltpu.sync_copy(bufa.at[pl.ds(0, sz)],
                            out_hbm.at[cid, pl.ds(sid * ZROWS + off, sz)])


@functools.cache
def _sc_kernels():
    mesh = plsc.VectorSubcoreMesh(core_axis_name="c", subcore_axis_name="s",
                                  num_cores=NC, num_subcores=NS)
    cp = pltpu.CompilerParams()
    if "needs_layout_passes" in pltpu.CompilerParams.__dataclass_fields__:
        cp = dataclasses.replace(cp, needs_layout_passes=False)
    deg_call = pl.kernel(
        _deg_body,
        out_type=jax.ShapeDtypeStruct((NC, NR, 128), jnp.float32),
        mesh=mesh,
        compiler_params=cp,
        scratch_types=[
            pltpu.VMEM((NCHUNK, CH), jnp.int32),
            pltpu.VMEM((NR, 128), jnp.float32),
            pltpu.VMEM((NR // 16, 16), jnp.int32),
            pltpu.VMEM_SHARED((NR, 128), jnp.float32),
        ],
    )
    msg_call = pl.kernel(
        _msg_body,
        out_type=jax.ShapeDtypeStruct((NC, N, D), jnp.float32),
        mesh=mesh,
        scratch_types=[
            pltpu.VMEM((HALF, CH), jnp.int32),
            pltpu.VMEM((HALF, CH), jnp.int32),
            pltpu.VMEM((CH, D), jnp.float32),
            pltpu.VMEM((CH, D), jnp.float32),
            pltpu.VMEM_SHARED((N, D), jnp.float32),
            pltpu.SemaphoreType.DMA,
            pltpu.SemaphoreType.DMA,
        ],
    )
    return deg_call, msg_call



def _dinv_from_parts(degp):
    deg = degp[0] + degp[1]
    return jnp.where(deg > 0, lax.rsqrt(deg), 0.0)


def _tc_prescale_body(x_ref, w_ref, degp_ref, o_ref):
    dinv = _dinv_from_parts(degp_ref[...])
    xw = jnp.dot(x_ref[...], w_ref[...], preferred_element_type=jnp.float32)
    o_ref[...] = xw * dinv


def _tc_mid_body(parts_ref, degp_ref, b_ref, w_ref, o_ref):
    dinv = _dinv_from_parts(degp_ref[...])[:N]
    agg = parts_ref[0] + parts_ref[1]
    h = jnp.maximum(agg * dinv + b_ref[...], 0.0)
    o_ref[0:N, :] = jnp.dot(h, w_ref[...],
                            preferred_element_type=jnp.float32) * dinv
    o_ref[N:NP, :] = jnp.zeros((NP - N, D), jnp.float32)


def _tc_final_body(parts_ref, degp_ref, b_ref, batch_ref, lw_ref, lb_ref, o_ref):
    dinv = _dinv_from_parts(degp_ref[...])[:N]
    agg = parts_ref[0] + parts_ref[1]
    h = jnp.maximum(agg * dinv + b_ref[...], 0.0)
    seg = lax.broadcasted_iota(jnp.int32, (B, N), 0)
    onehot = jnp.where(seg == jnp.broadcast_to(batch_ref[...], (B, N)), 1.0, 0.0)
    sums = jnp.dot(onehot, h, preferred_element_type=jnp.float32)
    counts = jnp.sum(onehot, axis=1, keepdims=True)
    pooled = sums / jnp.maximum(counts, 1.0)
    o_ref[...] = (jnp.dot(pooled, lw_ref[...], preferred_element_type=jnp.float32)
                  + lb_ref[...])


_prescale = pl.pallas_call(
    _tc_prescale_body, out_shape=jax.ShapeDtypeStruct((NP, D), jnp.float32))
_mid = pl.pallas_call(
    _tc_mid_body, out_shape=jax.ShapeDtypeStruct((NP, D), jnp.float32))
_final = pl.pallas_call(
    _tc_final_body, out_shape=jax.ShapeDtypeStruct((B, O), jnp.float32))



def kernel(x, edge_index, batch, W1, b1, W2, b2, lin_W, lin_b):
    loop = jnp.arange(N, dtype=jnp.int32)
    npad = EP - E - N
    ppos = jnp.arange(npad, dtype=jnp.int32)
    src_pad = N + ppos % (NP - N)
    src = jnp.concatenate([edge_index[0], loop, src_pad]
                          ).reshape(NW, 2, HALF, CH)
    dst_m = jnp.concatenate([edge_index[1], loop, ppos % N]
                            ).reshape(NW, 2, HALF, CH)
    dst_d = jnp.concatenate([edge_index[1], loop, src_pad]
                            ).reshape(NW, NCHUNK, CH)
    xp = jnp.pad(x, ((0, NP - N), (0, 0)))
    batch_r = batch.reshape(1, N)

    deg_call, msg_call = _sc_kernels()
    degp = deg_call(dst_d).reshape(NC, NP, 1)
    xs1 = _prescale(xp, W1, degp)
    parts1 = msg_call(xs1, src, dst_m)
    xs2 = _mid(parts1, degp, b1, W2)
    parts2 = msg_call(xs2, src, dst_m)
    return _final(parts2, degp, b2, batch_r, lin_W, lin_b)

# --- scband reference (transcript-rebuilt; emitter-appended) ---
"""Pipeline reference for scband-gnnmodel-63617055588405 (READ-ONLY COPY).

The authoritative reference and input builder live on the scoring server;
editing this copy changes nothing except your own understanding.
"""

import jax, jax.numpy as jnp
import numpy as np

N, E, D, H, O, B = 10000, 320000, 128, 128, 128, 64

def _gcn_conv(x, src, dst, W, b, n):
    ones = jnp.ones(src.shape[0], dtype=x.dtype)
    deg = jnp.zeros((n,), dtype=x.dtype).at[dst].add(ones)
    dinv = jnp.where(deg > 0, deg ** -0.5, 0.0)
    norm = dinv[src] * dinv[dst]
    xw = x @ W
    msg = xw[src] * norm[:, None]
    out = jnp.zeros((n, W.shape[1]), dtype=x.dtype).at[dst].add(msg)
    return out + b

def setup_inputs(seed: int = 0):
    key = jax.random.key(seed)
    ks = jax.random.split(key, 10)
    x = jax.random.normal(ks[0], (N, D), dtype=jnp.float32)
    edge_index = jax.random.randint(ks[1], (2, E), 0, N, dtype=jnp.int32)
    batch = jnp.sort(jax.random.randint(ks[2], (N,), 0, B, dtype=jnp.int32))
    batch = batch.at[-1].set(B - 1)
    W1 = jax.random.normal(ks[3], (D, H), dtype=jnp.float32) * 0.05
    b1 = jnp.zeros((H,), dtype=jnp.float32)
    W2 = jax.random.normal(ks[4], (H, H), dtype=jnp.float32) * 0.05
    b2 = jnp.zeros((H,), dtype=jnp.float32)
    lin_W = jax.random.normal(ks[5], (H, O), dtype=jnp.float32) * 0.05
    lin_b = jnp.zeros((O,), dtype=jnp.float32)
    return {"x": x, "edge_index": edge_index, "batch": batch, "W1": W1, "b1": b1, "W2": W2, "b2": b2, "lin_W": lin_W, "lin_b": lin_b}

def reference(x, edge_index, batch, W1, b1, W2, b2, lin_W, lin_b):
    n = x.shape[0]
    size = B
    loop = jnp.arange(n, dtype=edge_index.dtype)
    src = jnp.concatenate([edge_index[0], loop])
    dst = jnp.concatenate([edge_index[1], loop])
    h = jax.nn.relu(_gcn_conv(x, src, dst, W1, b1, n))
    h = jax.nn.relu(_gcn_conv(h, src, dst, W2, b2, n))
    sums = jax.ops.segment_sum(h, batch, num_segments=size)
    counts = jax.ops.segment_sum(jnp.ones((n, 1), dtype=h.dtype), batch, num_segments=size)
    pooled = sums / jnp.maximum(counts, 1.0)
    return pooled @ lin_W + lin_b

if __name__ == "__main__":
    import jax
    _d = setup_inputs()
    print(jax.jit(kernel)(*tuple(_d.values())))

</pallas_src>

<mosaic_0001>
#map = affine_map<(d0, d1) -> (0, 0, 0)>
module attributes {stable_mosaic.version = 14 : i64} {
  func.func @_deg_body(%arg0: i32, %arg1: i32, %arg2: memref<32x84x128xi32, #tpu.memory_space<hbm>>, %arg3: memref<2x80x128xf32, #tpu.memory_space<hbm>>, %arg4: memref<84x128xi32, #tpu.memory_space<vmem>>, %arg5: memref<80x128xf32, #tpu.memory_space<vmem>>, %arg6: memref<5x16xi32, #tpu.memory_space<vmem>>, %arg7: memref<80x128xf32, #tpu.memory_space<vmem_shared>>) attributes {dimension_semantics = [#tpu.dimension_semantics<core_parallel>, #tpu.dimension_semantics<subcore_parallel>], iteration_bounds = array<i64: 2, 16>, scalar_prefetch = 0 : i64, scratch_operands = 4 : i64, tpu.core_type = #tpu.core_type<sc_vector_subcore>, window_params = [{transform_indices = #map}, {transform_indices = #map}]} {
    %mul3A = arith.constant 16 : i32
    %mul3A_0 = arith.muli %arg0, %mul3A : i32
    %add3A = arith.addi %mul3A_0, %arg1 : i32
    %scan3A = arith.constant 0 : i32
    %scan3A_1 = arith.constant 80 : i32
    %scan3A_2 = arith.addi %scan3A, %scan3A_1 : i32
    %scan3A_3 = arith.constant 1 : i32
    scf.for %scan3A_29 = %scan3A to %scan3A_2 step %scan3A_3  : i32 {
      %mul3A_30 = arith.constant 1 : i32
      %mul3A_31 = arith.muli %scan3A_29, %mul3A_30 : i32
      %add3A_32 = arith.constant 0 : i32
      %add3A_33 = arith.addi %add3A_32, %mul3A_31 : i32
      %scan3A_34 = arith.constant 0 : i32
      %scan3A_35 = arith.constant 8 : i32
      %scan3A_36 = arith.addi %scan3A_34, %scan3A_35 : i32
      %scan3A_37 = arith.constant 1 : i32
      scf.for %scan3A_39 = %scan3A_34 to %scan3A_36 step %scan3A_37  : i32 {
        %mul3A_40 = arith.constant 1 : i32
        %mul3A_41 = arith.muli %scan3A_39, %mul3A_40 : i32
        %add3A_42 = arith.constant 0 : i32
        %add3A_43 = arith.addi %add3A_42, %mul3A_41 : i32
        %broadcast_in_dim3A_44 = arith.constant 0.000000e+00 : f32
        %broadcast_in_dim3A_45 = vector.broadcast %broadcast_in_dim3A_44 : f32 to vector<16xf32>
        %mul3A_46 = arith.constant 16 : i32
        %mul3A_47 = arith.muli %add3A_43, %mul3A_46 : i32
        %swap3A = arith.index_cast %add3A_33 : i32 to index
        %swap3A_48 = arith.index_cast %mul3A_47 : i32 to index
        %swap3A_49 = tpu.vector_load %arg5[%swap3A, %swap3A_48] {strides = array<i32>} : memref<80x128xf32, #tpu.memory_space<vmem>>, vector<16xf32>,
        tpu.vector_store %arg5[%swap3A, %swap3A_48], %broadcast_in_dim3A_45 {strides = array<i32>} : memref<80x128xf32, #tpu.memory_space<vmem>>, vector<16xf32>,
      }
      %scan3A_38 = arith.constant 8 : i32
    }
    %scan3A_4 = arith.constant 80 : i32
    %scan3A_5 = arith.constant 0 : i32
    %scan3A_6 = arith.constant 5 : i32
    %scan3A_7 = arith.addi %scan3A_5, %scan3A_6 : i32
    %scan3A_8 = arith.constant 1 : i32
    scf.for %scan3A_29 = %scan3A_5 to %scan3A_7 step %scan3A_8  : i32 {
      %mul3A_30 = arith.constant 1 : i32
      %mul3A_31 = arith.muli %scan3A_29, %mul3A_30 : i32
      %add3A_32 = arith.constant 0 : i32
      %add3A_33 = arith.addi %add3A_32, %mul3A_31 : i32
      %iota3A = tpu.iota {dimensions = array<i32: 0>} : vector<16xi32>
      %mul3A_34 = arith.constant 16 : i32
      %mul3A_35 = arith.muli %add3A_33, %mul3A_34 : i32
      %add3A_36 = vector.broadcast %mul3A_35 : i32 to vector<16xi32>
      %add3A_37 = arith.addi %iota3A, %add3A_36 : vector<16xi32>
      %swap3A = arith.index_cast %add3A_33 : i32 to index
      %swap3A_38 = arith.constant 0 : index
      %swap3A_39 = tpu.vector_load %arg6[%swap3A, %swap3A_38] {strides = array<i32>} : memref<5x16xi32, #tpu.memory_space<vmem>>, vector<16xi32>,
      tpu.vector_store %arg6[%swap3A, %swap3A_38], %add3A_37 {strides = array<i32>} : memref<5x16xi32, #tpu.memory_space<vmem>>, vector<16xi32>,
    }
    %scan3A_9 = arith.constant 5 : i32
    %eq3A = arith.constant 0 : i32
    %eq3A_10 = arith.cmpi eq, %arg1, %eq3A : i32
    %convert_element_type3A = arith.extui %eq3A_10 : i1 to i32
    %cond3A = arith.constant 0 : i32
    %cond3A_11 = arith.cmpi ne, %convert_element_type3A, %cond3A : i32
    scf.if %cond3A_11 {
      "tpu.region"() ({
        %run_scoped3A = tpu.sem_alloc : memref<!tpu.dma_semaphore, #tpu.memory_space<semaphore_mem>>
        tpu.enqueue_dma source(%arg5 : memref<80x128xf32, #tpu.memory_space<vmem>>) target(%arg7 : memref<80x128xf32, #tpu.memory_space<vmem_shared>>) target_semaphore(%run_scoped3A : memref<!tpu.dma_semaphore, #tpu.memory_space<semaphore_mem>>)
        tpu.wait_dma2 semaphore(%run_scoped3A : memref<!tpu.dma_semaphore, #tpu.memory_space<semaphore_mem>>) src(%arg5 : memref<80x128xf32, #tpu.memory_space<vmem>>) dst(%arg7 : memref<80x128xf32, #tpu.memory_space<vmem_shared>>)
        tpu.yield
      }) : () -> ()
    } else {
    }
    %barrier3A = arith.constant 0 : index
    tpu.barrier barrier_id(%barrier3A)
    "tpu.region"() ({
      %run_scoped3A = tpu.sem_alloc : memref<!tpu.dma_semaphore, #tpu.memory_space<semaphore_mem>>
      %dma_start3A = arith.constant 0 : i32
      %dma_start3A_29 = arith.constant 0 : i32
      %dma_start3A_30 = tpu.memref_slice %arg2[%add3A, %dma_start3A, %dma_start3A_29] : memref<32x84x128xi32, #tpu.memory_space<hbm>> -> memref<1x84x128xi32, #tpu.memory_space<hbm>>
      %dma_start3A_31 = tpu.memref_squeeze %dma_start3A_30 : memref<1x84x128xi32, #tpu.memory_space<hbm>> -> memref<84x128xi32, #tpu.memory_space<hbm>>
      %dma_start3A_32 = arith.constant 0 : i32
      %dma_start3A_33 = arith.constant 0 : i32
      %dma_start3A_34 = tpu.memref_slice %arg2[%add3A, %dma_start3A_32, %dma_start3A_33] : memref<32x84x128xi32, #tpu.memory_space<hbm>> -> memref<1x84x128xi32, #tpu.memory_space<hbm>>
      %dma_start3A_35 = tpu.memref_squeeze %dma_start3A_34 : memref<1x84x128xi32, #tpu.memory_space<hbm>> -> memref<84x128xi32, #tpu.memory_space<hbm>>
      tpu.enqueue_dma source(%dma_start3A_35 : memref<84x128xi32, #tpu.memory_space<hbm>>) target(%arg4 : memref<84x128xi32, #tpu.memory_space<vmem>>) target_semaphore(%run_scoped3A : memref<!tpu.dma_semaphore, #tpu.memory_space<semaphore_mem>>)
      %dma_wait3A = arith.constant 0 : i32
      %dma_wait3A_36 = arith.constant 0 : i32
      %dma_wait3A_37 = tpu.memref_slice %arg2[%add3A, %dma_wait3A, %dma_wait3A_36] : memref<32x84x128xi32, #tpu.memory_space<hbm>> -> memref<1x84x128xi32, #tpu.memory_space<hbm>>
      %dma_wait3A_38 = tpu.memref_squeeze %dma_wait3A_37 : memref<1x84x128xi32, #tpu.memory_space<hbm>> -> memref<84x128xi32, #tpu.memory_space<hbm>>
      %dma_wait3A_39 = arith.constant 0 : i32
      %dma_wait3A_40 = arith.constant 0 : i32
      %dma_wait3A_41 = tpu.memref_slice %arg2[%add3A, %dma_wait3A_39, %dma_wait3A_40] : memref<32x84x128xi32, #tpu.memory_space<hbm>> -> memref<1x84x128xi32, #tpu.memory_space<hbm>>
      %dma_wait3A_42 = tpu.memref_squeeze %dma_wait3A_41 : memref<1x84x128xi32, #tpu.memory_space<hbm>> -> memref<84x128xi32, #tpu.memory_space<hbm>>
      tpu.wait_dma2 semaphore(%run_scoped3A : memref<!tpu.dma_semaphore, #tpu.memory_space<semaphore_mem>>) src(%dma_wait3A_42 : memref<84x128xi32, #tpu.memory_space<hbm>>) dst(%arg4 : memref<84x128xi32, #tpu.memory_space<vmem>>)
      tpu.yield
    }) : () -> ()
    %broadcast_in_dim3A = arith.constant 1.000000e+00 : f32
    %broadcast_in_dim3A_12 = vector.broadcast %broadcast_in_dim3A : f32 to vector<16xf32>
    %scan3A_13 = arith.constant 0 : i32
    %scan3A_14 = arith.constant 84 : i32
    %scan3A_15 = arith.addi %scan3A_13, %scan3A_14 : i32
    %scan3A_16 = arith.constant 1 : i32
    scf.for %scan3A_29 = %scan3A_13 to %scan3A_15 step %scan3A_16  : i32 {
      %mul3A_30 = arith.constant 1 : i32
      %mul3A_31 = arith.muli %scan3A_29, %mul3A_30 : i32
      %add3A_32 = arith.constant 0 : i32
      %add3A_33 = arith.addi %add3A_32, %mul3A_31 : i32
      %scan3A_34 = arith.constant 0 : i32
      %scan3A_35 = arith.constant 8 : i32
      %scan3A_36 = arith.addi %scan3A_34, %scan3A_35 : i32
      %scan3A_37 = arith.constant 1 : i32
      scf.for %scan3A_39 = %scan3A_34 to %scan3A_36 step %scan3A_37  : i32 {
        %mul3A_40 = arith.constant 1 : i32
        %mul3A_41 = arith.muli %scan3A_39, %mul3A_40 : i32
        %add3A_42 = arith.constant 0 : i32
        %add3A_43 = arith.addi %add3A_42, %mul3A_41 : i32
        %mul3A_44 = arith.constant 16 : i32
        %mul3A_45 = arith.muli %add3A_43, %mul3A_44 : i32
        %get3A = arith.index_cast %add3A_33 : i32 to index
        %get3A_46 = arith.index_cast %mul3A_45 : i32 to index
        %get3A_47 = tpu.vector_load %arg4[%get3A, %get3A_46] {strides = array<i32>} : memref<84x128xi32, #tpu.memory_space<vmem>>, vector<16xi32>,
        %shift_right_arithmetic3A = arith.constant 7 : i32
        %shift_right_arithmetic3A_48 = vector.broadcast %shift_right_arithmetic3A : i32 to vector<16xi32>
        %shift_right_arithmetic3A_49 = arith.shrsi %get3A_47, %shift_right_arithmetic3A_48 : vector<16xi32>
        %and3A = arith.constant 127 : i32
        %and3A_50 = vector.broadcast %and3A : i32 to vector<16xi32>
        %and3A_51 = arith.andi %get3A_47, %and3A_50 : vector<16xi32>
        tpu.vector_store_idx %arg5[%shift_right_arithmetic3A_49, %and3A_51], %broadcast_in_dim3A_12 {add = true} : memref<80x128xf32, #tpu.memory_space<vmem>>[vector<16xi32>, vector<16xi32>], vector<16xf32>,
      }
      %scan3A_38 = arith.constant 8 : i32
    }
    %scan3A_17 = arith.constant 84 : i32
    %scan3A_18 = arith.constant 0 : i32
    %scan3A_19 = arith.constant 5 : i32
    %scan3A_20 = arith.addi %scan3A_18, %scan3A_19 : i32
    %scan3A_21 = arith.constant 1 : i32
    scf.for %scan3A_29 = %scan3A_18 to %scan3A_20 step %scan3A_21  : i32 {
      %mul3A_30 = arith.constant 1 : i32
      %mul3A_31 = arith.muli %scan3A_29, %mul3A_30 : i32
      %add3A_32 = arith.constant 0 : i32
      %add3A_33 = arith.addi %add3A_32, %mul3A_31 : i32
      %mul3A_34 = arith.constant 16 : i32
      %mul3A_35 = arith.muli %add3A_33, %mul3A_34 : i32
      "tpu.region"() ({
        %run_scoped3A = tpu.sem_alloc : memref<!tpu.dma_semaphore, #tpu.memory_space<semaphore_mem>>
        %dma_start3A = arith.constant 0 : i32
        %dma_start3A_36 = tpu.memref_slice %arg5[%mul3A_35, %dma_start3A] : memref<80x128xf32, #tpu.memory_space<vmem>> -> memref<16x128xf32, #tpu.memory_space<vmem>>
        %dma_start3A_37 = arith.constant 0 : i32
        %dma_start3A_38 = tpu.memref_slice %arg6[%add3A_33, %dma_start3A_37] : memref<5x16xi32, #tpu.memory_space<vmem>> -> memref<1x16xi32, #tpu.memory_space<vmem>>
        %dma_start3A_39 = tpu.memref_squeeze %dma_start3A_38 : memref<1x16xi32, #tpu.memory_space<vmem>> -> memref<16xi32, #tpu.memory_space<vmem>>
        %dma_start3A_40 = arith.constant 0 : i32
        %dma_start3A_41 = arith.constant 0 : i32
        %dma_start3A_42 = tpu.memref_slice %arg7[%dma_start3A_40, %dma_start3A_41] : memref<80x128xf32, #tpu.memory_space<vmem_shared>> -> memref<80x128xf32, #tpu.memory_space<vmem_shared>>
        tpu.enqueue_indirect_dma source(%dma_start3A_36 : memref<16x128xf32, #tpu.memory_space<vmem>>) target(%dma_start3A_42 : memref<80x128xf32, #tpu.memory_space<vmem_shared>>) offsets(%dma_start3A_39 : memref<16xi32, #tpu.memory_space<vmem>>) semaphore(%run_scoped3A : memref<!tpu.dma_semaphore, #tpu.memory_space<semaphore_mem>>) {add = true}
        %dma_wait3A = arith.constant 0 : i32
        %dma_wait3A_43 = tpu.memref_slice %arg5[%mul3A_35, %dma_wait3A] : memref<80x128xf32, #tpu.memory_space<vmem>> -> memref<16x128xf32, #tpu.memory_space<vmem>>
        %dma_wait3A_44 = arith.constant 0 : i32
        %dma_wait3A_45 = tpu.memref_slice %arg6[%add3A_33, %dma_wait3A_44] : memref<5x16xi32, #tpu.memory_space<vmem>> -> memref<1x16xi32, #tpu.memory_space<vmem>>
        %dma_wait3A_46 = tpu.memref_squeeze %dma_wait3A_45 : memref<1x16xi32, #tpu.memory_space<vmem>> -> memref<16xi32, #tpu.memory_space<vmem>>
        %dma_wait3A_47 = arith.constant 0 : i32
        %dma_wait3A_48 = arith.constant 0 : i32
        %dma_wait3A_49 = tpu.memref_slice %arg7[%dma_wait3A_47, %dma_wait3A_48] : memref<80x128xf32, #tpu.memory_space<vmem_shared>> -> memref<80x128xf32, #tpu.memory_space<vmem_shared>>
        tpu.wait_indirect_dma semaphore(%run_scoped3A : memref<!tpu.dma_semaphore, #tpu.memory_space<semaphore_mem>>) src(%dma_wait3A_43 : memref<16x128xf32, #tpu.memory_space<vmem>>) dst(%dma_wait3A_49 : memref<80x128xf32, #tpu.memory_space<vmem_shared>>)
        tpu.yield
      }) : () -> ()
    }
    %scan3A_22 = arith.constant 5 : i32
    %barrier3A_23 = arith.constant 0 : index
    tpu.barrier barrier_id(%barrier3A_23)
    %eq3A_24 = arith.constant 0 : i32
    %eq3A_25 = arith.cmpi eq, %arg1, %eq3A_24 : i32
    %convert_element_type3A_26 = arith.extui %eq3A_25 : i1 to i32
    %cond3A_27 = arith.constant 0 : i32
    %cond3A_28 = arith.cmpi ne, %convert_element_type3A_26, %cond3A_27 : i32
    scf.if %cond3A_28 {
      "tpu.region"() ({
        %run_scoped3A = tpu.sem_alloc : memref<!tpu.dma_semaphore, #tpu.memory_space<semaphore_mem>>
        tpu.enqueue_dma source(%arg7 : memref<80x128xf32, #tpu.memory_space<vmem_shared>>) target(%arg5 : memref<80x128xf32, #tpu.memory_space<vmem>>) target_semaphore(%run_scoped3A : memref<!tpu.dma_semaphore, #tpu.memory_space<semaphore_mem>>)
        tpu.wait_dma2 semaphore(%run_scoped3A : memref<!tpu.dma_semaphore, #tpu.memory_space<semaphore_mem>>) src(%arg7 : memref<80x128xf32, #tpu.memory_space<vmem_shared>>) dst(%arg5 : memref<80x128xf32, #tpu.memory_space<vmem>>)
        tpu.yield
      }) : () -> ()
      "tpu.region"() ({
        %run_scoped3A = tpu.sem_alloc : memref<!tpu.dma_semaphore, #tpu.memory_space<semaphore_mem>>
        %dma_start3A = arith.constant 0 : i32
        %dma_start3A_29 = arith.constant 0 : i32
        %dma_start3A_30 = tpu.memref_slice %arg3[%arg0, %dma_start3A, %dma_start3A_29] : memref<2x80x128xf32, #tpu.memory_space<hbm>> -> memref<1x80x128xf32, #tpu.memory_space<hbm>>
        %dma_start3A_31 = tpu.memref_squeeze %dma_start3A_30 : memref<1x80x128xf32, #tpu.memory_space<hbm>> -> memref<80x128xf32, #tpu.memory_space<hbm>>
        %dma_start3A_32 = arith.constant 0 : i32
        %dma_start3A_33 = arith.constant 0 : i32
        %dma_start3A_34 = tpu.memref_slice %arg3[%arg0, %dma_start3A_32, %dma_start3A_33] : memref<2x80x128xf32, #tpu.memory_space<hbm>> -> memref<1x80x128xf32, #tpu.memory_space<hbm>>
        %dma_start3A_35 = tpu.memref_squeeze %dma_start3A_34 : memref<1x80x128xf32, #tpu.memory_space<hbm>> -> memref<80x128xf32, #tpu.memory_space<hbm>>
        tpu.enqueue_dma source(%arg5 : memref<80x128xf32, #tpu.memory_space<vmem>>) target(%dma_start3A_35 : memref<80x128xf32, #tpu.memory_space<hbm>>) target_semaphore(%run_scoped3A : memref<!tpu.dma_semaphore, #tpu.memory_space<semaphore_mem>>)
        %dma_wait3A = arith.constant 0 : i32
        %dma_wait3A_36 = arith.constant 0 : i32
        %dma_wait3A_37 = tpu.memref_slice %arg3[%arg0, %dma_wait3A, %dma_wait3A_36] : memref<2x80x128xf32, #tpu.memory_space<hbm>> -> memref<1x80x128xf32, #tpu.memory_space<hbm>>
        %dma_wait3A_38 = tpu.memref_squeeze %dma_wait3A_37 : memref<1x80x128xf32, #tpu.memory_space<hbm>> -> memref<80x128xf32, #tpu.memory_space<hbm>>
        %dma_wait3A_39 = arith.constant 0 : i32
        %dma_wait3A_40 = arith.constant 0 : i32
        %dma_wait3A_41 = tpu.memref_slice %arg3[%arg0, %dma_wait3A_39, %dma_wait3A_40] : memref<2x80x128xf32, #tpu.memory_space<hbm>> -> memref<1x80x128xf32, #tpu.memory_space<hbm>>
        %dma_wait3A_42 = tpu.memref_squeeze %dma_wait3A_41 : memref<1x80x128xf32, #tpu.memory_space<hbm>> -> memref<80x128xf32, #tpu.memory_space<hbm>>
        tpu.wait_dma2 semaphore(%run_scoped3A : memref<!tpu.dma_semaphore, #tpu.memory_space<semaphore_mem>>) src(%arg5 : memref<80x128xf32, #tpu.memory_space<vmem>>) dst(%dma_wait3A_42 : memref<80x128xf32, #tpu.memory_space<hbm>>)
        tpu.yield
      }) : () -> ()
    } else {
    }
    return
  }
}

#map = affine_map<(d0, d1) -> (0, 0)>
#map1 = affine_map<(d0, d1) -> (0, 0, 0, 0)>
#map2 = affine_map<(d0, d1) -> (0, 0, 0)>
module attributes {stable_mosaic.version = 14 : i64} {
  func.func @_msg_body(%arg0: i32, %arg1: i32, %arg2: memref<10240x128xf32, #tpu.memory_space<hbm>>, %arg3: memref<32x2x42x128xi32, #tpu.memory_space<hbm>>, %arg4: memref<32x2x42x128xi32, #tpu.memory_space<hbm>>, %arg5: memref<2x10000x128xf32, #tpu.memory_space<hbm>>, %arg6: memref<42x128xi32, #tpu.memory_space<vmem>>, %arg7: memref<42x128xi32, #tpu.memory_space<vmem>>, %arg8: memref<128x128xf32, #tpu.memory_space<vmem>>, %arg9: memref<128x128xf32, #tpu.memory_space<vmem>>, %arg10: memref<10000x128xf32, #tpu.memory_space<vmem_shared>>, %arg11: memref<!tpu.dma_semaphore, #tpu.memory_space<semaphore_mem>>, %arg12: memref<!tpu.dma_semaphore, #tpu.memory_space<semaphore_mem>>) attributes {dimension_semantics = [#tpu.dimension_semantics<core_parallel>, #tpu.dimension_semantics<subcore_parallel>], iteration_bounds = array<i64: 2, 16>, scalar_prefetch = 0 : i64, scratch_operands = 7 : i64, tpu.core_type = #tpu.core_type<sc_vector_subcore>, window_params = [{transform_indices = #map}, {transform_indices = #map1}, {transform_indices = #map1}, {transform_indices = #map2}]} {
    %mul3A = arith.constant 16 : i32
    %mul3A_0 = arith.muli %arg0, %mul3A : i32
    %add3A = arith.addi %mul3A_0, %arg1 : i32
    %scan3A = arith.constant 0 : i32
    %scan3A_1 = arith.constant 128 : i32
    %scan3A_2 = arith.addi %scan3A, %scan3A_1 : i32
    %scan3A_3 = arith.constant 1 : i32
    scf.for %scan3A_18 = %scan3A to %scan3A_2 step %scan3A_3  : i32 {
      %mul3A_19 = arith.constant 1 : i32
      %mul3A_20 = arith.muli %scan3A_18, %mul3A_19 : i32
      %add3A_21 = arith.constant 0 : i32
      %add3A_22 = arith.addi %add3A_21, %mul3A_20 : i32
      %scan3A_23 = arith.constant 0 : i32
      %scan3A_24 = arith.constant 8 : i32
      %scan3A_25 = arith.addi %scan3A_23, %scan3A_24 : i32
      %scan3A_26 = arith.constant 1 : i32
      scf.for %scan3A_28 = %scan3A_23 to %scan3A_25 step %scan3A_26  : i32 {
        %mul3A_29 = arith.constant 1 : i32
        %mul3A_30 = arith.muli %scan3A_28, %mul3A_29 : i32
        %add3A_31 = arith.constant 0 : i32
        %add3A_32 = arith.addi %add3A_31, %mul3A_30 : i32
        %broadcast_in_dim3A = arith.constant 0.000000e+00 : f32
        %broadcast_in_dim3A_33 = vector.broadcast %broadcast_in_dim3A : f32 to vector<16xf32>
        %mul3A_34 = arith.constant 16 : i32
        %mul3A_35 = arith.muli %add3A_32, %mul3A_34 : i32
        %swap3A = arith.index_cast %add3A_22 : i32 to index
        %swap3A_36 = arith.index_cast %mul3A_35 : i32 to index
        %swap3A_37 = tpu.vector_load %arg8[%swap3A, %swap3A_36] {strides = array<i32>} : memref<128x128xf32, #tpu.memory_space<vmem>>, vector<1x16xf32>,
        %swap3A_38 = vector.shape_cast %swap3A_37 : vector<1x16xf32> to vector<16xf32>
        %swap3A_39 = vector.shape_cast %broadcast_in_dim3A_33 : vector<16xf32> to vector<1x16xf32>
        tpu.vector_store %arg8[%swap3A, %swap3A_36], %swap3A_39 {strides = array<i32>} : memref<128x128xf32, #tpu.memory_space<vmem>>, vector<1x16xf32>,
      }
      %scan3A_27 = arith.constant 8 : i32
    }
    %scan3A_4 = arith.constant 128 : i32
    %lt3A = arith.constant 10 : i32
    %lt3A_5 = arith.cmpi slt, %arg1, %lt3A : i32
    %convert_element_type3A = arith.extui %lt3A_5 : i1 to i32
    %cond3A = arith.constant 0 : i32
    %cond3A_6 = arith.cmpi ne, %convert_element_type3A, %cond3A : i32
    scf.if %cond3A_6 {
      %mul3A_18 = arith.constant 1000 : i32
      %mul3A_19 = arith.muli %arg1, %mul3A_18 : i32
      %add3A_20 = arith.constant 0 : i32
      %add3A_21 = arith.addi %mul3A_19, %add3A_20 : i32
      "tpu.region"() ({
        %run_scoped3A = tpu.sem_alloc : memref<!tpu.dma_semaphore, #tpu.memory_space<semaphore_mem>>
        %dma_start3A = arith.constant 0 : i32
        %dma_start3A_50 = arith.constant 0 : i32
        %dma_start3A_51 = tpu.memref_slice %arg8[%dma_start3A, %dma_start3A_50] : memref<128x128xf32, #tpu.memory_space<vmem>> -> memref<128x128xf32, #tpu.memory_space<vmem>>
        %dma_start3A_52 = arith.constant 0 : i32
        %dma_start3A_53 = tpu.memref_slice %arg10[%add3A_21, %dma_start3A_52] : memref<10000x128xf32, #tpu.memory_space<vmem_shared>> -> memref<128x128xf32, #tpu.memory_space<vmem_shared>>
        %dma_start3A_54 = arith.constant 0 : i32
        %dma_start3A_55 = tpu.memref_slice %arg10[%add3A_21, %dma_start3A_54] : memref<10000x128xf32, #tpu.memory_space<vmem_shared>> -> memref<128x128xf32, #tpu.memory_space<vmem_shared>>
        %dma_start3A_56 = arith.constant 0 : i32
        %dma_start3A_57 = arith.constant 0 : i32
        %dma_start3A_58 = tpu.memref_slice %arg8[%dma_start3A_56, %dma_start3A_57] : memref<128x128xf32, #tpu.memory_space<vmem>> -> memref<128x128xf32, #tpu.memory_space<vmem>>
        tpu.enqueue_dma source(%dma_start3A_58 : memref<128x128xf32, #tpu.memory_space<vmem>>) target(%dma_start3A_55 : memref<128x128xf32, #tpu.memory_space<vmem_shared>>) target_semaphore(%run_scoped3A : memref<!tpu.dma_semaphore, #tpu.memory_space<semaphore_mem>>)
        %dma_wait3A = arith.constant 0 : i32
        %dma_wait3A_59 = arith.constant 0 : i32
        %dma_wait3A_60 = tpu.memref_slice %arg8[%dma_wait3A, %dma_wait3A_59] : memref<128x128xf32, #tpu.memory_space<vmem>> -> memref<128x128xf32, #tpu.memory_space<vmem>>
        %dma_wait3A_61 = arith.constant 0 : i32
        %dma_wait3A_62 = tpu.memref_slice %arg10[%add3A_21, %dma_wait3A_61] : memref<10000x128xf32, #tpu.memory_space<vmem_shared>> -> memref<128x128xf32, #tpu.memory_space<vmem_shared>>
        %dma_wait3A_63 = arith.constant 0 : i32
        %dma_wait3A_64 = tpu.memref_slice %arg10[%add3A_21, %dma_wait3A_63] : memref<10000x128xf32, #tpu.memory_space<vmem_shared>> -> memref<128x128xf32, #tpu.memory_space<vmem_shared>>
        %dma_wait3A_65 = arith.constant 0 : i32
        %dma_wait3A_66 = arith.constant 0 : i32
        %dma_wait3A_67 = tpu.memref_slice %arg8[%dma_wait3A_65, %dma_wait3A_66] : memref<128x128xf32, #tpu.memory_space<vmem>> -> memref<128x128xf32, #tpu.memory_space<vmem>>
        tpu.wait_dma2 semaphore(%run_scoped3A : memref<!tpu.dma_semaphore, #tpu.memory_space<semaphore_mem>>) src(%dma_wait3A_67 : memref<128x128xf32, #tpu.memory_space<vmem>>) dst(%dma_wait3A_64 : memref<128x128xf32, #tpu.memory_space<vmem_shared>>)
        tpu.yield
      }) : () -> ()
      %mul3A_22 = arith.constant 1000 : i32
      %mul3A_23 = arith.muli %arg1, %mul3A_22 : i32
      %add3A_24 = arith.constant 128 : i32
      %add3A_25 = arith.addi %mul3A_23, %add3A_24 : i32
      "tpu.region"() ({
        %run_scoped3A = tpu.sem_alloc : memref<!tpu.dma_semaphore, #tpu.memory_space<semaphore_mem>>
        %dma_start3A = arith.constant 0 : i32
        %dma_start3A_50 = arith.constant 0 : i32
        %dma_start3A_51 = tpu.memref_slice %arg8[%dma_start3A, %dma_start3A_50] : memref<128x128xf32, #tpu.memory_space<vmem>> -> memref<128x128xf32, #tpu.memory_space<vmem>>
        %dma_start3A_52 = arith.constant 0 : i32
        %dma_start3A_53 = tpu.memref_slice %arg10[%add3A_25, %dma_start3A_52] : memref<10000x128xf32, #tpu.memory_space<vmem_shared>> -> memref<128x128xf32, #tpu.memory_space<vmem_shared>>
        %dma_start3A_54 = arith.constant 0 : i32
        %dma_start3A_55 = tpu.memref_slice %arg10[%add3A_25, %dma_start3A_54] : memref<10000x128xf32, #tpu.memory_space<vmem_shared>> -> memref<128x128xf32, #tpu.memory_space<vmem_shared>>
        %dma_start3A_56 = arith.constant 0 : i32
        %dma_start3A_57 = arith.constant 0 : i32
        %dma_start3A_58 = tpu.memref_slice %arg8[%dma_start3A_56, %dma_start3A_57] : memref<128x128xf32, #tpu.memory_space<vmem>> -> memref<128x128xf32, #tpu.memory_space<vmem>>
        tpu.enqueue_dma source(%dma_start3A_58 : memref<128x128xf32, #tpu.memory_space<vmem>>) target(%dma_start3A_55 : memref<128x128xf32, #tpu.memory_space<vmem_shared>>) target_semaphore(%run_scoped3A : memref<!tpu.dma_semaphore, #tpu.memory_space<semaphore_mem>>)
        %dma_wait3A = arith.constant 0 : i32
        %dma_wait3A_59 = arith.constant 0 : i32
        %dma_wait3A_60 = tpu.memref_slice %arg8[%dma_wait3A, %dma_wait3A_59] : memref<128x128xf32, #tpu.memory_space<vmem>> -> memref<128x128xf32, #tpu.memory_space<vmem>>
        %dma_wait3A_61 = arith.constant 0 : i32
        %dma_wait3A_62 = tpu.memref_slice %arg10[%add3A_25, %dma_wait3A_61] : memref<10000x128xf32, #tpu.memory_space<vmem_shared>> -> memref<128x128xf32, #tpu.memory_space<vmem_shared>>
        %dma_wait3A_63 = arith.constant 0 : i32
        %dma_wait3A_64 = tpu.memref_slice %arg10[%add3A_25, %dma_wait3A_63] : memref<10000x128xf32, #tpu.memory_space<vmem_shared>> -> memref<128x128xf32, #tpu.memory_space<vmem_shared>>
        %dma_wait3A_65 = arith.constant 0 : i32
        %dma_wait3A_66 = arith.constant 0 : i32
        %dma_wait3A_67 = tpu.memref_slice %arg8[%dma_wait3A_65, %dma_wait3A_66] : memref<128x128xf32, #tpu.memory_space<vmem>> -> memref<128x128xf32, #tpu.memory_space<vmem>>
        tpu.wait_dma2 semaphore(%run_scoped3A : memref<!tpu.dma_semaphore, #tpu.memory_space<semaphore_mem>>) src(%dma_wait3A_67 : memref<128x128xf32, #tpu.memory_space<vmem>>) dst(%dma_wait3A_64 : memref<128x128xf32, #tpu.memory_space<vmem_shared>>)
        tpu.yield
      }) : () -> ()
      %mul3A_26 = arith.constant 1000 : i32
      %mul3A_27 = arith.muli %arg1, %mul3A_26 : i32
      %add3A_28 = arith.constant 256 : i32
      %add3A_29 = arith.addi %mul3A_27, %add3A_28 : i32
      "tpu.region"() ({
        %run_scoped3A = tpu.sem_alloc : memref<!tpu.dma_semaphore, #tpu.memory_space<semaphore_mem>>
        %dma_start3A = arith.constant 0 : i32
        %dma_start3A_50 = arith.constant 0 : i32
        %dma_start3A_51 = tpu.memref_slice %arg8[%dma_start3A, %dma_start3A_50] : memref<128x128xf32, #tpu.memory_space<vmem>> -> memref<128x128xf32, #tpu.memory_space<vmem>>
        %dma_start3A_52 = arith.constant 0 : i32
        %dma_start3A_53 = tpu.memref_slice %arg10[%add3A_29, %dma_start3A_52] : memref<10000x128xf32, #tpu.memory_space<vmem_shared>> -> memref<128x128xf32, #tpu.memory_space<vmem_shared>>
        %dma_start3A_54 = arith.constant 0 : i32
        %dma_start3A_55 = tpu.memref_slice %arg10[%add3A_29, %dma_start3A_54] : memref<10000x128xf32, #tpu.memory_space<vmem_shared>> -> memref<128x128xf32, #tpu.memory_space<vmem_shared>>
        %dma_start3A_56 = arith.constant 0 : i32
        %dma_start3A_57 = arith.constant 0 : i32
        %dma_start3A_58 = tpu.memref_slice %arg8[%dma_start3A_56, %dma_start3A_57] : memref<128x128xf32, #tpu.memory_space<vmem>> -> memref<128x128xf32, #tpu.memory_space<vmem>>
        tpu.enqueue_dma source(%dma_start3A_58 : memref<128x128xf32, #tpu.memory_space<vmem>>) target(%dma_start3A_55 : memref<128x128xf32, #tpu.memory_space<vmem_shared>>) target_semaphore(%run_scoped3A : memref<!tpu.dma_semaphore, #tpu.memory_space<semaphore_mem>>)
        %dma_wait3A = arith.constant 0 : i32
        %dma_wait3A_59 = arith.constant 0 : i32
        %dma_wait3A_60 = tpu.memref_slice %arg8[%dma_wait3A, %dma_wait3A_59] : memref<128x128xf32, #tpu.memory_space<vmem>> -> memref<128x128xf32, #tpu.memory_space<vmem>>
        %dma_wait3A_61 = arith.constant 0 : i32
        %dma_wait3A_62 = tpu.memref_slice %arg10[%add3A_29, %dma_wait3A_61] : memref<10000x128xf32, #tpu.memory_space<vmem_shared>> -> memref<128x128xf32, #tpu.memory_space<vmem_shared>>
        %dma_wait3A_63 = arith.constant 0 : i32
        %dma_wait3A_64 = tpu.memref_slice %arg10[%add3A_29, %dma_wait3A_63] : memref<10000x128xf32, #tpu.memory_space<vmem_shared>> -> memref<128x128xf32, #tpu.memory_space<vmem_shared>>
        %dma_wait3A_65 = arith.constant 0 : i32
        %dma_wait3A_66 = arith.constant 0 : i32
        %dma_wait3A_67 = tpu.memref_slice %arg8[%dma_wait3A_65, %dma_wait3A_66] : memref<128x128xf32, #tpu.memory_space<vmem>> -> memref<128x128xf32, #tpu.memory_space<vmem>>
        tpu.wait_dma2 semaphore(%run_scoped3A : memref<!tpu.dma_semaphore, #tpu.memory_space<semaphore_mem>>) src(%dma_wait3A_67 : memref<128x128xf32, #tpu.memory_space<vmem>>) dst(%dma_wait3A_64 : memref<128x128xf32, #tpu.memory_space<vmem_shared>>)
        tpu.yield
      }) : () -> ()
      %mul3A_30 = arith.constant 1000 : i32
      %mul3A_31 = arith.muli %arg1, %mul3A_30 : i32
      %add3A_32 = arith.constant 384 : i32
      %add3A_33 = arith.addi %mul3A_31, %add3A_32 : i32
      "tpu.region"() ({
        %run_scoped3A = tpu.sem_alloc : memref<!tpu.dma_semaphore, #tpu.memory_space<semaphore_mem>>
        %dma_start3A = arith.constant 0 : i32
        %dma_start3A_50 = arith.constant 0 : i32
        %dma_start3A_51 = tpu.memref_slice %arg8[%dma_start3A, %dma_start3A_50] : memref<128x128xf32, #tpu.memory_space<vmem>> -> memref<128x128xf32, #tpu.memory_space<vmem>>
        %dma_start3A_52 = arith.constant 0 : i32
        %dma_start3A_53 = tpu.memref_slice %arg10[%add3A_33, %dma_start3A_52] : memref<10000x128xf32, #tpu.memory_space<vmem_shared>> -> memref<128x128xf32, #tpu.memory_space<vmem_shared>>
        %dma_start3A_54 = arith.constant 0 : i32
        %dma_start3A_55 = tpu.memref_slice %arg10[%add3A_33, %dma_start3A_54] : memref<10000x128xf32, #tpu.memory_space<vmem_shared>> -> memref<128x128xf32, #tpu.memory_space<vmem_shared>>
        %dma_start3A_56 = arith.constant 0 : i32
        %dma_start3A_57 = arith.constant 0 : i32
        %dma_start3A_58 = tpu.memref_slice %arg8[%dma_start3A_56, %dma_start3A_57] : memref<128x128xf32, #tpu.memory_space<vmem>> -> memref<128x128xf32, #tpu.memory_space<vmem>>
        tpu.enqueue_dma source(%dma_start3A_58 : memref<128x128xf32, #tpu.memory_space<vmem>>) target(%dma_start3A_55 : memref<128x128xf32, #tpu.memory_space<vmem_shared>>) target_semaphore(%run_scoped3A : memref<!tpu.dma_semaphore, #tpu.memory_space<semaphore_mem>>)
        %dma_wait3A = arith.constant 0 : i32
        %dma_wait3A_59 = arith.constant 0 : i32
        %dma_wait3A_60 = tpu.memref_slice %arg8[%dma_wait3A, %dma_wait3A_59] : memref<128x128xf32, #tpu.memory_space<vmem>> -> memref<128x128xf32, #tpu.memory_space<vmem>>
        %dma_wait3A_61 = arith.constant 0 : i32
        %dma_wait3A_62 = tpu.memref_slice %arg10[%add3A_33, %dma_wait3A_61] : memref<10000x128xf32, #tpu.memory_space<vmem_shared>> -> memref<128x128xf32, #tpu.memory_space<vmem_shared>>
        %dma_wait3A_63 = arith.constant 0 : i32
        %dma_wait3A_64 = tpu.memref_slice %arg10[%add3A_33, %dma_wait3A_63] : memref<10000x128xf32, #tpu.memory_space<vmem_shared>> -> memref<128x128xf32, #tpu.memory_space<vmem_shared>>
        %dma_wait3A_65 = arith.constant 0 : i32
        %dma_wait3A_66 = arith.constant 0 : i32
        %dma_wait3A_67 = tpu.memref_slice %arg8[%dma_wait3A_65, %dma_wait3A_66] : memref<128x128xf32, #tpu.memory_space<vmem>> -> memref<128x128xf32, #tpu.memory_space<vmem>>
        tpu.wait_dma2 semaphore(%run_scoped3A : memref<!tpu.dma_semaphore, #tpu.memory_space<semaphore_mem>>) src(%dma_wait3A_67 : memref<128x128xf32, #tpu.memory_space<vmem>>) dst(%dma_wait3A_64 : memref<128x128xf32, #tpu.memory_space<vmem_shared>>)
        tpu.yield
      }) : () -> ()
      %mul3A_34 = arith.constant 1000 : i32
      %mul3A_35 = arith.muli %arg1, %mul3A_34 : i32
      %add3A_36 = arith.constant 512 : i32
      %add3A_37 = arith.addi %mul3A_35, %add3A_36 : i32
      "tpu.region"() ({
        %run_scoped3A = tpu.sem_alloc : memref<!tpu.dma_semaphore, #tpu.memory_space<semaphore_mem>>
        %dma_start3A = arith.constant 0 : i32
        %dma_start3A_50 = arith.constant 0 : i32
        %dma_start3A_51 = tpu.memref_slice %arg8[%dma_start3A, %dma_start3A_50] : memref<128x128xf32, #tpu.memory_space<vmem>> -> memref<128x128xf32, #tpu.memory_space<vmem>>
        %dma_start3A_52 = arith.constant 0 : i32
        %dma_start3A_53 = tpu.memref_slice %arg10[%add3A_37, %dma_start3A_52] : memref<10000x128xf32, #tpu.memory_space<vmem_shared>> -> memref<128x128xf32, #tpu.memory_space<vmem_shared>>
        %dma_start3A_54 = arith.constant 0 : i32
        %dma_start3A_55 = tpu.memref_slice %arg10[%add3A_37, %dma_start3A_54] : memref<10000x128xf32, #tpu.memory_space<vmem_shared>> -> memref<128x128xf32, #tpu.memory_space<vmem_shared>>
        %dma_start3A_56 = arith.constant 0 : i32
        %dma_start3A_57 = arith.constant 0 : i32
        %dma_start3A_58 = tpu.memref_slice %arg8[%dma_start3A_56, %dma_start3A_57] : memref<128x128xf32, #tpu.memory_space<vmem>> -> memref<128x128xf32, #tpu.memory_space<vmem>>
        tpu.enqueue_dma source(%dma_start3A_58 : memref<128x128xf32, #tpu.memory_space<vmem>>) target(%dma_start3A_55 : memref<128x128xf32, #tpu.memory_space<vmem_shared>>) target_semaphore(%run_scoped3A : memref<!tpu.dma_semaphore, #tpu.memory_space<semaphore_mem>>)
        %dma_wait3A = arith.constant 0 : i32
        %dma_wait3A_59 = arith.constant 0 : i32
        %dma_wait3A_60 = tpu.memref_slice %arg8[%dma_wait3A, %dma_wait3A_59] : memref<128x128xf32, #tpu.memory_space<vmem>> -> memref<128x128xf32, #tpu.memory_space<vmem>>
        %dma_wait3A_61 = arith.constant 0 : i32
        %dma_wait3A_62 = tpu.memref_slice %arg10[%add3A_37, %dma_wait3A_61] : memref<10000x128xf32, #tpu.memory_space<vmem_shared>> -> memref<128x128xf32, #tpu.memory_space<vmem_shared>>
        %dma_wait3A_63 = arith.constant 0 : i32
        %dma_wait3A_64 = tpu.memref_slice %arg10[%add3A_37, %dma_wait3A_63] : memref<10000x128xf32, #tpu.memory_space<vmem_shared>> -> memref<128x128xf32, #tpu.memory_space<vmem_shared>>
        %dma_wait3A_65 = arith.constant 0 : i32
        %dma_wait3A_66 = arith.constant 0 : i32
        %dma_wait3A_67 = tpu.memref_slice %arg8[%dma_wait3A_65, %dma_wait3A_66] : memref<128x128xf32, #tpu.memory_space<vmem>> -> memref<128x128xf32, #tpu.memory_space<vmem>>
        tpu.wait_dma2 semaphore(%run_scoped3A : memref<!tpu.dma_semaphore, #tpu.memory_space<semaphore_mem>>) src(%dma_wait3A_67 : memref<128x128xf32, #tpu.memory_space<vmem>>) dst(%dma_wait3A_64 : memref<128x128xf32, #tpu.memory_space<vmem_shared>>)
        tpu.yield
      }) : () -> ()
      %mul3A_38 = arith.constant 1000 : i32
      %mul3A_39 = arith.muli %arg1, %mul3A_38 : i32
      %add3A_40 = arith.constant 640 : i32
      %add3A_41 = arith.addi %mul3A_39, %add3A_40 : i32
      "tpu.region"() ({
        %run_scoped3A = tpu.sem_alloc : memref<!tpu.dma_semaphore, #tpu.memory_space<semaphore_mem>>
        %dma_start3A = arith.constant 0 : i32
        %dma_start3A_50 = arith.constant 0 : i32
        %dma_start3A_51 = tpu.memref_slice %arg8[%dma_start3A, %dma_start3A_50] : memref<128x128xf32, #tpu.memory_space<vmem>> -> memref<128x128xf32, #tpu.memory_space<vmem>>
        %dma_start3A_52 = arith.constant 0 : i32
        %dma_start3A_53 = tpu.memref_slice %arg10[%add3A_41, %dma_start3A_52] : memref<10000x128xf32, #tpu.memory_space<vmem_shared>> -> memref<128x128xf32, #tpu.memory_space<vmem_shared>>
        %dma_start3A_54 = arith.constant 0 : i32
        %dma_start3A_55 = tpu.memref_slice %arg10[%add3A_41, %dma_start3A_54] : memref<10000x128xf32, #tpu.memory_space<vmem_shared>> -> memref<128x128xf32, #tpu.memory_space<vmem_shared>>
        %dma_start3A_56 = arith.constant 0 : i32
        %dma_start3A_57 = arith.constant 0 : i32
        %dma_start3A_58 = tpu.memref_slice %arg8[%dma_start3A_56, %dma_start3A_57] : memref<128x128xf32, #tpu.memory_space<vmem>> -> memref<128x128xf32, #tpu.memory_space<vmem>>
        tpu.enqueue_dma source(%dma_start3A_58 : memref<128x128xf32, #tpu.memory_space<vmem>>) target(%dma_start3A_55 : memref<128x128xf32, #tpu.memory_space<vmem_shared>>) target_semaphore(%run_scoped3A : memref<!tpu.dma_semaphore, #tpu.memory_space<semaphore_mem>>)
        %dma_wait3A = arith.constant 0 : i32
        %dma_wait3A_59 = arith.constant 0 : i32
        %dma_wait3A_60 = tpu.memref_slice %arg8[%dma_wait3A, %dma_wait3A_59] : memref<128x128xf32, #tpu.memory_space<vmem>> -> memref<128x128xf32, #tpu.memory_space<vmem>>
        %dma_wait3A_61 = arith.constant 0 : i32
        %dma_wait3A_62 = tpu.memref_slice %arg10[%add3A_41, %dma_wait3A_61] : memref<10000x128xf32, #tpu.memory_space<vmem_shared>> -> memref<128x128xf32, #tpu.memory_space<vmem_shared>>
        %dma_wait3A_63 = arith.constant 0 : i32
        %dma_wait3A_64 = tpu.memref_slice %arg10[%add3A_41, %dma_wait3A_63] : memref<10000x128xf32, #tpu.memory_space<vmem_shared>> -> memref<128x128xf32, #tpu.memory_space<vmem_shared>>
        %dma_wait3A_65 = arith.constant 0 : i32
        %dma_wait3A_66 = arith.constant 0 : i32
        %dma_wait3A_67 = tpu.memref_slice %arg8[%dma_wait3A_65, %dma_wait3A_66] : memref<128x128xf32, #tpu.memory_space<vmem>> -> memref<128x128xf32, #tpu.memory_space<vmem>>
        tpu.wait_dma2 semaphore(%run_scoped3A : memref<!tpu.dma_semaphore, #tpu.memory_space<semaphore_mem>>) src(%dma_wait3A_67 : memref<128x128xf32, #tpu.memory_space<vmem>>) dst(%dma_wait3A_64 : memref<128x128xf32, #tpu.memory_space<vmem_shared>>)
        tpu.yield
      }) : () -> ()
      %mul3A_42 = arith.constant 1000 : i32
      %mul3A_43 = arith.muli %arg1, %mul3A_42 : i32
      %add3A_44 = arith.constant 768 : i32
      %add3A_45 = arith.addi %mul3A_43, %add3A_44 : i32
      "tpu.region"() ({
        %run_scoped3A = tpu.sem_alloc : memref<!tpu.dma_semaphore, #tpu.memory_space<semaphore_mem>>
        %dma_start3A = arith.constant 0 : i32
        %dma_start3A_50 = arith.constant 0 : i32
        %dma_start3A_51 = tpu.memref_slice %arg8[%dma_start3A, %dma_start3A_50] : memref<128x128xf32, #tpu.memory_space<vmem>> -> memref<128x128xf32, #tpu.memory_space<vmem>>
        %dma_start3A_52 = arith.constant 0 : i32
        %dma_start3A_53 = tpu.memref_slice %arg10[%add3A_45, %dma_start3A_52] : memref<10000x128xf32, #tpu.memory_space<vmem_shared>> -> memref<128x128xf32, #tpu.memory_space<vmem_shared>>
        %dma_start3A_54 = arith.constant 0 : i32
        %dma_start3A_55 = tpu.memref_slice %arg10[%add3A_45, %dma_start3A_54] : memref<10000x128xf32, #tpu.memory_space<vmem_shared>> -> memref<128x128xf32, #tpu.memory_space<vmem_shared>>
        %dma_start3A_56 = arith.constant 0 : i32
        %dma_start3A_57 = arith.constant 0 : i32
        %dma_start3A_58 = tpu.memref_slice %arg8[%dma_start3A_56, %dma_start3A_57] : memref<128x128xf32, #tpu.memory_space<vmem>> -> memref<128x128xf32, #tpu.memory_space<vmem>>
        tpu.enqueue_dma source(%dma_start3A_58 : memref<128x128xf32, #tpu.memory_space<vmem>>) target(%dma_start3A_55 : memref<128x128xf32, #tpu.memory_space<vmem_shared>>) target_semaphore(%run_scoped3A : memref<!tpu.dma_semaphore, #tpu.memory_space<semaphore_mem>>)
        %dma_wait3A = arith.constant 0 : i32
        %dma_wait3A_59 = arith.constant 0 : i32
        %dma_wait3A_60 = tpu.memref_slice %arg8[%dma_wait3A, %dma_wait3A_59] : memref<128x128xf32, #tpu.memory_space<vmem>> -> memref<128x128xf32, #tpu.memory_space<vmem>>
        %dma_wait3A_61 = arith.constant 0 : i32
        %dma_wait3A_62 = tpu.memref_slice %arg10[%add3A_45, %dma_wait3A_61] : memref<10000x128xf32, #tpu.memory_space<vmem_shared>> -> memref<128x128xf32, #tpu.memory_space<vmem_shared>>
        %dma_wait3A_63 = arith.constant 0 : i32
        %dma_wait3A_64 = tpu.memref_slice %arg10[%add3A_45, %dma_wait3A_63] : memref<10000x128xf32, #tpu.memory_space<vmem_shared>> -> memref<128x128xf32, #tpu.memory_space<vmem_shared>>
        %dma_wait3A_65 = arith.constant 0 : i32
        %dma_wait3A_66 = arith.constant 0 : i32
        %dma_wait3A_67 = tpu.memref_slice %arg8[%dma_wait3A_65, %dma_wait3A_66] : memref<128x128xf32, #tpu.memory_space<vmem>> -> memref<128x128xf32, #tpu.memory_space<vmem>>
        tpu.wait_dma2 semaphore(%run_scoped3A : memref<!tpu.dma_semaphore, #tpu.memory_space<semaphore_mem>>) src(%dma_wait3A_67 : memref<128x128xf32, #tpu.memory_space<vmem>>) dst(%dma_wait3A_64 : memref<128x128xf32, #tpu.memory_space<vmem_shared>>)
        tpu.yield
      }) : () -> ()
      %mul3A_46 = arith.constant 1000 : i32
      %mul3A_47 = arith.muli %arg1, %mul3A_46 : i32
      %add3A_48 = arith.constant 896 : i32
      %add3A_49 = arith.addi %mul3A_47, %add3A_48 : i32
      "tpu.region"() ({
        %run_scoped3A = tpu.sem_alloc : memref<!tpu.dma_semaphore, #tpu.memory_space<semaphore_mem>>
        %dma_start3A = arith.constant 0 : i32
        %dma_start3A_50 = arith.constant 0 : i32
        %dma_start3A_51 = tpu.memref_slice %arg8[%dma_start3A, %dma_start3A_50] : memref<128x128xf32, #tpu.memory_space<vmem>> -> memref<104x128xf32, #tpu.memory_space<vmem>>
        %dma_start3A_52 = arith.constant 0 : i32
        %dma_start3A_53 = tpu.memref_slice %arg10[%add3A_49, %dma_start3A_52] : memref<10000x128xf32, #tpu.memory_space<vmem_shared>> -> memref<104x128xf32, #tpu.memory_space<vmem_shared>>
        %dma_start3A_54 = arith.constant 0 : i32
        %dma_start3A_55 = tpu.memref_slice %arg10[%add3A_49, %dma_start3A_54] : memref<10000x128xf32, #tpu.memory_space<vmem_shared>> -> memref<104x128xf32, #tpu.memory_space<vmem_shared>>
        %dma_start3A_56 = arith.constant 0 : i32
        %dma_start3A_57 = arith.constant 0 : i32
        %dma_start3A_58 = tpu.memref_slice %arg8[%dma_start3A_56, %dma_start3A_57] : memref<128x128xf32, #tpu.memory_space<vmem>> -> memref<104x128xf32, #tpu.memory_space<vmem>>
        tpu.enqueue_dma source(%dma_start3A_58 : memref<104x128xf32, #tpu.memory_space<vmem>>) target(%dma_start3A_55 : memref<104x128xf32, #tpu.memory_space<vmem_shared>>) target_semaphore(%run_scoped3A : memref<!tpu.dma_semaphore, #tpu.memory_space<semaphore_mem>>)
        %dma_wait3A = arith.constant 0 : i32
        %dma_wait3A_59 = arith.constant 0 : i32
        %dma_wait3A_60 = tpu.memref_slice %arg8[%dma_wait3A, %dma_wait3A_59] : memref<128x128xf32, #tpu.memory_space<vmem>> -> memref<104x128xf32, #tpu.memory_space<vmem>>
        %dma_wait3A_61 = arith.constant 0 : i32
        %dma_wait3A_62 = tpu.memref_slice %arg10[%add3A_49, %dma_wait3A_61] : memref<10000x128xf32, #tpu.memory_space<vmem_shared>> -> memref<104x128xf32, #tpu.memory_space<vmem_shared>>
        %dma_wait3A_63 = arith.constant 0 : i32
        %dma_wait3A_64 = tpu.memref_slice %arg10[%add3A_49, %dma_wait3A_63] : memref<10000x128xf32, #tpu.memory_space<vmem_shared>> -> memref<104x128xf32, #tpu.memory_space<vmem_shared>>
        %dma_wait3A_65 = arith.constant 0 : i32
        %dma_wait3A_66 = arith.constant 0 : i32
        %dma_wait3A_67 = tpu.memref_slice %arg8[%dma_wait3A_65, %dma_wait3A_66] : memref<128x128xf32, #tpu.memory_space<vmem>> -> memref<104x128xf32, #tpu.memory_space<vmem>>
        tpu.wait_dma2 semaphore(%run_scoped3A : memref<!tpu.dma_semaphore, #tpu.memory_space<semaphore_mem>>) src(%dma_wait3A_67 : memref<104x128xf32, #tpu.memory_space<vmem>>) dst(%dma_wait3A_64 : memref<104x128xf32, #tpu.memory_space<vmem_shared>>)
        tpu.yield
      }) : () -> ()
    } else {
    }
    %barrier3A = arith.constant 0 : index
    tpu.barrier barrier_id(%barrier3A)
    %scan3A_7 = arith.constant 0 : i32
    %scan3A_8 = arith.constant 2 : i32
    %scan3A_9 = arith.addi %scan3A_7, %scan3A_8 : i32
    %scan3A_10 = arith.constant 1 : i32
    scf.for %scan3A_18 = %scan3A_7 to %scan3A_9 step %scan3A_10  : i32 {
      %mul3A_19 = arith.constant 1 : i32
      %mul3A_20 = arith.muli %scan3A_18, %mul3A_19 : i32
      %add3A_21 = arith.constant 0 : i32
      %add3A_22 = arith.addi %add3A_21, %mul3A_20 : i32
      "tpu.region"() ({
        %run_scoped3A = tpu.sem_alloc : memref<!tpu.dma_semaphore, #tpu.memory_space<semaphore_mem>>
        %dma_start3A_34 = arith.constant 0 : i32
        %dma_start3A_35 = arith.constant 0 : i32
        %dma_start3A_36 = tpu.memref_slice %arg3[%add3A, %add3A_22, %dma_start3A_34, %dma_start3A_35] : memref<32x2x42x128xi32, #tpu.memory_space<hbm>> -> memref<1x1x42x128xi32, #tpu.memory_space<hbm>>
        %dma_start3A_37 = tpu.memref_squeeze %dma_start3A_36 : memref<1x1x42x128xi32, #tpu.memory_space<hbm>> -> memref<42x128xi32, #tpu.memory_space<hbm>>
        %dma_start3A_38 = arith.constant 0 : i32
        %dma_start3A_39 = arith.constant 0 : i32
        %dma_start3A_40 = tpu.memref_slice %arg3[%add3A, %add3A_22, %dma_start3A_38, %dma_start3A_39] : memref<32x2x42x128xi32, #tpu.memory_space<hbm>> -> memref<1x1x42x128xi32, #tpu.memory_space<hbm>>
        %dma_start3A_41 = tpu.memref_squeeze %dma_start3A_40 : memref<1x1x42x128xi32, #tpu.memory_space<hbm>> -> memref<42x128xi32, #tpu.memory_space<hbm>>
        tpu.enqueue_dma source(%dma_start3A_41 : memref<42x128xi32, #tpu.memory_space<hbm>>) target(%arg6 : memref<42x128xi32, #tpu.memory_space<vmem>>) target_semaphore(%run_scoped3A : memref<!tpu.dma_semaphore, #tpu.memory_space<semaphore_mem>>)
        %dma_wait3A = arith.constant 0 : i32
        %dma_wait3A_42 = arith.constant 0 : i32
        %dma_wait3A_43 = tpu.memref_slice %arg3[%add3A, %add3A_22, %dma_wait3A, %dma_wait3A_42] : memref<32x2x42x128xi32, #tpu.memory_space<hbm>> -> memref<1x1x42x128xi32, #tpu.memory_space<hbm>>
        %dma_wait3A_44 = tpu.memref_squeeze %dma_wait3A_43 : memref<1x1x42x128xi32, #tpu.memory_space<hbm>> -> memref<42x128xi32, #tpu.memory_space<hbm>>
        %dma_wait3A_45 = arith.constant 0 : i32
        %dma_wait3A_46 = arith.constant 0 : i32
        %dma_wait3A_47 = tpu.memref_slice %arg3[%add3A, %add3A_22, %dma_wait3A_45, %dma_wait3A_46] : memref<32x2x42x128xi32, #tpu.memory_space<hbm>> -> memref<1x1x42x128xi32, #tpu.memory_space<hbm>>
        %dma_wait3A_48 = tpu.memref_squeeze %dma_wait3A_47 : memref<1x1x42x128xi32, #tpu.memory_space<hbm>> -> memref<42x128xi32, #tpu.memory_space<hbm>>
        tpu.wait_dma2 semaphore(%run_scoped3A : memref<!tpu.dma_semaphore, #tpu.memory_space<semaphore_mem>>) src(%dma_wait3A_48 : memref<42x128xi32, #tpu.memory_space<hbm>>) dst(%arg6 : memref<42x128xi32, #tpu.memory_space<vmem>>)
        tpu.yield
      }) : () -> ()
      "tpu.region"() ({
        %run_scoped3A = tpu.sem_alloc : memref<!tpu.dma_semaphore, #tpu.memory_space<semaphore_mem>>
        %dma_start3A_34 = arith.constant 0 : i32
        %dma_start3A_35 = arith.constant 0 : i32
        %dma_start3A_36 = tpu.memref_slice %arg4[%add3A, %add3A_22, %dma_start3A_34, %dma_start3A_35] : memref<32x2x42x128xi32, #tpu.memory_space<hbm>> -> memref<1x1x42x128xi32, #tpu.memory_space<hbm>>
        %dma_start3A_37 = tpu.memref_squeeze %dma_start3A_36 : memref<1x1x42x128xi32, #tpu.memory_space<hbm>> -> memref<42x128xi32, #tpu.memory_space<hbm>>
        %dma_start3A_38 = arith.constant 0 : i32
        %dma_start3A_39 = arith.constant 0 : i32
        %dma_start3A_40 = tpu.memref_slice %arg4[%add3A, %add3A_22, %dma_start3A_38, %dma_start3A_39] : memref<32x2x42x128xi32, #tpu.memory_space<hbm>> -> memref<1x1x42x128xi32, #tpu.memory_space<hbm>>
        %dma_start3A_41 = tpu.memref_squeeze %dma_start3A_40 : memref<1x1x42x128xi32, #tpu.memory_space<hbm>> -> memref<42x128xi32, #tpu.memory_space<hbm>>
        tpu.enqueue_dma source(%dma_start3A_41 : memref<42x128xi32, #tpu.memory_space<hbm>>) target(%arg7 : memref<42x128xi32, #tpu.memory_space<vmem>>) target_semaphore(%run_scoped3A : memref<!tpu.dma_semaphore, #tpu.memory_space<semaphore_mem>>)
        %dma_wait3A = arith.constant 0 : i32
        %dma_wait3A_42 = arith.constant 0 : i32
        %dma_wait3A_43 = tpu.memref_slice %arg4[%add3A, %add3A_22, %dma_wait3A, %dma_wait3A_42] : memref<32x2x42x128xi32, #tpu.memory_space<hbm>> -> memref<1x1x42x128xi32, #tpu.memory_space<hbm>>
        %dma_wait3A_44 = tpu.memref_squeeze %dma_wait3A_43 : memref<1x1x42x128xi32, #tpu.memory_space<hbm>> -> memref<42x128xi32, #tpu.memory_space<hbm>>
        %dma_wait3A_45 = arith.constant 0 : i32
        %dma_wait3A_46 = arith.constant 0 : i32
        %dma_wait3A_47 = tpu.memref_slice %arg4[%add3A, %add3A_22, %dma_wait3A_45, %dma_wait3A_46] : memref<32x2x42x128xi32, #tpu.memory_space<hbm>> -> memref<1x1x42x128xi32, #tpu.memory_space<hbm>>
        %dma_wait3A_48 = tpu.memref_squeeze %dma_wait3A_47 : memref<1x1x42x128xi32, #tpu.memory_space<hbm>> -> memref<42x128xi32, #tpu.memory_space<hbm>>
        tpu.wait_dma2 semaphore(%run_scoped3A : memref<!tpu.dma_semaphore, #tpu.memory_space<semaphore_mem>>) src(%dma_wait3A_48 : memref<42x128xi32, #tpu.memory_space<hbm>>) dst(%arg7 : memref<42x128xi32, #tpu.memory_space<vmem>>)
        tpu.yield
      }) : () -> ()
      %dma_start3A = arith.constant 0 : i32
      %dma_start3A_23 = arith.constant 0 : i32
      %dma_start3A_24 = tpu.memref_slice %arg6[%dma_start3A, %dma_start3A_23] : memref<42x128xi32, #tpu.memory_space<vmem>> -> memref<1x128xi32, #tpu.memory_space<vmem>>
      %dma_start3A_25 = tpu.memref_squeeze %dma_start3A_24 : memref<1x128xi32, #tpu.memory_space<vmem>> -> memref<128xi32, #tpu.memory_space<vmem>>
      %dma_start3A_26 = arith.constant 0 : i32
      %dma_start3A_27 = arith.constant 0 : i32
      %dma_start3A_28 = tpu.memref_slice %arg2[%dma_start3A_26, %dma_start3A_27] : memref<10240x128xf32, #tpu.memory_space<hbm>> -> memref<10240x128xf32, #tpu.memory_space<hbm>>
      tpu.enqueue_indirect_dma source(%dma_start3A_28 : memref<10240x128xf32, #tpu.memory_space<hbm>>) target(%arg8 : memref<128x128xf32, #tpu.memory_space<vmem>>) offsets(%dma_start3A_25 : memref<128xi32, #tpu.memory_space<vmem>>) semaphore(%arg11 : memref<!tpu.dma_semaphore, #tpu.memory_space<semaphore_mem>>)
      %scan3A_29 = arith.constant 0 : i32
      %scan3A_30 = arith.constant 21 : i32
      %scan3A_31 = arith.addi %scan3A_29, %scan3A_30 : i32
      %scan3A_32 = arith.constant 1 : i32
      scf.for %scan3A_34 = %scan3A_29 to %scan3A_31 step %scan3A_32  : i32 {
        %mul3A_35 = arith.constant 1 : i32
        %mul3A_36 = arith.muli %scan3A_34, %mul3A_35 : i32
        %add3A_37 = arith.constant 0 : i32
        %add3A_38 = arith.addi %add3A_37, %mul3A_36 : i32
        %mul3A_39 = arith.constant 2 : i32
        %mul3A_40 = arith.muli %add3A_38, %mul3A_39 : i32
        %dma_wait3A = arith.constant 0 : i32
        %dma_wait3A_41 = tpu.memref_slice %arg6[%mul3A_40, %dma_wait3A] : memref<42x128xi32, #tpu.memory_space<vmem>> -> memref<1x128xi32, #tpu.memory_space<vmem>>
        %dma_wait3A_42 = tpu.memref_squeeze %dma_wait3A_41 : memref<1x128xi32, #tpu.memory_space<vmem>> -> memref<128xi32, #tpu.memory_space<vmem>>
        %dma_wait3A_43 = arith.constant 0 : i32
        %dma_wait3A_44 = arith.constant 0 : i32
        %dma_wait3A_45 = tpu.memref_slice %arg2[%dma_wait3A_43, %dma_wait3A_44] : memref<10240x128xf32, #tpu.memory_space<hbm>> -> memref<10240x128xf32, #tpu.memory_space<hbm>>
        tpu.wait_indirect_dma semaphore(%arg11 : memref<!tpu.dma_semaphore, #tpu.memory_space<semaphore_mem>>) src(%dma_wait3A_45 : memref<10240x128xf32, #tpu.memory_space<hbm>>) dst(%arg8 : memref<128x128xf32, #tpu.memory_space<vmem>>)
        %add3A_46 = arith.constant 1 : i32
        %add3A_47 = arith.addi %mul3A_40, %add3A_46 : i32
        %dma_start3A_48 = arith.constant 0 : i32
        %dma_start3A_49 = tpu.memref_slice %arg6[%add3A_47, %dma_start3A_48] : memref<42x128xi32, #tpu.memory_space<vmem>> -> memref<1x128xi32, #tpu.memory_space<vmem>>
        %dma_start3A_50 = tpu.memref_squeeze %dma_start3A_49 : memref<1x128xi32, #tpu.memory_space<vmem>> -> memref<128xi32, #tpu.memory_space<vmem>>
        %dma_start3A_51 = arith.constant 0 : i32
        %dma_start3A_52 = arith.constant 0 : i32
        %dma_start3A_53 = tpu.memref_slice %arg2[%dma_start3A_51, %dma_start3A_52] : memref<10240x128xf32, #tpu.memory_space<hbm>> -> memref<10240x128xf32, #tpu.memory_space<hbm>>
        tpu.enqueue_indirect_dma source(%dma_start3A_53 : memref<10240x128xf32, #tpu.memory_space<hbm>>) target(%arg9 : memref<128x128xf32, #tpu.memory_space<vmem>>) offsets(%dma_start3A_50 : memref<128xi32, #tpu.memory_space<vmem>>) semaphore(%arg12 : memref<!tpu.dma_semaphore, #tpu.memory_space<semaphore_mem>>)
        "tpu.region"() ({
          %run_scoped3A = tpu.sem_alloc : memref<!tpu.dma_semaphore, #tpu.memory_space<semaphore_mem>>
          %dma_start3A_71 = arith.constant 0 : i32
          %dma_start3A_72 = tpu.memref_slice %arg7[%mul3A_40, %dma_start3A_71] : memref<42x128xi32, #tpu.memory_space<vmem>> -> memref<1x128xi32, #tpu.memory_space<vmem>>
          %dma_start3A_73 = tpu.memref_squeeze %dma_start3A_72 : memref<1x128xi32, #tpu.memory_space<vmem>> -> memref<128xi32, #tpu.memory_space<vmem>>
          %dma_start3A_74 = arith.constant 0 : i32
          %dma_start3A_75 = arith.constant 0 : i32
          %dma_start3A_76 = tpu.memref_slice %arg10[%dma_start3A_74, %dma_start3A_75] : memref<10000x128xf32, #tpu.memory_space<vmem_shared>> -> memref<10000x128xf32, #tpu.memory_space<vmem_shared>>
          tpu.enqueue_indirect_dma source(%arg8 : memref<128x128xf32, #tpu.memory_space<vmem>>) target(%dma_start3A_76 : memref<10000x128xf32, #tpu.memory_space<vmem_shared>>) offsets(%dma_start3A_73 : memref<128xi32, #tpu.memory_space<vmem>>) semaphore(%run_scoped3A : memref<!tpu.dma_semaphore, #tpu.memory_space<semaphore_mem>>) {add = true}
          %dma_wait3A_77 = arith.constant 0 : i32
          %dma_wait3A_78 = tpu.memref_slice %arg7[%mul3A_40, %dma_wait3A_77] : memref<42x128xi32, #tpu.memory_space<vmem>> -> memref<1x128xi32, #tpu.memory_space<vmem>>
          %dma_wait3A_79 = tpu.memref_squeeze %dma_wait3A_78 : memref<1x128xi32, #tpu.memory_space<vmem>> -> memref<128xi32, #tpu.memory_space<vmem>>
          %dma_wait3A_80 = arith.constant 0 : i32
          %dma_wait3A_81 = arith.constant 0 : i32
          %dma_wait3A_82 = tpu.memref_slice %arg10[%dma_wait3A_80, %dma_wait3A_81] : memref<10000x128xf32, #tpu.memory_space<vmem_shared>> -> memref<10000x128xf32, #tpu.memory_space<vmem_shared>>
          tpu.wait_indirect_dma semaphore(%run_scoped3A : memref<!tpu.dma_semaphore, #tpu.memory_space<semaphore_mem>>) src(%arg8 : memref<128x128xf32, #tpu.memory_space<vmem>>) dst(%dma_wait3A_82 : memref<10000x128xf32, #tpu.memory_space<vmem_shared>>)
          tpu.yield
        }) : () -> ()
        %add3A_54 = arith.constant 1 : i32
        %add3A_55 = arith.addi %mul3A_40, %add3A_54 : i32
        %dma_wait3A_56 = arith.constant 0 : i32
        %dma_wait3A_57 = tpu.memref_slice %arg6[%add3A_55, %dma_wait3A_56] : memref<42x128xi32, #tpu.memory_space<vmem>> -> memref<1x128xi32, #tpu.memory_space<vmem>>
        %dma_wait3A_58 = tpu.memref_squeeze %dma_wait3A_57 : memref<1x128xi32, #tpu.memory_space<vmem>> -> memref<128xi32, #tpu.memory_space<vmem>>
        %dma_wait3A_59 = arith.constant 0 : i32
        %dma_wait3A_60 = arith.constant 0 : i32
        %dma_wait3A_61 = tpu.memref_slice %arg2[%dma_wait3A_59, %dma_wait3A_60] : memref<10240x128xf32, #tpu.memory_space<hbm>> -> memref<10240x128xf32, #tpu.memory_space<hbm>>
        tpu.wait_indirect_dma semaphore(%arg12 : memref<!tpu.dma_semaphore, #tpu.memory_space<semaphore_mem>>) src(%dma_wait3A_61 : memref<10240x128xf32, #tpu.memory_space<hbm>>) dst(%arg9 : memref<128x128xf32, #tpu.memory_space<vmem>>)
        %add3A_62 = arith.constant 1 : i32
        %add3A_63 = arith.addi %add3A_38, %add3A_62 : i32
        %lt3A_64 = arith.constant 21 : i32
        %lt3A_65 = arith.cmpi slt, %add3A_63, %lt3A_64 : i32
        %convert_element_type3A_66 = arith.extui %lt3A_65 : i1 to i32
        %cond3A_67 = arith.constant 0 : i32
        %cond3A_68 = arith.cmpi ne, %convert_element_type3A_66, %cond3A_67 : i32
        scf.if %cond3A_68 {
          %add3A_71 = arith.constant 2 : i32
          %add3A_72 = arith.addi %mul3A_40, %add3A_71 : i32
          %dma_start3A_73 = arith.constant 0 : i32
          %dma_start3A_74 = tpu.memref_slice %arg6[%add3A_72, %dma_start3A_73] : memref<42x128xi32, #tpu.memory_space<vmem>> -> memref<1x128xi32, #tpu.memory_space<vmem>>
          %dma_start3A_75 = tpu.memref_squeeze %dma_start3A_74 : memref<1x128xi32, #tpu.memory_space<vmem>> -> memref<128xi32, #tpu.memory_space<vmem>>
          %dma_start3A_76 = arith.constant 0 : i32
          %dma_start3A_77 = arith.constant 0 : i32
          %dma_start3A_78 = tpu.memref_slice %arg2[%dma_start3A_76, %dma_start3A_77] : memref<10240x128xf32, #tpu.memory_space<hbm>> -> memref<10240x128xf32, #tpu.memory_space<hbm>>
          tpu.enqueue_indirect_dma source(%dma_start3A_78 : memref<10240x128xf32, #tpu.memory_space<hbm>>) target(%arg8 : memref<128x128xf32, #tpu.memory_space<vmem>>) offsets(%dma_start3A_75 : memref<128xi32, #tpu.memory_space<vmem>>) semaphore(%arg11 : memref<!tpu.dma_semaphore, #tpu.memory_space<semaphore_mem>>)
        } else {
        }
        %add3A_69 = arith.constant 1 : i32
        %add3A_70 = arith.addi %mul3A_40, %add3A_69 : i32
        "tpu.region"() ({
          %run_scoped3A = tpu.sem_alloc : memref<!tpu.dma_semaphore, #tpu.memory_space<semaphore_mem>>
          %dma_start3A_71 = arith.constant 0 : i32
          %dma_start3A_72 = tpu.memref_slice %arg7[%add3A_70, %dma_start3A_71] : memref<42x128xi32, #tpu.memory_space<vmem>> -> memref<1x128xi32, #tpu.memory_space<vmem>>
          %dma_start3A_73 = tpu.memref_squeeze %dma_start3A_72 : memref<1x128xi32, #tpu.memory_space<vmem>> -> memref<128xi32, #tpu.memory_space<vmem>>
          %dma_start3A_74 = arith.constant 0 : i32
          %dma_start3A_75 = arith.constant 0 : i32
          %dma_start3A_76 = tpu.memref_slice %arg10[%dma_start3A_74, %dma_start3A_75] : memref<10000x128xf32, #tpu.memory_space<vmem_shared>> -> memref<10000x128xf32, #tpu.memory_space<vmem_shared>>
          tpu.enqueue_indirect_dma source(%arg9 : memref<128x128xf32, #tpu.memory_space<vmem>>) target(%dma_start3A_76 : memref<10000x128xf32, #tpu.memory_space<vmem_shared>>) offsets(%dma_start3A_73 : memref<128xi32, #tpu.memory_space<vmem>>) semaphore(%run_scoped3A : memref<!tpu.dma_semaphore, #tpu.memory_space<semaphore_mem>>) {add = true}
          %dma_wait3A_77 = arith.constant 0 : i32
          %dma_wait3A_78 = tpu.memref_slice %arg7[%add3A_70, %dma_wait3A_77] : memref<42x128xi32, #tpu.memory_space<vmem>> -> memref<1x128xi32, #tpu.memory_space<vmem>>
          %dma_wait3A_79 = tpu.memref_squeeze %dma_wait3A_78 : memref<1x128xi32, #tpu.memory_space<vmem>> -> memref<128xi32, #tpu.memory_space<vmem>>
          %dma_wait3A_80 = arith.constant 0 : i32
          %dma_wait3A_81 = arith.constant 0 : i32
          %dma_wait3A_82 = tpu.memref_slice %arg10[%dma_wait3A_80, %dma_wait3A_81] : memref<10000x128xf32, #tpu.memory_space<vmem_shared>> -> memref<10000x128xf32, #tpu.memory_space<vmem_shared>>
          tpu.wait_indirect_dma semaphore(%run_scoped3A : memref<!tpu.dma_semaphore, #tpu.memory_space<semaphore_mem>>) src(%arg9 : memref<128x128xf32, #tpu.memory_space<vmem>>) dst(%dma_wait3A_82 : memref<10000x128xf32, #tpu.memory_space<vmem_shared>>)
          tpu.yield
        }) : () -> ()
      }
      %scan3A_33 = arith.constant 21 : i32
    }
    %scan3A_11 = arith.constant 2 : i32
    %barrier3A_12 = arith.constant 0 : index
    tpu.barrier barrier_id(%barrier3A_12)
    %lt3A_13 = arith.constant 10 : i32
    %lt3A_14 = arith.cmpi slt, %arg1, %lt3A_13 : i32
    %convert_element_type3A_15 = arith.extui %lt3A_14 : i1 to i32
    %cond3A_16 = arith.constant 0 : i32
    %cond3A_17 = arith.cmpi ne, %convert_element_type3A_15, %cond3A_16 : i32
    scf.if %cond3A_17 {
      %mul3A_18 = arith.constant 1000 : i32
      %mul3A_19 = arith.muli %arg1, %mul3A_18 : i32
      %add3A_20 = arith.constant 0 : i32
      %add3A_21 = arith.addi %mul3A_19, %add3A_20 : i32
      "tpu.region"() ({
        %run_scoped3A = tpu.sem_alloc : memref<!tpu.dma_semaphore, #tpu.memory_space<semaphore_mem>>
        %dma_start3A = arith.constant 0 : i32
        %dma_start3A_82 = arith.constant 0 : i32
        %dma_start3A_83 = tpu.memref_slice %arg8[%dma_start3A, %dma_start3A_82] : memref<128x128xf32, #tpu.memory_space<vmem>> -> memref<128x128xf32, #tpu.memory_space<vmem>>
        %dma_start3A_84 = arith.constant 0 : i32
        %dma_start3A_85 = tpu.memref_slice %arg10[%add3A_21, %dma_start3A_84] : memref<10000x128xf32, #tpu.memory_space<vmem_shared>> -> memref<128x128xf32, #tpu.memory_space<vmem_shared>>
        %dma_start3A_86 = arith.constant 0 : i32
        %dma_start3A_87 = arith.constant 0 : i32
        %dma_start3A_88 = tpu.memref_slice %arg8[%dma_start3A_86, %dma_start3A_87] : memref<128x128xf32, #tpu.memory_space<vmem>> -> memref<128x128xf32, #tpu.memory_space<vmem>>
        %dma_start3A_89 = arith.constant 0 : i32
        %dma_start3A_90 = tpu.memref_slice %arg10[%add3A_21, %dma_start3A_89] : memref<10000x128xf32, #tpu.memory_space<vmem_shared>> -> memref<128x128xf32, #tpu.memory_space<vmem_shared>>
        tpu.enqueue_dma source(%dma_start3A_90 : memref<128x128xf32, #tpu.memory_space<vmem_shared>>) target(%dma_start3A_88 : memref<128x128xf32, #tpu.memory_space<vmem>>) target_semaphore(%run_scoped3A : memref<!tpu.dma_semaphore, #tpu.memory_space<semaphore_mem>>)
        %dma_wait3A = arith.constant 0 : i32
        %dma_wait3A_91 = arith.constant 0 : i32
        %dma_wait3A_92 = tpu.memref_slice %arg8[%dma_wait3A, %dma_wait3A_91] : memref<128x128xf32, #tpu.memory_space<vmem>> -> memref<128x128xf32, #tpu.memory_space<vmem>>
        %dma_wait3A_93 = arith.constant 0 : i32
        %dma_wait3A_94 = tpu.memref_slice %arg10[%add3A_21, %dma_wait3A_93] : memref<10000x128xf32, #tpu.memory_space<vmem_shared>> -> memref<128x128xf32, #tpu.memory_space<vmem_shared>>
        %dma_wait3A_95 = arith.constant 0 : i32
        %dma_wait3A_96 = arith.constant 0 : i32
        %dma_wait3A_97 = tpu.memref_slice %arg8[%dma_wait3A_95, %dma_wait3A_96] : memref<128x128xf32, #tpu.memory_space<vmem>> -> memref<128x128xf32, #tpu.memory_space<vmem>>
        %dma_wait3A_98 = arith.constant 0 : i32
        %dma_wait3A_99 = tpu.memref_slice %arg10[%add3A_21, %dma_wait3A_98] : memref<10000x128xf32, #tpu.memory_space<vmem_shared>> -> memref<128x128xf32, #tpu.memory_space<vmem_shared>>
        tpu.wait_dma2 semaphore(%run_scoped3A : memref<!tpu.dma_semaphore, #tpu.memory_space<semaphore_mem>>) src(%dma_wait3A_99 : memref<128x128xf32, #tpu.memory_space<vmem_shared>>) dst(%dma_wait3A_97 : memref<128x128xf32, #tpu.memory_space<vmem>>)
        tpu.yield
      }) : () -> ()
      %mul3A_22 = arith.constant 1000 : i32
      %mul3A_23 = arith.muli %arg1, %mul3A_22 : i32
      %add3A_24 = arith.constant 0 : i32
      %add3A_25 = arith.addi %mul3A_23, %add3A_24 : i32
      "tpu.region"() ({
        %run_scoped3A = tpu.sem_alloc : memref<!tpu.dma_semaphore, #tpu.memory_space<semaphore_mem>>
        %dma_start3A = arith.constant 0 : i32
        %dma_start3A_82 = arith.constant 0 : i32
        %dma_start3A_83 = tpu.memref_slice %arg8[%dma_start3A, %dma_start3A_82] : memref<128x128xf32, #tpu.memory_space<vmem>> -> memref<128x128xf32, #tpu.memory_space<vmem>>
        %dma_start3A_84 = arith.constant 0 : i32
        %dma_start3A_85 = tpu.memref_slice %arg5[%arg0, %add3A_25, %dma_start3A_84] : memref<2x10000x128xf32, #tpu.memory_space<hbm>> -> memref<1x128x128xf32, #tpu.memory_space<hbm>>
        %dma_start3A_86 = tpu.memref_squeeze %dma_start3A_85 : memref<1x128x128xf32, #tpu.memory_space<hbm>> -> memref<128x128xf32, #tpu.memory_space<hbm>>
        %dma_start3A_87 = arith.constant 0 : i32
        %dma_start3A_88 = tpu.memref_slice %arg5[%arg0, %add3A_25, %dma_start3A_87] : memref<2x10000x128xf32, #tpu.memory_space<hbm>> -> memref<1x128x128xf32, #tpu.memory_space<hbm>>
        %dma_start3A_89 = tpu.memref_squeeze %dma_start3A_88 : memref<1x128x128xf32, #tpu.memory_space<hbm>> -> memref<128x128xf32, #tpu.memory_space<hbm>>
        %dma_start3A_90 = arith.constant 0 : i32
        %dma_start3A_91 = arith.constant 0 : i32
        %dma_start3A_92 = tpu.memref_slice %arg8[%dma_start3A_90, %dma_start3A_91] : memref<128x128xf32, #tpu.memory_space<vmem>> -> memref<128x128xf32, #tpu.memory_space<vmem>>
        tpu.enqueue_dma source(%dma_start3A_92 : memref<128x128xf32, #tpu.memory_space<vmem>>) target(%dma_start3A_89 : memref<128x128xf32, #tpu.memory_space<hbm>>) target_semaphore(%run_scoped3A : memref<!tpu.dma_semaphore, #tpu.memory_space<semaphore_mem>>)
        %dma_wait3A = arith.constant 0 : i32
        %dma_wait3A_93 = arith.constant 0 : i32
        %dma_wait3A_94 = tpu.memref_slice %arg8[%dma_wait3A, %dma_wait3A_93] : memref<128x128xf32, #tpu.memory_space<vmem>> -> memref<128x128xf32, #tpu.memory_space<vmem>>
        %dma_wait3A_95 = arith.constant 0 : i32
        %dma_wait3A_96 = tpu.memref_slice %arg5[%arg0, %add3A_25, %dma_wait3A_95] : memref<2x10000x128xf32, #tpu.memory_space<hbm>> -> memref<1x128x128xf32, #tpu.memory_space<hbm>>
        %dma_wait3A_97 = tpu.memref_squeeze %dma_wait3A_96 : memref<1x128x128xf32, #tpu.memory_space<hbm>> -> memref<128x128xf32, #tpu.memory_space<hbm>>
        %dma_wait3A_98 = arith.constant 0 : i32
        %dma_wait3A_99 = tpu.memref_slice %arg5[%arg0, %add3A_25, %dma_wait3A_98] : memref<2x10000x128xf32, #tpu.memory_space<hbm>> -> memref<1x128x128xf32, #tpu.memory_space<hbm>>
        %dma_wait3A_100 = tpu.memref_squeeze %dma_wait3A_99 : memref<1x128x128xf32, #tpu.memory_space<hbm>> -> memref<128x128xf32, #tpu.memory_space<hbm>>
        %dma_wait3A_101 = arith.constant 0 : i32
        %dma_wait3A_102 = arith.constant 0 : i32
        %dma_wait3A_103 = tpu.memref_slice %arg8[%dma_wait3A_101, %dma_wait3A_102] : memref<128x128xf32, #tpu.memory_space<vmem>> -> memref<128x128xf32, #tpu.memory_space<vmem>>
        tpu.wait_dma2 semaphore(%run_scoped3A : memref<!tpu.dma_semaphore, #tpu.memory_space<semaphore_mem>>) src(%dma_wait3A_103 : memref<128x128xf32, #tpu.memory_space<vmem>>) dst(%dma_wait3A_100 : memref<128x128xf32, #tpu.memory_space<hbm>>)
        tpu.yield
      }) : () -> ()
      %mul3A_26 = arith.constant 1000 : i32
      %mul3A_27 = arith.muli %arg1, %mul3A_26 : i32
      %add3A_28 = arith.constant 128 : i32
      %add3A_29 = arith.addi %mul3A_27, %add3A_28 : i32
      "tpu.region"() ({
        %run_scoped3A = tpu.sem_alloc : memref<!tpu.dma_semaphore, #tpu.memory_space<semaphore_mem>>
        %dma_start3A = arith.constant 0 : i32
        %dma_start3A_82 = arith.constant 0 : i32
        %dma_start3A_83 = tpu.memref_slice %arg8[%dma_start3A, %dma_start3A_82] : memref<128x128xf32, #tpu.memory_space<vmem>> -> memref<128x128xf32, #tpu.memory_space<vmem>>
        %dma_start3A_84 = arith.constant 0 : i32
        %dma_start3A_85 = tpu.memref_slice %arg10[%add3A_29, %dma_start3A_84] : memref<10000x128xf32, #tpu.memory_space<vmem_shared>> -> memref<128x128xf32, #tpu.memory_space<vmem_shared>>
        %dma_start3A_86 = arith.constant 0 : i32
        %dma_start3A_87 = arith.constant 0 : i32
        %dma_start3A_88 = tpu.memref_slice %arg8[%dma_start3A_86, %dma_start3A_87] : memref<128x128xf32, #tpu.memory_space<vmem>> -> memref<128x128xf32, #tpu.memory_space<vmem>>
        %dma_start3A_89 = arith.constant 0 : i32
        %dma_start3A_90 = tpu.memref_slice %arg10[%add3A_29, %dma_start3A_89] : memref<10000x128xf32, #tpu.memory_space<vmem_shared>> -> memref<128x128xf32, #tpu.memory_space<vmem_shared>>
        tpu.enqueue_dma source(%dma_start3A_90 : memref<128x128xf32, #tpu.memory_space<vmem_shared>>) target(%dma_start3A_88 : memref<128x128xf32, #tpu.memory_space<vmem>>) target_semaphore(%run_scoped3A : memref<!tpu.dma_semaphore, #tpu.memory_space<semaphore_mem>>)
        %dma_wait3A = arith.constant 0 : i32
        %dma_wait3A_91 = arith.constant 0 : i32
        %dma_wait3A_92 = tpu.memref_slice %arg8[%dma_wait3A, %dma_wait3A_91] : memref<128x128xf32, #tpu.memory_space<vmem>> -> memref<128x128xf32, #tpu.memory_space<vmem>>
        %dma_wait3A_93 = arith.constant 0 : i32
        %dma_wait3A_94 = tpu.memref_slice %arg10[%add3A_29, %dma_wait3A_93] : memref<10000x128xf32, #tpu.memory_space<vmem_shared>> -> memref<128x128xf32, #tpu.memory_space<vmem_shared>>
        %dma_wait3A_95 = arith.constant 0 : i32
        %dma_wait3A_96 = arith.constant 0 : i32
        %dma_wait3A_97 = tpu.memref_slice %arg8[%dma_wait3A_95, %dma_wait3A_96] : memref<128x128xf32, #tpu.memory_space<vmem>> -> memref<128x128xf32, #tpu.memory_space<vmem>>
        %dma_wait3A_98 = arith.constant 0 : i32
        %dma_wait3A_99 = tpu.memref_slice %arg10[%add3A_29, %dma_wait3A_98] : memref<10000x128xf32, #tpu.memory_space<vmem_shared>> -> memref<128x128xf32, #tpu.memory_space<vmem_shared>>
        tpu.wait_dma2 semaphore(%run_scoped3A : memref<!tpu.dma_semaphore, #tpu.memory_space<semaphore_mem>>) src(%dma_wait3A_99 : memref<128x128xf32, #tpu.memory_space<vmem_shared>>) dst(%dma_wait3A_97 : memref<128x128xf32, #tpu.memory_space<vmem>>)
        tpu.yield
      }) : () -> ()
      %mul3A_30 = arith.constant 1000 : i32
      %mul3A_31 = arith.muli %arg1, %mul3A_30 : i32
      %add3A_32 = arith.constant 128 : i32
      %add3A_33 = arith.addi %mul3A_31, %add3A_32 : i32
      "tpu.region"() ({
        %run_scoped3A = tpu.sem_alloc : memref<!tpu.dma_semaphore, #tpu.memory_space<semaphore_mem>>
        %dma_start3A = arith.constant 0 : i32
        %dma_start3A_82 = arith.constant 0 : i32
        %dma_start3A_83 = tpu.memref_slice %arg8[%dma_start3A, %dma_start3A_82] : memref<128x128xf32, #tpu.memory_space<vmem>> -> memref<128x128xf32, #tpu.memory_space<vmem>>
        %dma_start3A_84 = arith.constant 0 : i32
        %dma_start3A_85 = tpu.memref_slice %arg5[%arg0, %add3A_33, %dma_start3A_84] : memref<2x10000x128xf32, #tpu.memory_space<hbm>> -> memref<1x128x128xf32, #tpu.memory_space<hbm>>
        %dma_start3A_86 = tpu.memref_squeeze %dma_start3A_85 : memref<1x128x128xf32, #tpu.memory_space<hbm>> -> memref<128x128xf32, #tpu.memory_space<hbm>>
        %dma_start3A_87 = arith.constant 0 : i32
        %dma_start3A_88 = tpu.memref_slice %arg5[%arg0, %add3A_33, %dma_start3A_87] : memref<2x10000x128xf32, #tpu.memory_space<hbm>> -> memref<1x128x128xf32, #tpu.memory_space<hbm>>
        %dma_start3A_89 = tpu.memref_squeeze %dma_start3A_88 : memref<1x128x128xf32, #tpu.memory_space<hbm>> -> memref<128x128xf32, #tpu.memory_space<hbm>>
        %dma_start3A_90 = arith.constant 0 : i32
        %dma_start3A_91 = arith.constant 0 : i32
        %dma_start3A_92 = tpu.memref_slice %arg8[%dma_start3A_90, %dma_start3A_91] : memref<128x128xf32, #tpu.memory_space<vmem>> -> memref<128x128xf32, #tpu.memory_space<vmem>>
        tpu.enqueue_dma source(%dma_start3A_92 : memref<128x128xf32, #tpu.memory_space<vmem>>) target(%dma_start3A_89 : memref<128x128xf32, #tpu.memory_space<hbm>>) target_semaphore(%run_scoped3A : memref<!tpu.dma_semaphore, #tpu.memory_space<semaphore_mem>>)
        %dma_wait3A = arith.constant 0 : i32
        %dma_wait3A_93 = arith.constant 0 : i32
        %dma_wait3A_94 = tpu.memref_slice %arg8[%dma_wait3A, %dma_wait3A_93] : memref<128x128xf32, #tpu.memory_space<vmem>> -> memref<128x128xf32, #tpu.memory_space<vmem>>
        %dma_wait3A_95 = arith.constant 0 : i32
        %dma_wait3A_96 = tpu.memref_slice %arg5[%arg0, %add3A_33, %dma_wait3A_95] : memref<2x10000x128xf32, #tpu.memory_space<hbm>> -> memref<1x128x128xf32, #tpu.memory_space<hbm>>
        %dma_wait3A_97 = tpu.memref_squeeze %dma_wait3A_96 : memref<1x128x128xf32, #tpu.memory_space<hbm>> -> memref<128x128xf32, #tpu.memory_space<hbm>>
        %dma_wait3A_98 = arith.constant 0 : i32
        %dma_wait3A_99 = tpu.memref_slice %arg5[%arg0, %add3A_33, %dma_wait3A_98] : memref<2x10000x128xf32, #tpu.memory_space<hbm>> -> memref<1x128x128xf32, #tpu.memory_space<hbm>>
        %dma_wait3A_100 = tpu.memref_squeeze %dma_wait3A_99 : memref<1x128x128xf32, #tpu.memory_space<hbm>> -> memref<128x128xf32, #tpu.memory_space<hbm>>
        %dma_wait3A_101 = arith.constant 0 : i32
        %dma_wait3A_102 = arith.constant 0 : i32
        %dma_wait3A_103 = tpu.memref_slice %arg8[%dma_wait3A_101, %dma_wait3A_102] : memref<128x128xf32, #tpu.memory_space<vmem>> -> memref<128x128xf32, #tpu.memory_space<vmem>>
        tpu.wait_dma2 semaphore(%run_scoped3A : memref<!tpu.dma_semaphore, #tpu.memory_space<semaphore_mem>>) src(%dma_wait3A_103 : memref<128x128xf32, #tpu.memory_space<vmem>>) dst(%dma_wait3A_100 : memref<128x128xf32, #tpu.memory_space<hbm>>)
        tpu.yield
      }) : () -> ()
      %mul3A_34 = arith.constant 1000 : i32
      %mul3A_35 = arith.muli %arg1, %mul3A_34 : i32
      %add3A_36 = arith.constant 256 : i32
      %add3A_37 = arith.addi %mul3A_35, %add3A_36 : i32
      "tpu.region"() ({
        %run_scoped3A = tpu.sem_alloc : memref<!tpu.dma_semaphore, #tpu.memory_space<semaphore_mem>>
        %dma_start3A = arith.constant 0 : i32
        %dma_start3A_82 = arith.constant 0 : i32
        %dma_start3A_83 = tpu.memref_slice %arg8[%dma_start3A, %dma_start3A_82] : memref<128x128xf32, #tpu.memory_space<vmem>> -> memref<128x128xf32, #tpu.memory_space<vmem>>
        %dma_start3A_84 = arith.constant 0 : i32
        %dma_start3A_85 = tpu.memref_slice %arg10[%add3A_37, %dma_start3A_84] : memref<10000x128xf32, #tpu.memory_space<vmem_shared>> -> memref<128x128xf32, #tpu.memory_space<vmem_shared>>
        %dma_start3A_86 = arith.constant 0 : i32
        %dma_start3A_87 = arith.constant 0 : i32
        %dma_start3A_88 = tpu.memref_slice %arg8[%dma_start3A_86, %dma_start3A_87] : memref<128x128xf32, #tpu.memory_space<vmem>> -> memref<128x128xf32, #tpu.memory_space<vmem>>
        %dma_start3A_89 = arith.constant 0 : i32
        %dma_start3A_90 = tpu.memref_slice %arg10[%add3A_37, %dma_start3A_89] : memref<10000x128xf32, #tpu.memory_space<vmem_shared>> -> memref<128x128xf32, #tpu.memory_space<vmem_shared>>
        tpu.enqueue_dma source(%dma_start3A_90 : memref<128x128xf32, #tpu.memory_space<vmem_shared>>) target(%dma_start3A_88 : memref<128x128xf32, #tpu.memory_space<vmem>>) target_semaphore(%run_scoped3A : memref<!tpu.dma_semaphore, #tpu.memory_space<semaphore_mem>>)
        %dma_wait3A = arith.constant 0 : i32
        %dma_wait3A_91 = arith.constant 0 : i32
        %dma_wait3A_92 = tpu.memref_slice %arg8[%dma_wait3A, %dma_wait3A_91] : memref<128x128xf32, #tpu.memory_space<vmem>> -> memref<128x128xf32, #tpu.memory_space<vmem>>
        %dma_wait3A_93 = arith.constant 0 : i32
        %dma_wait3A_94 = tpu.memref_slice %arg10[%add3A_37, %dma_wait3A_93] : memref<10000x128xf32, #tpu.memory_space<vmem_shared>> -> memref<128x128xf32, #tpu.memory_space<vmem_shared>>
        %dma_wait3A_95 = arith.constant 0 : i32
        %dma_wait3A_96 = arith.constant 0 : i32
        %dma_wait3A_97 = tpu.memref_slice %arg8[%dma_wait3A_95, %dma_wait3A_96] : memref<128x128xf32, #tpu.memory_space<vmem>> -> memref<128x128xf32, #tpu.memory_space<vmem>>
        %dma_wait3A_98 = arith.constant 0 : i32
        %dma_wait3A_99 = tpu.memref_slice %arg10[%add3A_37, %dma_wait3A_98] : memref<10000x128xf32, #tpu.memory_space<vmem_shared>> -> memref<128x128xf32, #tpu.memory_space<vmem_shared>>
        tpu.wait_dma2 semaphore(%run_scoped3A : memref<!tpu.dma_semaphore, #tpu.memory_space<semaphore_mem>>) src(%dma_wait3A_99 : memref<128x128xf32, #tpu.memory_space<vmem_shared>>) dst(%dma_wait3A_97 : memref<128x128xf32, #tpu.memory_space<vmem>>)
        tpu.yield
      }) : () -> ()
      %mul3A_38 = arith.constant 1000 : i32
      %mul3A_39 = arith.muli %arg1, %mul3A_38 : i32
      %add3A_40 = arith.constant 256 : i32
      %add3A_41 = arith.addi %mul3A_39, %add3A_40 : i32
      "tpu.region"() ({
        %run_scoped3A = tpu.sem_alloc : memref<!tpu.dma_semaphore, #tpu.memory_space<semaphore_mem>>
        %dma_start3A = arith.constant 0 : i32
        %dma_start3A_82 = arith.constant 0 : i32
        %dma_start3A_83 = tpu.memref_slice %arg8[%dma_start3A, %dma_start3A_82] : memref<128x128xf32, #tpu.memory_space<vmem>> -> memref<128x128xf32, #tpu.memory_space<vmem>>
        %dma_start3A_84 = arith.constant 0 : i32
        %dma_start3A_85 = tpu.memref_slice %arg5[%arg0, %add3A_41, %dma_start3A_84] : memref<2x10000x128xf32, #tpu.memory_space<hbm>> -> memref<1x128x128xf32, #tpu.memory_space<hbm>>
        %dma_start3A_86 = tpu.memref_squeeze %dma_start3A_85 : memref<1x128x128xf32, #tpu.memory_space<hbm>> -> memref<128x128xf32, #tpu.memory_space<hbm>>
        %dma_start3A_87 = arith.constant 0 : i32
        %dma_start3A_88 = tpu.memref_slice %arg5[%arg0, %add3A_41, %dma_start3A_87] : memref<2x10000x128xf32, #tpu.memory_space<hbm>> -> memref<1x128x128xf32, #tpu.memory_space<hbm>>
        %dma_start3A_89 = tpu.memref_squeeze %dma_start3A_88 : memref<1x128x128xf32, #tpu.memory_space<hbm>> -> memref<128x128xf32, #tpu.memory_space<hbm>>
        %dma_start3A_90 = arith.constant 0 : i32
        %dma_start3A_91 = arith.constant 0 : i32
        %dma_start3A_92 = tpu.memref_slice %arg8[%dma_start3A_90, %dma_start3A_91] : memref<128x128xf32, #tpu.memory_space<vmem>> -> memref<128x128xf32, #tpu.memory_space<vmem>>
        tpu.enqueue_dma source(%dma_start3A_92 : memref<128x128xf32, #tpu.memory_space<vmem>>) target(%dma_start3A_89 : memref<128x128xf32, #tpu.memory_space<hbm>>) target_semaphore(%run_scoped3A : memref<!tpu.dma_semaphore, #tpu.memory_space<semaphore_mem>>)
        %dma_wait3A = arith.constant 0 : i32
        %dma_wait3A_93 = arith.constant 0 : i32
        %dma_wait3A_94 = tpu.memref_slice %arg8[%dma_wait3A, %dma_wait3A_93] : memref<128x128xf32, #tpu.memory_space<vmem>> -> memref<128x128xf32, #tpu.memory_space<vmem>>
        %dma_wait3A_95 = arith.constant 0 : i32
        %dma_wait3A_96 = tpu.memref_slice %arg5[%arg0, %add3A_41, %dma_wait3A_95] : memref<2x10000x128xf32, #tpu.memory_space<hbm>> -> memref<1x128x128xf32, #tpu.memory_space<hbm>>
        %dma_wait3A_97 = tpu.memref_squeeze %dma_wait3A_96 : memref<1x128x128xf32, #tpu.memory_space<hbm>> -> memref<128x128xf32, #tpu.memory_space<hbm>>
        %dma_wait3A_98 = arith.constant 0 : i32
        %dma_wait3A_99 = tpu.memref_slice %arg5[%arg0, %add3A_41, %dma_wait3A_98] : memref<2x10000x128xf32, #tpu.memory_space<hbm>> -> memref<1x128x128xf32, #tpu.memory_space<hbm>>
        %dma_wait3A_100 = tpu.memref_squeeze %dma_wait3A_99 : memref<1x128x128xf32, #tpu.memory_space<hbm>> -> memref<128x128xf32, #tpu.memory_space<hbm>>
        %dma_wait3A_101 = arith.constant 0 : i32
        %dma_wait3A_102 = arith.constant 0 : i32
        %dma_wait3A_103 = tpu.memref_slice %arg8[%dma_wait3A_101, %dma_wait3A_102] : memref<128x128xf32, #tpu.memory_space<vmem>> -> memref<128x128xf32, #tpu.memory_space<vmem>>
        tpu.wait_dma2 semaphore(%run_scoped3A : memref<!tpu.dma_semaphore, #tpu.memory_space<semaphore_mem>>) src(%dma_wait3A_103 : memref<128x128xf32, #tpu.memory_space<vmem>>) dst(%dma_wait3A_100 : memref<128x128xf32, #tpu.memory_space<hbm>>)
        tpu.yield
      }) : () -> ()
      %mul3A_42 = arith.constant 1000 : i32
      %mul3A_43 = arith.muli %arg1, %mul3A_42 : i32
      %add3A_44 = arith.constant 384 : i32
      %add3A_45 = arith.addi %mul3A_43, %add3A_44 : i32
      "tpu.region"() ({
        %run_scoped3A = tpu.sem_alloc : memref<!tpu.dma_semaphore, #tpu.memory_space<semaphore_mem>>
        %dma_start3A = arith.constant 0 : i32
        %dma_start3A_82 = arith.constant 0 : i32
        %dma_start3A_83 = tpu.memref_slice %arg8[%dma_start3A, %dma_start3A_82] : memref<128x128xf32, #tpu.memory_space<vmem>> -> memref<128x128xf32, #tpu.memory_space<vmem>>
        %dma_start3A_84 = arith.constant 0 : i32
        %dma_start3A_85 = tpu.memref_slice %arg10[%add3A_45, %dma_start3A_84] : memref<10000x128xf32, #tpu.memory_space<vmem_shared>> -> memref<128x128xf32, #tpu.memory_space<vmem_shared>>
        %dma_start3A_86 = arith.constant 0 : i32
        %dma_start3A_87 = arith.constant 0 : i32
        %dma_start3A_88 = tpu.memref_slice %arg8[%dma_start3A_86, %dma_start3A_87] : memref<128x128xf32, #tpu.memory_space<vmem>> -> memref<128x128xf32, #tpu.memory_space<vmem>>
        %dma_start3A_89 = arith.constant 0 : i32
        %dma_start3A_90 = tpu.memref_slice %arg10[%add3A_45, %dma_start3A_89] : memref<10000x128xf32, #tpu.memory_space<vmem_shared>> -> memref<128x128xf32, #tpu.memory_space<vmem_shared>>
        tpu.enqueue_dma source(%dma_start3A_90 : memref<128x128xf32, #tpu.memory_space<vmem_shared>>) target(%dma_start3A_88 : memref<128x128xf32, #tpu.memory_space<vmem>>) target_semaphore(%run_scoped3A : memref<!tpu.dma_semaphore, #tpu.memory_space<semaphore_mem>>)
        %dma_wait3A = arith.constant 0 : i32
        %dma_wait3A_91 = arith.constant 0 : i32
        %dma_wait3A_92 = tpu.memref_slice %arg8[%dma_wait3A, %dma_wait3A_91] : memref<128x128xf32, #tpu.memory_space<vmem>> -> memref<128x128xf32, #tpu.memory_space<vmem>>
        %dma_wait3A_93 = arith.constant 0 : i32
        %dma_wait3A_94 = tpu.memref_slice %arg10[%add3A_45, %dma_wait3A_93] : memref<10000x128xf32, #tpu.memory_space<vmem_shared>> -> memref<128x128xf32, #tpu.memory_space<vmem_shared>>
        %dma_wait3A_95 = arith.constant 0 : i32
        %dma_wait3A_96 = arith.constant 0 : i32
        %dma_wait3A_97 = tpu.memref_slice %arg8[%dma_wait3A_95, %dma_wait3A_96] : memref<128x128xf32, #tpu.memory_space<vmem>> -> memref<128x128xf32, #tpu.memory_space<vmem>>
        %dma_wait3A_98 = arith.constant 0 : i32
        %dma_wait3A_99 = tpu.memref_slice %arg10[%add3A_45, %dma_wait3A_98] : memref<10000x128xf32, #tpu.memory_space<vmem_shared>> -> memref<128x128xf32, #tpu.memory_space<vmem_shared>>
        tpu.wait_dma2 semaphore(%run_scoped3A : memref<!tpu.dma_semaphore, #tpu.memory_space<semaphore_mem>>) src(%dma_wait3A_99 : memref<128x128xf32, #tpu.memory_space<vmem_shared>>) dst(%dma_wait3A_97 : memref<128x128xf32, #tpu.memory_space<vmem>>)
        tpu.yield
      }) : () -> ()
      %mul3A_46 = arith.constant 1000 : i32
      %mul3A_47 = arith.muli %arg1, %mul3A_46 : i32
      %add3A_48 = arith.constant 384 : i32
      %add3A_49 = arith.addi %mul3A_47, %add3A_48 : i32
      "tpu.region"() ({
        %run_scoped3A = tpu.sem_alloc : memref<!tpu.dma_semaphore, #tpu.memory_space<semaphore_mem>>
        %dma_start3A = arith.constant 0 : i32
        %dma_start3A_82 = arith.constant 0 : i32
        %dma_start3A_83 = tpu.memref_slice %arg8[%dma_start3A, %dma_start3A_82] : memref<128x128xf32, #tpu.memory_space<vmem>> -> memref<128x128xf32, #tpu.memory_space<vmem>>
        %dma_start3A_84 = arith.constant 0 : i32
        %dma_start3A_85 = tpu.memref_slice %arg5[%arg0, %add3A_49, %dma_start3A_84] : memref<2x10000x128xf32, #tpu.memory_space<hbm>> -> memref<1x128x128xf32, #tpu.memory_space<hbm>>
        %dma_start3A_86 = tpu.memref_squeeze %dma_start3A_85 : memref<1x128x128xf32, #tpu.memory_space<hbm>> -> memref<128x128xf32, #tpu.memory_space<hbm>>
        %dma_start3A_87 = arith.constant 0 : i32
        %dma_start3A_88 = tpu.memref_slice %arg5[%arg0, %add3A_49, %dma_start3A_87] : memref<2x10000x128xf32, #tpu.memory_space<hbm>> -> memref<1x128x128xf32, #tpu.memory_space<hbm>>
        %dma_start3A_89 = tpu.memref_squeeze %dma_start3A_88 : memref<1x128x128xf32, #tpu.memory_space<hbm>> -> memref<128x128xf32, #tpu.memory_space<hbm>>
        %dma_start3A_90 = arith.constant 0 : i32
        %dma_start3A_91 = arith.constant 0 : i32
        %dma_start3A_92 = tpu.memref_slice %arg8[%dma_start3A_90, %dma_start3A_91] : memref<128x128xf32, #tpu.memory_space<vmem>> -> memref<128x128xf32, #tpu.memory_space<vmem>>
        tpu.enqueue_dma source(%dma_start3A_92 : memref<128x128xf32, #tpu.memory_space<vmem>>) target(%dma_start3A_89 : memref<128x128xf32, #tpu.memory_space<hbm>>) target_semaphore(%run_scoped3A : memref<!tpu.dma_semaphore, #tpu.memory_space<semaphore_mem>>)
        %dma_wait3A = arith.constant 0 : i32
        %dma_wait3A_93 = arith.constant 0 : i32
        %dma_wait3A_94 = tpu.memref_slice %arg8[%dma_wait3A, %dma_wait3A_93] : memref<128x128xf32, #tpu.memory_space<vmem>> -> memref<128x128xf32, #tpu.memory_space<vmem>>
        %dma_wait3A_95 = arith.constant 0 : i32
        %dma_wait3A_96 = tpu.memref_slice %arg5[%arg0, %add3A_49, %dma_wait3A_95] : memref<2x10000x128xf32, #tpu.memory_space<hbm>> -> memref<1x128x128xf32, #tpu.memory_space<hbm>>
        %dma_wait3A_97 = tpu.memref_squeeze %dma_wait3A_96 : memref<1x128x128xf32, #tpu.memory_space<hbm>> -> memref<128x128xf32, #tpu.memory_space<hbm>>
        %dma_wait3A_98 = arith.constant 0 : i32
        %dma_wait3A_99 = tpu.memref_slice %arg5[%arg0, %add3A_49, %dma_wait3A_98] : memref<2x10000x128xf32, #tpu.memory_space<hbm>> -> memref<1x128x128xf32, #tpu.memory_space<hbm>>
        %dma_wait3A_100 = tpu.memref_squeeze %dma_wait3A_99 : memref<1x128x128xf32, #tpu.memory_space<hbm>> -> memref<128x128xf32, #tpu.memory_space<hbm>>
        %dma_wait3A_101 = arith.constant 0 : i32
        %dma_wait3A_102 = arith.constant 0 : i32
        %dma_wait3A_103 = tpu.memref_slice %arg8[%dma_wait3A_101, %dma_wait3A_102] : memref<128x128xf32, #tpu.memory_space<vmem>> -> memref<128x128xf32, #tpu.memory_space<vmem>>
        tpu.wait_dma2 semaphore(%run_scoped3A : memref<!tpu.dma_semaphore, #tpu.memory_space<semaphore_mem>>) src(%dma_wait3A_103 : memref<128x128xf32, #tpu.memory_space<vmem>>) dst(%dma_wait3A_100 : memref<128x128xf32, #tpu.memory_space<hbm>>)
        tpu.yield
      }) : () -> ()
      %mul3A_50 = arith.constant 1000 : i32
      %mul3A_51 = arith.muli %arg1, %mul3A_50 : i32
      %add3A_52 = arith.constant 512 : i32
      %add3A_53 = arith.addi %mul3A_51, %add3A_52 : i32
      "tpu.region"() ({
        %run_scoped3A = tpu.sem_alloc : memref<!tpu.dma_semaphore, #tpu.memory_space<semaphore_mem>>
        %dma_start3A = arith.constant 0 : i32
        %dma_start3A_82 = arith.constant 0 : i32
        %dma_start3A_83 = tpu.memref_slice %arg8[%dma_start3A, %dma_start3A_82] : memref<128x128xf32, #tpu.memory_space<vmem>> -> memref<128x128xf32, #tpu.memory_space<vmem>>
        %dma_start3A_84 = arith.constant 0 : i32
        %dma_start3A_85 = tpu.memref_slice %arg10[%add3A_53, %dma_start3A_84] : memref<10000x128xf32, #tpu.memory_space<vmem_shared>> -> memref<128x128xf32, #tpu.memory_space<vmem_shared>>
        %dma_start3A_86 = arith.constant 0 : i32
        %dma_start3A_87 = arith.constant 0 : i32
        %dma_start3A_88 = tpu.memref_slice %arg8[%dma_start3A_86, %dma_start3A_87] : memref<128x128xf32, #tpu.memory_space<vmem>> -> memref<128x128xf32, #tpu.memory_space<vmem>>
        %dma_start3A_89 = arith.constant 0 : i32
        %dma_start3A_90 = tpu.memref_slice %arg10[%add3A_53, %dma_start3A_89] : memref<10000x128xf32, #tpu.memory_space<vmem_shared>> -> memref<128x128xf32, #tpu.memory_space<vmem_shared>>
        tpu.enqueue_dma source(%dma_start3A_90 : memref<128x128xf32, #tpu.memory_space<vmem_shared>>) target(%dma_start3A_88 : memref<128x128xf32, #tpu.memory_space<vmem>>) target_semaphore(%run_scoped3A : memref<!tpu.dma_semaphore, #tpu.memory_space<semaphore_mem>>)
        %dma_wait3A = arith.constant 0 : i32
        %dma_wait3A_91 = arith.constant 0 : i32
        %dma_wait3A_92 = tpu.memref_slice %arg8[%dma_wait3A, %dma_wait3A_91] : memref<128x128xf32, #tpu.memory_space<vmem>> -> memref<128x128xf32, #tpu.memory_space<vmem>>
        %dma_wait3A_93 = arith.constant 0 : i32
        %dma_wait3A_94 = tpu.memref_slice %arg10[%add3A_53, %dma_wait3A_93] : memref<10000x128xf32, #tpu.memory_space<vmem_shared>> -> memref<128x128xf32, #tpu.memory_space<vmem_shared>>
        %dma_wait3A_95 = arith.constant 0 : i32
        %dma_wait3A_96 = arith.constant 0 : i32
        %dma_wait3A_97 = tpu.memref_slice %arg8[%dma_wait3A_95, %dma_wait3A_96] : memref<128x128xf32, #tpu.memory_space<vmem>> -> memref<128x128xf32, #tpu.memory_space<vmem>>
        %dma_wait3A_98 = arith.constant 0 : i32
        %dma_wait3A_99 = tpu.memref_slice %arg10[%add3A_53, %dma_wait3A_98] : memref<10000x128xf32, #tpu.memory_space<vmem_shared>> -> memref<128x128xf32, #tpu.memory_space<vmem_shared>>
        tpu.wait_dma2 semaphore(%run_scoped3A : memref<!tpu.dma_semaphore, #tpu.memory_space<semaphore_mem>>) src(%dma_wait3A_99 : memref<128x128xf32, #tpu.memory_space<vmem_shared>>) dst(%dma_wait3A_97 : memref<128x128xf32, #tpu.memory_space<vmem>>)
        tpu.yield
      }) : () -> ()
      %mul3A_54 = arith.constant 1000 : i32
      %mul3A_55 = arith.muli %arg1, %mul3A_54 : i32
      %add3A_56 = arith.constant 512 : i32
      %add3A_57 = arith.addi %mul3A_55, %add3A_56 : i32
      "tpu.region"() ({
        %run_scoped3A = tpu.sem_alloc : memref<!tpu.dma_semaphore, #tpu.memory_space<semaphore_mem>>
        %dma_start3A = arith.constant 0 : i32
        %dma_start3A_82 = arith.constant 0 : i32
        %dma_start3A_83 = tpu.memref_slice %arg8[%dma_start3A, %dma_start3A_82] : memref<128x128xf32, #tpu.memory_space<vmem>> -> memref<128x128xf32, #tpu.memory_space<vmem>>
        %dma_start3A_84 = arith.constant 0 : i32
        %dma_start3A_85 = tpu.memref_slice %arg5[%arg0, %add3A_57, %dma_start3A_84] : memref<2x10000x128xf32, #tpu.memory_space<hbm>> -> memref<1x128x128xf32, #tpu.memory_space<hbm>>
        %dma_start3A_86 = tpu.memref_squeeze %dma_start3A_85 : memref<1x128x128xf32, #tpu.memory_space<hbm>> -> memref<128x128xf32, #tpu.memory_space<hbm>>
        %dma_start3A_87 = arith.constant 0 : i32
        %dma_start3A_88 = tpu.memref_slice %arg5[%arg0, %add3A_57, %dma_start3A_87] : memref<2x10000x128xf32, #tpu.memory_space<hbm>> -> memref<1x128x128xf32, #tpu.memory_space<hbm>>
        %dma_start3A_89 = tpu.memref_squeeze %dma_start3A_88 : memref<1x128x128xf32, #tpu.memory_space<hbm>> -> memref<128x128xf32, #tpu.memory_space<hbm>>
        %dma_start3A_90 = arith.constant 0 : i32
        %dma_start3A_91 = arith.constant 0 : i32
        %dma_start3A_92 = tpu.memref_slice %arg8[%dma_start3A_90, %dma_start3A_91] : memref<128x128xf32, #tpu.memory_space<vmem>> -> memref<128x128xf32, #tpu.memory_space<vmem>>
        tpu.enqueue_dma source(%dma_start3A_92 : memref<128x128xf32, #tpu.memory_space<vmem>>) target(%dma_start3A_89 : memref<128x128xf32, #tpu.memory_space<hbm>>) target_semaphore(%run_scoped3A : memref<!tpu.dma_semaphore, #tpu.memory_space<semaphore_mem>>)
        %dma_wait3A = arith.constant 0 : i32
        %dma_wait3A_93 = arith.constant 0 : i32
        %dma_wait3A_94 = tpu.memref_slice %arg8[%dma_wait3A, %dma_wait3A_93] : memref<128x128xf32, #tpu.memory_space<vmem>> -> memref<128x128xf32, #tpu.memory_space<vmem>>
        %dma_wait3A_95 = arith.constant 0 : i32
        %dma_wait3A_96 = tpu.memref_slice %arg5[%arg0, %add3A_57, %dma_wait3A_95] : memref<2x10000x128xf32, #tpu.memory_space<hbm>> -> memref<1x128x128xf32, #tpu.memory_space<hbm>>
        %dma_wait3A_97 = tpu.memref_squeeze %dma_wait3A_96 : memref<1x128x128xf32, #tpu.memory_space<hbm>> -> memref<128x128xf32, #tpu.memory_space<hbm>>
        %dma_wait3A_98 = arith.constant 0 : i32
        %dma_wait3A_99 = tpu.memref_slice %arg5[%arg0, %add3A_57, %dma_wait3A_98] : memref<2x10000x128xf32, #tpu.memory_space<hbm>> -> memref<1x128x128xf32, #tpu.memory_space<hbm>>
        %dma_wait3A_100 = tpu.memref_squeeze %dma_wait3A_99 : memref<1x128x128xf32, #tpu.memory_space<hbm>> -> memref<128x128xf32, #tpu.memory_space<hbm>>
        %dma_wait3A_101 = arith.constant 0 : i32
        %dma_wait3A_102 = arith.constant 0 : i32
        %dma_wait3A_103 = tpu.memref_slice %arg8[%dma_wait3A_101, %dma_wait3A_102] : memref<128x128xf32, #tpu.memory_space<vmem>> -> memref<128x128xf32, #tpu.memory_space<vmem>>
        tpu.wait_dma2 semaphore(%run_scoped3A : memref<!tpu.dma_semaphore, #tpu.memory_space<semaphore_mem>>) src(%dma_wait3A_103 : memref<128x128xf32, #tpu.memory_space<vmem>>) dst(%dma_wait3A_100 : memref<128x128xf32, #tpu.memory_space<hbm>>)
        tpu.yield
      }) : () -> ()
      %mul3A_58 = arith.constant 1000 : i32
      %mul3A_59 = arith.muli %arg1, %mul3A_58 : i32
      %add3A_60 = arith.constant 640 : i32
      %add3A_61 = arith.addi %mul3A_59, %add3A_60 : i32
      "tpu.region"() ({
        %run_scoped3A = tpu.sem_alloc : memref<!tpu.dma_semaphore, #tpu.memory_space<semaphore_mem>>
        %dma_start3A = arith.constant 0 : i32
        %dma_start3A_82 = arith.constant 0 : i32
        %dma_start3A_83 = tpu.memref_slice %arg8[%dma_start3A, %dma_start3A_82] : memref<128x128xf32, #tpu.memory_space<vmem>> -> memref<128x128xf32, #tpu.memory_space<vmem>>
        %dma_start3A_84 = arith.constant 0 : i32
        %dma_start3A_85 = tpu.memref_slice %arg10[%add3A_61, %dma_start3A_84] : memref<10000x128xf32, #tpu.memory_space<vmem_shared>> -> memref<128x128xf32, #tpu.memory_space<vmem_shared>>
        %dma_start3A_86 = arith.constant 0 : i32
        %dma_start3A_87 = arith.constant 0 : i32
        %dma_start3A_88 = tpu.memref_slice %arg8[%dma_start3A_86, %dma_start3A_87] : memref<128x128xf32, #tpu.memory_space<vmem>> -> memref<128x128xf32, #tpu.memory_space<vmem>>
        %dma_start3A_89 = arith.constant 0 : i32
        %dma_start3A_90 = tpu.memref_slice %arg10[%add3A_61, %dma_start3A_89] : memref<10000x128xf32, #tpu.memory_space<vmem_shared>> -> memref<128x128xf32, #tpu.memory_space<vmem_shared>>
        tpu.enqueue_dma source(%dma_start3A_90 : memref<128x128xf32, #tpu.memory_space<vmem_shared>>) target(%dma_start3A_88 : memref<128x128xf32, #tpu.memory_space<vmem>>) target_semaphore(%run_scoped3A : memref<!tpu.dma_semaphore, #tpu.memory_space<semaphore_mem>>)
        %dma_wait3A = arith.constant 0 : i32
        %dma_wait3A_91 = arith.constant 0 : i32
        %dma_wait3A_92 = tpu.memref_slice %arg8[%dma_wait3A, %dma_wait3A_91] : memref<128x128xf32, #tpu.memory_space<vmem>> -> memref<128x128xf32, #tpu.memory_space<vmem>>
        %dma_wait3A_93 = arith.constant 0 : i32
        %dma_wait3A_94 = tpu.memref_slice %arg10[%add3A_61, %dma_wait3A_93] : memref<10000x128xf32, #tpu.memory_space<vmem_shared>> -> memref<128x128xf32, #tpu.memory_space<vmem_shared>>
        %dma_wait3A_95 = arith.constant 0 : i32
        %dma_wait3A_96 = arith.constant 0 : i32
        %dma_wait3A_97 = tpu.memref_slice %arg8[%dma_wait3A_95, %dma_wait3A_96] : memref<128x128xf32, #tpu.memory_space<vmem>> -> memref<128x128xf32, #tpu.memory_space<vmem>>
        %dma_wait3A_98 = arith.constant 0 : i32
        %dma_wait3A_99 = tpu.memref_slice %arg10[%add3A_61, %dma_wait3A_98] : memref<10000x128xf32, #tpu.memory_space<vmem_shared>> -> memref<128x128xf32, #tpu.memory_space<vmem_shared>>
        tpu.wait_dma2 semaphore(%run_scoped3A : memref<!tpu.dma_semaphore, #tpu.memory_space<semaphore_mem>>) src(%dma_wait3A_99 : memref<128x128xf32, #tpu.memory_space<vmem_shared>>) dst(%dma_wait3A_97 : memref<128x128xf32, #tpu.memory_space<vmem>>)
        tpu.yield
      }) : () -> ()
      %mul3A_62 = arith.constant 1000 : i32
      %mul3A_63 = arith.muli %arg1, %mul3A_62 : i32
      %add3A_64 = arith.constant 640 : i32
      %add3A_65 = arith.addi %mul3A_63, %add3A_64 : i32
      "tpu.region"() ({
        %run_scoped3A = tpu.sem_alloc : memref<!tpu.dma_semaphore, #tpu.memory_space<semaphore_mem>>
        %dma_start3A = arith.constant 0 : i32
        %dma_start3A_82 = arith.constant 0 : i32
        %dma_start3A_83 = tpu.memref_slice %arg8[%dma_start3A, %dma_start3A_82] : memref<128x128xf32, #tpu.memory_space<vmem>> -> memref<128x128xf32, #tpu.memory_space<vmem>>
        %dma_start3A_84 = arith.constant 0 : i32
        %dma_start3A_85 = tpu.memref_slice %arg5[%arg0, %add3A_65, %dma_start3A_84] : memref<2x10000x128xf32, #tpu.memory_space<hbm>> -> memref<1x128x128xf32, #tpu.memory_space<hbm>>
        %dma_start3A_86 = tpu.memref_squeeze %dma_start3A_85 : memref<1x128x128xf32, #tpu.memory_space<hbm>> -> memref<128x128xf32, #tpu.memory_space<hbm>>
        %dma_start3A_87 = arith.constant 0 : i32
        %dma_start3A_88 = tpu.memref_slice %arg5[%arg0, %add3A_65, %dma_start3A_87] : memref<2x10000x128xf32, #tpu.memory_space<hbm>> -> memref<1x128x128xf32, #tpu.memory_space<hbm>>
        %dma_start3A_89 = tpu.memref_squeeze %dma_start3A_88 : memref<1x128x128xf32, #tpu.memory_space<hbm>> -> memref<128x128xf32, #tpu.memory_space<hbm>>
        %dma_start3A_90 = arith.constant 0 : i32
        %dma_start3A_91 = arith.constant 0 : i32
        %dma_start3A_92 = tpu.memref_slice %arg8[%dma_start3A_90, %dma_start3A_91] : memref<128x128xf32, #tpu.memory_space<vmem>> -> memref<128x128xf32, #tpu.memory_space<vmem>>
        tpu.enqueue_dma source(%dma_start3A_92 : memref<128x128xf32, #tpu.memory_space<vmem>>) target(%dma_start3A_89 : memref<128x128xf32, #tpu.memory_space<hbm>>) target_semaphore(%run_scoped3A : memref<!tpu.dma_semaphore, #tpu.memory_space<semaphore_mem>>)
        %dma_wait3A = arith.constant 0 : i32
        %dma_wait3A_93 = arith.constant 0 : i32
        %dma_wait3A_94 = tpu.memref_slice %arg8[%dma_wait3A, %dma_wait3A_93] : memref<128x128xf32, #tpu.memory_space<vmem>> -> memref<128x128xf32, #tpu.memory_space<vmem>>
        %dma_wait3A_95 = arith.constant 0 : i32
        %dma_wait3A_96 = tpu.memref_slice %arg5[%arg0, %add3A_65, %dma_wait3A_95] : memref<2x10000x128xf32, #tpu.memory_space<hbm>> -> memref<1x128x128xf32, #tpu.memory_space<hbm>>
        %dma_wait3A_97 = tpu.memref_squeeze %dma_wait3A_96 : memref<1x128x128xf32, #tpu.memory_space<hbm>> -> memref<128x128xf32, #tpu.memory_space<hbm>>
        %dma_wait3A_98 = arith.constant 0 : i32
        %dma_wait3A_99 = tpu.memref_slice %arg5[%arg0, %add3A_65, %dma_wait3A_98] : memref<2x10000x128xf32, #tpu.memory_space<hbm>> -> memref<1x128x128xf32, #tpu.memory_space<hbm>>
        %dma_wait3A_100 = tpu.memref_squeeze %dma_wait3A_99 : memref<1x128x128xf32, #tpu.memory_space<hbm>> -> memref<128x128xf32, #tpu.memory_space<hbm>>
        %dma_wait3A_101 = arith.constant 0 : i32
        %dma_wait3A_102 = arith.constant 0 : i32
        %dma_wait3A_103 = tpu.memref_slice %arg8[%dma_wait3A_101, %dma_wait3A_102] : memref<128x128xf32, #tpu.memory_space<vmem>> -> memref<128x128xf32, #tpu.memory_space<vmem>>
        tpu.wait_dma2 semaphore(%run_scoped3A : memref<!tpu.dma_semaphore, #tpu.memory_space<semaphore_mem>>) src(%dma_wait3A_103 : memref<128x128xf32, #tpu.memory_space<vmem>>) dst(%dma_wait3A_100 : memref<128x128xf32, #tpu.memory_space<hbm>>)
        tpu.yield
      }) : () -> ()
      %mul3A_66 = arith.constant 1000 : i32
      %mul3A_67 = arith.muli %arg1, %mul3A_66 : i32
      %add3A_68 = arith.constant 768 : i32
      %add3A_69 = arith.addi %mul3A_67, %add3A_68 : i32
      "tpu.region"() ({
        %run_scoped3A = tpu.sem_alloc : memref<!tpu.dma_semaphore, #tpu.memory_space<semaphore_mem>>
        %dma_start3A = arith.constant 0 : i32
        %dma_start3A_82 = arith.constant 0 : i32
        %dma_start3A_83 = tpu.memref_slice %arg8[%dma_start3A, %dma_start3A_82] : memref<128x128xf32, #tpu.memory_space<vmem>> -> memref<128x128xf32, #tpu.memory_space<vmem>>
        %dma_start3A_84 = arith.constant 0 : i32
        %dma_start3A_85 = tpu.memref_slice %arg10[%add3A_69, %dma_start3A_84] : memref<10000x128xf32, #tpu.memory_space<vmem_shared>> -> memref<128x128xf32, #tpu.memory_space<vmem_shared>>
        %dma_start3A_86 = arith.constant 0 : i32
        %dma_start3A_87 = arith.constant 0 : i32
        %dma_start3A_88 = tpu.memref_slice %arg8[%dma_start3A_86, %dma_start3A_87] : memref<128x128xf32, #tpu.memory_space<vmem>> -> memref<128x128xf32, #tpu.memory_space<vmem>>
        %dma_start3A_89 = arith.constant 0 : i32
        %dma_start3A_90 = tpu.memref_slice %arg10[%add3A_69, %dma_start3A_89] : memref<10000x128xf32, #tpu.memory_space<vmem_shared>> -> memref<128x128xf32, #tpu.memory_space<vmem_shared>>
        tpu.enqueue_dma source(%dma_start3A_90 : memref<128x128xf32, #tpu.memory_space<vmem_shared>>) target(%dma_start3A_88 : memref<128x128xf32, #tpu.memory_space<vmem>>) target_semaphore(%run_scoped3A : memref<!tpu.dma_semaphore, #tpu.memory_space<semaphore_mem>>)
        %dma_wait3A = arith.constant 0 : i32
        %dma_wait3A_91 = arith.constant 0 : i32
        %dma_wait3A_92 = tpu.memref_slice %arg8[%dma_wait3A, %dma_wait3A_91] : memref<128x128xf32, #tpu.memory_space<vmem>> -> memref<128x128xf32, #tpu.memory_space<vmem>>
        %dma_wait3A_93 = arith.constant 0 : i32
        %dma_wait3A_94 = tpu.memref_slice %arg10[%add3A_69, %dma_wait3A_93] : memref<10000x128xf32, #tpu.memory_space<vmem_shared>> -> memref<128x128xf32, #tpu.memory_space<vmem_shared>>
        %dma_wait3A_95 = arith.constant 0 : i32
        %dma_wait3A_96 = arith.constant 0 : i32
        %dma_wait3A_97 = tpu.memref_slice %arg8[%dma_wait3A_95, %dma_wait3A_96] : memref<128x128xf32, #tpu.memory_space<vmem>> -> memref<128x128xf32, #tpu.memory_space<vmem>>
        %dma_wait3A_98 = arith.constant 0 : i32
        %dma_wait3A_99 = tpu.memref_slice %arg10[%add3A_69, %dma_wait3A_98] : memref<10000x128xf32, #tpu.memory_space<vmem_shared>> -> memref<128x128xf32, #tpu.memory_space<vmem_shared>>
        tpu.wait_dma2 semaphore(%run_scoped3A : memref<!tpu.dma_semaphore, #tpu.memory_space<semaphore_mem>>) src(%dma_wait3A_99 : memref<128x128xf32, #tpu.memory_space<vmem_shared>>) dst(%dma_wait3A_97 : memref<128x128xf32, #tpu.memory_space<vmem>>)
        tpu.yield
      }) : () -> ()
      %mul3A_70 = arith.constant 1000 : i32
      %mul3A_71 = arith.muli %arg1, %mul3A_70 : i32
      %add3A_72 = arith.constant 768 : i32
      %add3A_73 = arith.addi %mul3A_71, %add3A_72 : i32
      "tpu.region"() ({
        %run_scoped3A = tpu.sem_alloc : memref<!tpu.dma_semaphore, #tpu.memory_space<semaphore_mem>>
        %dma_start3A = arith.constant 0 : i32
        %dma_start3A_82 = arith.constant 0 : i32
        %dma_start3A_83 = tpu.memref_slice %arg8[%dma_start3A, %dma_start3A_82] : memref<128x128xf32, #tpu.memory_space<vmem>> -> memref<128x128xf32, #tpu.memory_space<vmem>>
        %dma_start3A_84 = arith.constant 0 : i32
        %dma_start3A_85 = tpu.memref_slice %arg5[%arg0, %add3A_73, %dma_start3A_84] : memref<2x10000x128xf32, #tpu.memory_space<hbm>> -> memref<1x128x128xf32, #tpu.memory_space<hbm>>
        %dma_start3A_86 = tpu.memref_squeeze %dma_start3A_85 : memref<1x128x128xf32, #tpu.memory_space<hbm>> -> memref<128x128xf32, #tpu.memory_space<hbm>>
        %dma_start3A_87 = arith.constant 0 : i32
        %dma_start3A_88 = tpu.memref_slice %arg5[%arg0, %add3A_73, %dma_start3A_87] : memref<2x10000x128xf32, #tpu.memory_space<hbm>> -> memref<1x128x128xf32, #tpu.memory_space<hbm>>
        %dma_start3A_89 = tpu.memref_squeeze %dma_start3A_88 : memref<1x128x128xf32, #tpu.memory_space<hbm>> -> memref<128x128xf32, #tpu.memory_space<hbm>>
        %dma_start3A_90 = arith.constant 0 : i32
        %dma_start3A_91 = arith.constant 0 : i32
        %dma_start3A_92 = tpu.memref_slice %arg8[%dma_start3A_90, %dma_start3A_91] : memref<128x128xf32, #tpu.memory_space<vmem>> -> memref<128x128xf32, #tpu.memory_space<vmem>>
        tpu.enqueue_dma source(%dma_start3A_92 : memref<128x128xf32, #tpu.memory_space<vmem>>) target(%dma_start3A_89 : memref<128x128xf32, #tpu.memory_space<hbm>>) target_semaphore(%run_scoped3A : memref<!tpu.dma_semaphore, #tpu.memory_space<semaphore_mem>>)
        %dma_wait3A = arith.constant 0 : i32
        %dma_wait3A_93 = arith.constant 0 : i32
        %dma_wait3A_94 = tpu.memref_slice %arg8[%dma_wait3A, %dma_wait3A_93] : memref<128x128xf32, #tpu.memory_space<vmem>> -> memref<128x128xf32, #tpu.memory_space<vmem>>
        %dma_wait3A_95 = arith.constant 0 : i32
        %dma_wait3A_96 = tpu.memref_slice %arg5[%arg0, %add3A_73, %dma_wait3A_95] : memref<2x10000x128xf32, #tpu.memory_space<hbm>> -> memref<1x128x128xf32, #tpu.memory_space<hbm>>
        %dma_wait3A_97 = tpu.memref_squeeze %dma_wait3A_96 : memref<1x128x128xf32, #tpu.memory_space<hbm>> -> memref<128x128xf32, #tpu.memory_space<hbm>>
        %dma_wait3A_98 = arith.constant 0 : i32
        %dma_wait3A_99 = tpu.memref_slice %arg5[%arg0, %add3A_73, %dma_wait3A_98] : memref<2x10000x128xf32, #tpu.memory_space<hbm>> -> memref<1x128x128xf32, #tpu.memory_space<hbm>>
        %dma_wait3A_100 = tpu.memref_squeeze %dma_wait3A_99 : memref<1x128x128xf32, #tpu.memory_space<hbm>> -> memref<128x128xf32, #tpu.memory_space<hbm>>
        %dma_wait3A_101 = arith.constant 0 : i32
        %dma_wait3A_102 = arith.constant 0 : i32
        %dma_wait3A_103 = tpu.memref_slice %arg8[%dma_wait3A_101, %dma_wait3A_102] : memref<128x128xf32, #tpu.memory_space<vmem>> -> memref<128x128xf32, #tpu.memory_space<vmem>>
        tpu.wait_dma2 semaphore(%run_scoped3A : memref<!tpu.dma_semaphore, #tpu.memory_space<semaphore_mem>>) src(%dma_wait3A_103 : memref<128x128xf32, #tpu.memory_space<vmem>>) dst(%dma_wait3A_100 : memref<128x128xf32, #tpu.memory_space<hbm>>)
        tpu.yield
      }) : () -> ()
      %mul3A_74 = arith.constant 1000 : i32
      %mul3A_75 = arith.muli %arg1, %mul3A_74 : i32
      %add3A_76 = arith.constant 896 : i32
      %add3A_77 = arith.addi %mul3A_75, %add3A_76 : i32
      "tpu.region"() ({
        %run_scoped3A = tpu.sem_alloc : memref<!tpu.dma_semaphore, #tpu.memory_space<semaphore_mem>>
        %dma_start3A = arith.constant 0 : i32
        %dma_start3A_82 = arith.constant 0 : i32
        %dma_start3A_83 = tpu.memref_slice %arg8[%dma_start3A, %dma_start3A_82] : memref<128x128xf32, #tpu.memory_space<vmem>> -> memref<104x128xf32, #tpu.memory_space<vmem>>
        %dma_start3A_84 = arith.constant 0 : i32
        %dma_start3A_85 = tpu.memref_slice %arg10[%add3A_77, %dma_start3A_84] : memref<10000x128xf32, #tpu.memory_space<vmem_shared>> -> memref<104x128xf32, #tpu.memory_space<vmem_shared>>
        %dma_start3A_86 = arith.constant 0 : i32
        %dma_start3A_87 = arith.constant 0 : i32
        %dma_start3A_88 = tpu.memref_slice %arg8[%dma_start3A_86, %dma_start3A_87] : memref<128x128xf32, #tpu.memory_space<vmem>> -> memref<104x128xf32, #tpu.memory_space<vmem>>
        %dma_start3A_89 = arith.constant 0 : i32
        %dma_start3A_90 = tpu.memref_slice %arg10[%add3A_77, %dma_start3A_89] : memref<10000x128xf32, #tpu.memory_space<vmem_shared>> -> memref<104x128xf32, #tpu.memory_space<vmem_shared>>
        tpu.enqueue_dma source(%dma_start3A_90 : memref<104x128xf32, #tpu.memory_space<vmem_shared>>) target(%dma_start3A_88 : memref<104x128xf32, #tpu.memory_space<vmem>>) target_semaphore(%run_scoped3A : memref<!tpu.dma_semaphore, #tpu.memory_space<semaphore_mem>>)
        %dma_wait3A = arith.constant 0 : i32
        %dma_wait3A_91 = arith.constant 0 : i32
        %dma_wait3A_92 = tpu.memref_slice %arg8[%dma_wait3A, %dma_wait3A_91] : memref<128x128xf32, #tpu.memory_space<vmem>> -> memref<104x128xf32, #tpu.memory_space<vmem>>
        %dma_wait3A_93 = arith.constant 0 : i32
        %dma_wait3A_94 = tpu.memref_slice %arg10[%add3A_77, %dma_wait3A_93] : memref<10000x128xf32, #tpu.memory_space<vmem_shared>> -> memref<104x128xf32, #tpu.memory_space<vmem_shared>>
        %dma_wait3A_95 = arith.constant 0 : i32
        %dma_wait3A_96 = arith.constant 0 : i32
        %dma_wait3A_97 = tpu.memref_slice %arg8[%dma_wait3A_95, %dma_wait3A_96] : memref<128x128xf32, #tpu.memory_space<vmem>> -> memref<104x128xf32, #tpu.memory_space<vmem>>
        %dma_wait3A_98 = arith.constant 0 : i32
        %dma_wait3A_99 = tpu.memref_slice %arg10[%add3A_77, %dma_wait3A_98] : memref<10000x128xf32, #tpu.memory_space<vmem_shared>> -> memref<104x128xf32, #tpu.memory_space<vmem_shared>>
        tpu.wait_dma2 semaphore(%run_scoped3A : memref<!tpu.dma_semaphore, #tpu.memory_space<semaphore_mem>>) src(%dma_wait3A_99 : memref<104x128xf32, #tpu.memory_space<vmem_shared>>) dst(%dma_wait3A_97 : memref<104x128xf32, #tpu.memory_space<vmem>>)
        tpu.yield
      }) : () -> ()
      %mul3A_78 = arith.constant 1000 : i32
      %mul3A_79 = arith.muli %arg1, %mul3A_78 : i32
      %add3A_80 = arith.constant 896 : i32
      %add3A_81 = arith.addi %mul3A_79, %add3A_80 : i32
      "tpu.region"() ({
        %run_scoped3A = tpu.sem_alloc : memref<!tpu.dma_semaphore, #tpu.memory_space<semaphore_mem>>
        %dma_start3A = arith.constant 0 : i32
        %dma_start3A_82 = arith.constant 0 : i32
        %dma_start3A_83 = tpu.memref_slice %arg8[%dma_start3A, %dma_start3A_82] : memref<128x128xf32, #tpu.memory_space<vmem>> -> memref<104x128xf32, #tpu.memory_space<vmem>>
        %dma_start3A_84 = arith.constant 0 : i32
        %dma_start3A_85 = tpu.memref_slice %arg5[%arg0, %add3A_81, %dma_start3A_84] : memref<2x10000x128xf32, #tpu.memory_space<hbm>> -> memref<1x104x128xf32, #tpu.memory_space<hbm>>
        %dma_start3A_86 = tpu.memref_squeeze %dma_start3A_85 : memref<1x104x128xf32, #tpu.memory_space<hbm>> -> memref<104x128xf32, #tpu.memory_space<hbm>>
        %dma_start3A_87 = arith.constant 0 : i32
        %dma_start3A_88 = tpu.memref_slice %arg5[%arg0, %add3A_81, %dma_start3A_87] : memref<2x10000x128xf32, #tpu.memory_space<hbm>> -> memref<1x104x128xf32, #tpu.memory_space<hbm>>
        %dma_start3A_89 = tpu.memref_squeeze %dma_start3A_88 : memref<1x104x128xf32, #tpu.memory_space<hbm>> -> memref<104x128xf32, #tpu.memory_space<hbm>>
        %dma_start3A_90 = arith.constant 0 : i32
        %dma_start3A_91 = arith.constant 0 : i32
        %dma_start3A_92 = tpu.memref_slice %arg8[%dma_start3A_90, %dma_start3A_91] : memref<128x128xf32, #tpu.memory_space<vmem>> -> memref<104x128xf32, #tpu.memory_space<vmem>>
        tpu.enqueue_dma source(%dma_start3A_92 : memref<104x128xf32, #tpu.memory_space<vmem>>) target(%dma_start3A_89 : memref<104x128xf32, #tpu.memory_space<hbm>>) target_semaphore(%run_scoped3A : memref<!tpu.dma_semaphore, #tpu.memory_space<semaphore_mem>>)
        %dma_wait3A = arith.constant 0 : i32
        %dma_wait3A_93 = arith.constant 0 : i32
        %dma_wait3A_94 = tpu.memref_slice %arg8[%dma_wait3A, %dma_wait3A_93] : memref<128x128xf32, #tpu.memory_space<vmem>> -> memref<104x128xf32, #tpu.memory_space<vmem>>
        %dma_wait3A_95 = arith.constant 0 : i32
        %dma_wait3A_96 = tpu.memref_slice %arg5[%arg0, %add3A_81, %dma_wait3A_95] : memref<2x10000x128xf32, #tpu.memory_space<hbm>> -> memref<1x104x128xf32, #tpu.memory_space<hbm>>
        %dma_wait3A_97 = tpu.memref_squeeze %dma_wait3A_96 : memref<1x104x128xf32, #tpu.memory_space<hbm>> -> memref<104x128xf32, #tpu.memory_space<hbm>>
        %dma_wait3A_98 = arith.constant 0 : i32
        %dma_wait3A_99 = tpu.memref_slice %arg5[%arg0, %add3A_81, %dma_wait3A_98] : memref<2x10000x128xf32, #tpu.memory_space<hbm>> -> memref<1x104x128xf32, #tpu.memory_space<hbm>>
        %dma_wait3A_100 = tpu.memref_squeeze %dma_wait3A_99 : memref<1x104x128xf32, #tpu.memory_space<hbm>> -> memref<104x128xf32, #tpu.memory_space<hbm>>
        %dma_wait3A_101 = arith.constant 0 : i32
        %dma_wait3A_102 = arith.constant 0 : i32
        %dma_wait3A_103 = tpu.memref_slice %arg8[%dma_wait3A_101, %dma_wait3A_102] : memref<128x128xf32, #tpu.memory_space<vmem>> -> memref<104x128xf32, #tpu.memory_space<vmem>>
        tpu.wait_dma2 semaphore(%run_scoped3A : memref<!tpu.dma_semaphore, #tpu.memory_space<semaphore_mem>>) src(%dma_wait3A_103 : memref<104x128xf32, #tpu.memory_space<vmem>>) dst(%dma_wait3A_100 : memref<104x128xf32, #tpu.memory_space<hbm>>)
        tpu.yield
      }) : () -> ()
    } else {
    }
    return
  }
}

#map = affine_map<(d0, d1) -> (0, 0)>
#map1 = affine_map<(d0, d1) -> (0, 0, 0, 0)>
#map2 = affine_map<(d0, d1) -> (0, 0, 0)>
module attributes {stable_mosaic.version = 14 : i64} {
  func.func @_msg_body(%arg0: i32, %arg1: i32, %arg2: memref<10240x128xf32, #tpu.memory_space<hbm>>, %arg3: memref<32x2x42x128xi32, #tpu.memory_space<hbm>>, %arg4: memref<32x2x42x128xi32, #tpu.memory_space<hbm>>, %arg5: memref<2x10000x128xf32, #tpu.memory_space<hbm>>, %arg6: memref<42x128xi32, #tpu.memory_space<vmem>>, %arg7: memref<42x128xi32, #tpu.memory_space<vmem>>, %arg8: memref<128x128xf32, #tpu.memory_space<vmem>>, %arg9: memref<128x128xf32, #tpu.memory_space<vmem>>, %arg10: memref<10000x128xf32, #tpu.memory_space<vmem_shared>>, %arg11: memref<!tpu.dma_semaphore, #tpu.memory_space<semaphore_mem>>, %arg12: memref<!tpu.dma_semaphore, #tpu.memory_space<semaphore_mem>>) attributes {dimension_semantics = [#tpu.dimension_semantics<core_parallel>, #tpu.dimension_semantics<subcore_parallel>], iteration_bounds = array<i64: 2, 16>, scalar_prefetch = 0 : i64, scratch_operands = 7 : i64, tpu.core_type = #tpu.core_type<sc_vector_subcore>, window_params = [{transform_indices = #map}, {transform_indices = #map1}, {transform_indices = #map1}, {transform_indices = #map2}]} {
    %mul3A = arith.constant 16 : i32
    %mul3A_0 = arith.muli %arg0, %mul3A : i32
    %add3A = arith.addi %mul3A_0, %arg1 : i32
    %scan3A = arith.constant 0 : i32
    %scan3A_1 = arith.constant 128 : i32
    %scan3A_2 = arith.addi %scan3A, %scan3A_1 : i32
    %scan3A_3 = arith.constant 1 : i32
    scf.for %scan3A_18 = %scan3A to %scan3A_2 step %scan3A_3  : i32 {
      %mul3A_19 = arith.constant 1 : i32
      %mul3A_20 = arith.muli %scan3A_18, %mul3A_19 : i32
      %add3A_21 = arith.constant 0 : i32
      %add3A_22 = arith.addi %add3A_21, %mul3A_20 : i32
      %scan3A_23 = arith.constant 0 : i32
      %scan3A_24 = arith.constant 8 : i32
      %scan3A_25 = arith.addi %scan3A_23, %scan3A_24 : i32
      %scan3A_26 = arith.constant 1 : i32
      scf.for %scan3A_28 = %scan3A_23 to %scan3A_25 step %scan3A_26  : i32 {
        %mul3A_29 = arith.constant 1 : i32
        %mul3A_30 = arith.muli %scan3A_28, %mul3A_29 : i32
        %add3A_31 = arith.constant 0 : i32
        %add3A_32 = arith.addi %add3A_31, %mul3A_30 : i32
        %broadcast_in_dim3A = arith.constant 0.000000e+00 : f32
        %broadcast_in_dim3A_33 = vector.broadcast %broadcast_in_dim3A : f32 to vector<16xf32>
        %mul3A_34 = arith.constant 16 : i32
        %mul3A_35 = arith.muli %add3A_32, %mul3A_34 : i32
        %swap3A = arith.index_cast %add3A_22 : i32 to index
        %swap3A_36 = arith.index_cast %mul3A_35 : i32 to index
        %swap3A_37 = tpu.vector_load %arg8[%swap3A, %swap3A_36] {strides = array<i32>} : memref<128x128xf32, #tpu.memory_space<vmem>>, vector<1x16xf32>,
        %swap3A_38 = vector.shape_cast %swap3A_37 : vector<1x16xf32> to vector<16xf32>
        %swap3A_39 = vector.shape_cast %broadcast_in_dim3A_33 : vector<16xf32> to vector<1x16xf32>
        tpu.vector_store %arg8[%swap3A, %swap3A_36], %swap3A_39 {strides = array<i32>} : memref<128x128xf32, #tpu.memory_space<vmem>>, vector<1x16xf32>,
      }
      %scan3A_27 = arith.constant 8 : i32
    }
    %scan3A_4 = arith.constant 128 : i32
    %lt3A = arith.constant 10 : i32
    %lt3A_5 = arith.cmpi slt, %arg1, %lt3A : i32
    %convert_element_type3A = arith.extui %lt3A_5 : i1 to i32
    %cond3A = arith.constant 0 : i32
    %cond3A_6 = arith.cmpi ne, %convert_element_type3A, %cond3A : i32
    scf.if %cond3A_6 {
      %mul3A_18 = arith.constant 1000 : i32
      %mul3A_19 = arith.muli %arg1, %mul3A_18 : i32
      %add3A_20 = arith.constant 0 : i32
      %add3A_21 = arith.addi %mul3A_19, %add3A_20 : i32
      "tpu.region"() ({
        %run_scoped3A = tpu.sem_alloc : memref<!tpu.dma_semaphore, #tpu.memory_space<semaphore_mem>>
        %dma_start3A = arith.constant 0 : i32
        %dma_start3A_50 = arith.constant 0 : i32
        %dma_start3A_51 = tpu.memref_slice %arg8[%dma_start3A, %dma_start3A_50] : memref<128x128xf32, #tpu.memory_space<vmem>> -> memref<128x128xf32, #tpu.memory_space<vmem>>
        %dma_start3A_52 = arith.constant 0 : i32
        %dma_start3A_53 = tpu.memref_slice %arg10[%add3A_21, %dma_start3A_52] : memref<10000x128xf32, #tpu.memory_space<vmem_shared>> -> memref<128x128xf32, #tpu.memory_space<vmem_shared>>
        %dma_start3A_54 = arith.constant 0 : i32
        %dma_start3A_55 = tpu.memref_slice %arg10[%add3A_21, %dma_start3A_54] : memref<10000x128xf32, #tpu.memory_space<vmem_shared>> -> memref<128x128xf32, #tpu.memory_space<vmem_shared>>
        %dma_start3A_56 = arith.constant 0 : i32
        %dma_start3A_57 = arith.constant 0 : i32
        %dma_start3A_58 = tpu.memref_slice %arg8[%dma_start3A_56, %dma_start3A_57] : memref<128x128xf32, #tpu.memory_space<vmem>> -> memref<128x128xf32, #tpu.memory_space<vmem>>
        tpu.enqueue_dma source(%dma_start3A_58 : memref<128x128xf32, #tpu.memory_space<vmem>>) target(%dma_start3A_55 : memref<128x128xf32, #tpu.memory_space<vmem_shared>>) target_semaphore(%run_scoped3A : memref<!tpu.dma_semaphore, #tpu.memory_space<semaphore_mem>>)
        %dma_wait3A = arith.constant 0 : i32
        %dma_wait3A_59 = arith.constant 0 : i32
        %dma_wait3A_60 = tpu.memref_slice %arg8[%dma_wait3A, %dma_wait3A_59] : memref<128x128xf32, #tpu.memory_space<vmem>> -> memref<128x128xf32, #tpu.memory_space<vmem>>
        %dma_wait3A_61 = arith.constant 0 : i32
        %dma_wait3A_62 = tpu.memref_slice %arg10[%add3A_21, %dma_wait3A_61] : memref<10000x128xf32, #tpu.memory_space<vmem_shared>> -> memref<128x128xf32, #tpu.memory_space<vmem_shared>>
        %dma_wait3A_63 = arith.constant 0 : i32
        %dma_wait3A_64 = tpu.memref_slice %arg10[%add3A_21, %dma_wait3A_63] : memref<10000x128xf32, #tpu.memory_space<vmem_shared>> -> memref<128x128xf32, #tpu.memory_space<vmem_shared>>
        %dma_wait3A_65 = arith.constant 0 : i32
        %dma_wait3A_66 = arith.constant 0 : i32
        %dma_wait3A_67 = tpu.memref_slice %arg8[%dma_wait3A_65, %dma_wait3A_66] : memref<128x128xf32, #tpu.memory_space<vmem>> -> memref<128x128xf32, #tpu.memory_space<vmem>>
        tpu.wait_dma2 semaphore(%run_scoped3A : memref<!tpu.dma_semaphore, #tpu.memory_space<semaphore_mem>>) src(%dma_wait3A_67 : memref<128x128xf32, #tpu.memory_space<vmem>>) dst(%dma_wait3A_64 : memref<128x128xf32, #tpu.memory_space<vmem_shared>>)
        tpu.yield
      }) : () -> ()
      %mul3A_22 = arith.constant 1000 : i32
      %mul3A_23 = arith.muli %arg1, %mul3A_22 : i32
      %add3A_24 = arith.constant 128 : i32
      %add3A_25 = arith.addi %mul3A_23, %add3A_24 : i32
      "tpu.region"() ({
        %run_scoped3A = tpu.sem_alloc : memref<!tpu.dma_semaphore, #tpu.memory_space<semaphore_mem>>
        %dma_start3A = arith.constant 0 : i32
        %dma_start3A_50 = arith.constant 0 : i32
        %dma_start3A_51 = tpu.memref_slice %arg8[%dma_start3A, %dma_start3A_50] : memref<128x128xf32, #tpu.memory_space<vmem>> -> memref<128x128xf32, #tpu.memory_space<vmem>>
        %dma_start3A_52 = arith.constant 0 : i32
        %dma_start3A_53 = tpu.memref_slice %arg10[%add3A_25, %dma_start3A_52] : memref<10000x128xf32, #tpu.memory_space<vmem_shared>> -> memref<128x128xf32, #tpu.memory_space<vmem_shared>>
        %dma_start3A_54 = arith.constant 0 : i32
        %dma_start3A_55 = tpu.memref_slice %arg10[%add3A_25, %dma_start3A_54] : memref<10000x128xf32, #tpu.memory_space<vmem_shared>> -> memref<128x128xf32, #tpu.memory_space<vmem_shared>>
        %dma_start3A_56 = arith.constant 0 : i32
        %dma_start3A_57 = arith.constant 0 : i32
        %dma_start3A_58 = tpu.memref_slice %arg8[%dma_start3A_56, %dma_start3A_57] : memref<128x128xf32, #tpu.memory_space<vmem>> -> memref<128x128xf32, #tpu.memory_space<vmem>>
        tpu.enqueue_dma source(%dma_start3A_58 : memref<128x128xf32, #tpu.memory_space<vmem>>) target(%dma_start3A_55 : memref<128x128xf32, #tpu.memory_space<vmem_shared>>) target_semaphore(%run_scoped3A : memref<!tpu.dma_semaphore, #tpu.memory_space<semaphore_mem>>)
        %dma_wait3A = arith.constant 0 : i32
        %dma_wait3A_59 = arith.constant 0 : i32
        %dma_wait3A_60 = tpu.memref_slice %arg8[%dma_wait3A, %dma_wait3A_59] : memref<128x128xf32, #tpu.memory_space<vmem>> -> memref<128x128xf32, #tpu.memory_space<vmem>>
        %dma_wait3A_61 = arith.constant 0 : i32
        %dma_wait3A_62 = tpu.memref_slice %arg10[%add3A_25, %dma_wait3A_61] : memref<10000x128xf32, #tpu.memory_space<vmem_shared>> -> memref<128x128xf32, #tpu.memory_space<vmem_shared>>
        %dma_wait3A_63 = arith.constant 0 : i32
        %dma_wait3A_64 = tpu.memref_slice %arg10[%add3A_25, %dma_wait3A_63] : memref<10000x128xf32, #tpu.memory_space<vmem_shared>> -> memref<128x128xf32, #tpu.memory_space<vmem_shared>>
        %dma_wait3A_65 = arith.constant 0 : i32
        %dma_wait3A_66 = arith.constant 0 : i32
        %dma_wait3A_67 = tpu.memref_slice %arg8[%dma_wait3A_65, %dma_wait3A_66] : memref<128x128xf32, #tpu.memory_space<vmem>> -> memref<128x128xf32, #tpu.memory_space<vmem>>
        tpu.wait_dma2 semaphore(%run_scoped3A : memref<!tpu.dma_semaphore, #tpu.memory_space<semaphore_mem>>) src(%dma_wait3A_67 : memref<128x128xf32, #tpu.memory_space<vmem>>) dst(%dma_wait3A_64 : memref<128x128xf32, #tpu.memory_space<vmem_shared>>)
        tpu.yield
      }) : () -> ()
      %mul3A_26 = arith.constant 1000 : i32
      %mul3A_27 = arith.muli %arg1, %mul3A_26 : i32
      %add3A_28 = arith.constant 256 : i32
      %add3A_29 = arith.addi %mul3A_27, %add3A_28 : i32
      "tpu.region"() ({
        %run_scoped3A = tpu.sem_alloc : memref<!tpu.dma_semaphore, #tpu.memory_space<semaphore_mem>>
        %dma_start3A = arith.constant 0 : i32
        %dma_start3A_50 = arith.constant 0 : i32
        %dma_start3A_51 = tpu.memref_slice %arg8[%dma_start3A, %dma_start3A_50] : memref<128x128xf32, #tpu.memory_space<vmem>> -> memref<128x128xf32, #tpu.memory_space<vmem>>
        %dma_start3A_52 = arith.constant 0 : i32
        %dma_start3A_53 = tpu.memref_slice %arg10[%add3A_29, %dma_start3A_52] : memref<10000x128xf32, #tpu.memory_space<vmem_shared>> -> memref<128x128xf32, #tpu.memory_space<vmem_shared>>
        %dma_start3A_54 = arith.constant 0 : i32
        %dma_start3A_55 = tpu.memref_slice %arg10[%add3A_29, %dma_start3A_54] : memref<10000x128xf32, #tpu.memory_space<vmem_shared>> -> memref<128x128xf32, #tpu.memory_space<vmem_shared>>
        %dma_start3A_56 = arith.constant 0 : i32
        %dma_start3A_57 = arith.constant 0 : i32
        %dma_start3A_58 = tpu.memref_slice %arg8[%dma_start3A_56, %dma_start3A_57] : memref<128x128xf32, #tpu.memory_space<vmem>> -> memref<128x128xf32, #tpu.memory_space<vmem>>
        tpu.enqueue_dma source(%dma_start3A_58 : memref<128x128xf32, #tpu.memory_space<vmem>>) target(%dma_start3A_55 : memref<128x128xf32, #tpu.memory_space<vmem_shared>>) target_semaphore(%run_scoped3A : memref<!tpu.dma_semaphore, #tpu.memory_space<semaphore_mem>>)
        %dma_wait3A = arith.constant 0 : i32
        %dma_wait3A_59 = arith.constant 0 : i32
        %dma_wait3A_60 = tpu.memref_slice %arg8[%dma_wait3A, %dma_wait3A_59] : memref<128x128xf32, #tpu.memory_space<vmem>> -> memref<128x128xf32, #tpu.memory_space<vmem>>
        %dma_wait3A_61 = arith.constant 0 : i32
        %dma_wait3A_62 = tpu.memref_slice %arg10[%add3A_29, %dma_wait3A_61] : memref<10000x128xf32, #tpu.memory_space<vmem_shared>> -> memref<128x128xf32, #tpu.memory_space<vmem_shared>>
        %dma_wait3A_63 = arith.constant 0 : i32
        %dma_wait3A_64 = tpu.memref_slice %arg10[%add3A_29, %dma_wait3A_63] : memref<10000x128xf32, #tpu.memory_space<vmem_shared>> -> memref<128x128xf32, #tpu.memory_space<vmem_shared>>
        %dma_wait3A_65 = arith.constant 0 : i32
        %dma_wait3A_66 = arith.constant 0 : i32
        %dma_wait3A_67 = tpu.memref_slice %arg8[%dma_wait3A_65, %dma_wait3A_66] : memref<128x128xf32, #tpu.memory_space<vmem>> -> memref<128x128xf32, #tpu.memory_space<vmem>>
        tpu.wait_dma2 semaphore(%run_scoped3A : memref<!tpu.dma_semaphore, #tpu.memory_space<semaphore_mem>>) src(%dma_wait3A_67 : memref<128x128xf32, #tpu.memory_space<vmem>>) dst(%dma_wait3A_64 : memref<128x128xf32, #tpu.memory_space<vmem_shared>>)
        tpu.yield
      }) : () -> ()
      %mul3A_30 = arith.constant 1000 : i32
      %mul3A_31 = arith.muli %arg1, %mul3A_30 : i32
      %add3A_32 = arith.constant 384 : i32
      %add3A_33 = arith.addi %mul3A_31, %add3A_32 : i32
      "tpu.region"() ({
        %run_scoped3A = tpu.sem_alloc : memref<!tpu.dma_semaphore, #tpu.memory_space<semaphore_mem>>
        %dma_start3A = arith.constant 0 : i32
        %dma_start3A_50 = arith.constant 0 : i32
        %dma_start3A_51 = tpu.memref_slice %arg8[%dma_start3A, %dma_start3A_50] : memref<128x128xf32, #tpu.memory_space<vmem>> -> memref<128x128xf32, #tpu.memory_space<vmem>>
        %dma_start3A_52 = arith.constant 0 : i32
        %dma_start3A_53 = tpu.memref_slice %arg10[%add3A_33, %dma_start3A_52] : memref<10000x128xf32, #tpu.memory_space<vmem_shared>> -> memref<128x128xf32, #tpu.memory_space<vmem_shared>>
        %dma_start3A_54 = arith.constant 0 : i32
        %dma_start3A_55 = tpu.memref_slice %arg10[%add3A_33, %dma_start3A_54] : memref<10000x128xf32, #tpu.memory_space<vmem_shared>> -> memref<128x128xf32, #tpu.memory_space<vmem_shared>>
        %dma_start3A_56 = arith.constant 0 : i32
        %dma_start3A_57 = arith.constant 0 : i32
        %dma_start3A_58 = tpu.memref_slice %arg8[%dma_start3A_56, %dma_start3A_57] : memref<128x128xf32, #tpu.memory_space<vmem>> -> memref<128x128xf32, #tpu.memory_space<vmem>>
        tpu.enqueue_dma source(%dma_start3A_58 : memref<128x128xf32, #tpu.memory_space<vmem>>) target(%dma_start3A_55 : memref<128x128xf32, #tpu.memory_space<vmem_shared>>) target_semaphore(%run_scoped3A : memref<!tpu.dma_semaphore, #tpu.memory_space<semaphore_mem>>)
        %dma_wait3A = arith.constant 0 : i32
        %dma_wait3A_59 = arith.constant 0 : i32
        %dma_wait3A_60 = tpu.memref_slice %arg8[%dma_wait3A, %dma_wait3A_59] : memref<128x128xf32, #tpu.memory_space<vmem>> -> memref<128x128xf32, #tpu.memory_space<vmem>>
        %dma_wait3A_61 = arith.constant 0 : i32
        %dma_wait3A_62 = tpu.memref_slice %arg10[%add3A_33, %dma_wait3A_61] : memref<10000x128xf32, #tpu.memory_space<vmem_shared>> -> memref<128x128xf32, #tpu.memory_space<vmem_shared>>
        %dma_wait3A_63 = arith.constant 0 : i32
        %dma_wait3A_64 = tpu.memref_slice %arg10[%add3A_33, %dma_wait3A_63] : memref<10000x128xf32, #tpu.memory_space<vmem_shared>> -> memref<128x128xf32, #tpu.memory_space<vmem_shared>>
        %dma_wait3A_65 = arith.constant 0 : i32
        %dma_wait3A_66 = arith.constant 0 : i32
        %dma_wait3A_67 = tpu.memref_slice %arg8[%dma_wait3A_65, %dma_wait3A_66] : memref<128x128xf32, #tpu.memory_space<vmem>> -> memref<128x128xf32, #tpu.memory_space<vmem>>
        tpu.wait_dma2 semaphore(%run_scoped3A : memref<!tpu.dma_semaphore, #tpu.memory_space<semaphore_mem>>) src(%dma_wait3A_67 : memref<128x128xf32, #tpu.memory_space<vmem>>) dst(%dma_wait3A_64 : memref<128x128xf32, #tpu.memory_space<vmem_shared>>)
        tpu.yield
      }) : () -> ()
      %mul3A_34 = arith.constant 1000 : i32
      %mul3A_35 = arith.muli %arg1, %mul3A_34 : i32
      %add3A_36 = arith.constant 512 : i32
      %add3A_37 = arith.addi %mul3A_35, %add3A_36 : i32
      "tpu.region"() ({
        %run_scoped3A = tpu.sem_alloc : memref<!tpu.dma_semaphore, #tpu.memory_space<semaphore_mem>>
        %dma_start3A = arith.constant 0 : i32
        %dma_start3A_50 = arith.constant 0 : i32
        %dma_start3A_51 = tpu.memref_slice %arg8[%dma_start3A, %dma_start3A_50] : memref<128x128xf32, #tpu.memory_space<vmem>> -> memref<128x128xf32, #tpu.memory_space<vmem>>
        %dma_start3A_52 = arith.constant 0 : i32
        %dma_start3A_53 = tpu.memref_slice %arg10[%add3A_37, %dma_start3A_52] : memref<10000x128xf32, #tpu.memory_space<vmem_shared>> -> memref<128x128xf32, #tpu.memory_space<vmem_shared>>
        %dma_start3A_54 = arith.constant 0 : i32
        %dma_start3A_55 = tpu.memref_slice %arg10[%add3A_37, %dma_start3A_54] : memref<10000x128xf32, #tpu.memory_space<vmem_shared>> -> memref<128x128xf32, #tpu.memory_space<vmem_shared>>
        %dma_start3A_56 = arith.constant 0 : i32
        %dma_start3A_57 = arith.constant 0 : i32
        %dma_start3A_58 = tpu.memref_slice %arg8[%dma_start3A_56, %dma_start3A_57] : memref<128x128xf32, #tpu.memory_space<vmem>> -> memref<128x128xf32, #tpu.memory_space<vmem>>
        tpu.enqueue_dma source(%dma_start3A_58 : memref<128x128xf32, #tpu.memory_space<vmem>>) target(%dma_start3A_55 : memref<128x128xf32, #tpu.memory_space<vmem_shared>>) target_semaphore(%run_scoped3A : memref<!tpu.dma_semaphore, #tpu.memory_space<semaphore_mem>>)
        %dma_wait3A = arith.constant 0 : i32
        %dma_wait3A_59 = arith.constant 0 : i32
        %dma_wait3A_60 = tpu.memref_slice %arg8[%dma_wait3A, %dma_wait3A_59] : memref<128x128xf32, #tpu.memory_space<vmem>> -> memref<128x128xf32, #tpu.memory_space<vmem>>
        %dma_wait3A_61 = arith.constant 0 : i32
        %dma_wait3A_62 = tpu.memref_slice %arg10[%add3A_37, %dma_wait3A_61] : memref<10000x128xf32, #tpu.memory_space<vmem_shared>> -> memref<128x128xf32, #tpu.memory_space<vmem_shared>>
        %dma_wait3A_63 = arith.constant 0 : i32
        %dma_wait3A_64 = tpu.memref_slice %arg10[%add3A_37, %dma_wait3A_63] : memref<10000x128xf32, #tpu.memory_space<vmem_shared>> -> memref<128x128xf32, #tpu.memory_space<vmem_shared>>
        %dma_wait3A_65 = arith.constant 0 : i32
        %dma_wait3A_66 = arith.constant 0 : i32
        %dma_wait3A_67 = tpu.memref_slice %arg8[%dma_wait3A_65, %dma_wait3A_66] : memref<128x128xf32, #tpu.memory_space<vmem>> -> memref<128x128xf32, #tpu.memory_space<vmem>>
        tpu.wait_dma2 semaphore(%run_scoped3A : memref<!tpu.dma_semaphore, #tpu.memory_space<semaphore_mem>>) src(%dma_wait3A_67 : memref<128x128xf32, #tpu.memory_space<vmem>>) dst(%dma_wait3A_64 : memref<128x128xf32, #tpu.memory_space<vmem_shared>>)
        tpu.yield
      }) : () -> ()
      %mul3A_38 = arith.constant 1000 : i32
      %mul3A_39 = arith.muli %arg1, %mul3A_38 : i32
      %add3A_40 = arith.constant 640 : i32
      %add3A_41 = arith.addi %mul3A_39, %add3A_40 : i32
      "tpu.region"() ({
        %run_scoped3A = tpu.sem_alloc : memref<!tpu.dma_semaphore, #tpu.memory_space<semaphore_mem>>
        %dma_start3A = arith.constant 0 : i32
        %dma_start3A_50 = arith.constant 0 : i32
        %dma_start3A_51 = tpu.memref_slice %arg8[%dma_start3A, %dma_start3A_50] : memref<128x128xf32, #tpu.memory_space<vmem>> -> memref<128x128xf32, #tpu.memory_space<vmem>>
        %dma_start3A_52 = arith.constant 0 : i32
        %dma_start3A_53 = tpu.memref_slice %arg10[%add3A_41, %dma_start3A_52] : memref<10000x128xf32, #tpu.memory_space<vmem_shared>> -> memref<128x128xf32, #tpu.memory_space<vmem_shared>>
        %dma_start3A_54 = arith.constant 0 : i32
        %dma_start3A_55 = tpu.memref_slice %arg10[%add3A_41, %dma_start3A_54] : memref<10000x128xf32, #tpu.memory_space<vmem_shared>> -> memref<128x128xf32, #tpu.memory_space<vmem_shared>>
        %dma_start3A_56 = arith.constant 0 : i32
        %dma_start3A_57 = arith.constant 0 : i32
        %dma_start3A_58 = tpu.memref_slice %arg8[%dma_start3A_56, %dma_start3A_57] : memref<128x128xf32, #tpu.memory_space<vmem>> -> memref<128x128xf32, #tpu.memory_space<vmem>>
        tpu.enqueue_dma source(%dma_start3A_58 : memref<128x128xf32, #tpu.memory_space<vmem>>) target(%dma_start3A_55 : memref<128x128xf32, #tpu.memory_space<vmem_shared>>) target_semaphore(%run_scoped3A : memref<!tpu.dma_semaphore, #tpu.memory_space<semaphore_mem>>)
        %dma_wait3A = arith.constant 0 : i32
        %dma_wait3A_59 = arith.constant 0 : i32
        %dma_wait3A_60 = tpu.memref_slice %arg8[%dma_wait3A, %dma_wait3A_59] : memref<128x128xf32, #tpu.memory_space<vmem>> -> memref<128x128xf32, #tpu.memory_space<vmem>>
        %dma_wait3A_61 = arith.constant 0 : i32
        %dma_wait3A_62 = tpu.memref_slice %arg10[%add3A_41, %dma_wait3A_61] : memref<10000x128xf32, #tpu.memory_space<vmem_shared>> -> memref<128x128xf32, #tpu.memory_space<vmem_shared>>
        %dma_wait3A_63 = arith.constant 0 : i32
        %dma_wait3A_64 = tpu.memref_slice %arg10[%add3A_41, %dma_wait3A_63] : memref<10000x128xf32, #tpu.memory_space<vmem_shared>> -> memref<128x128xf32, #tpu.memory_space<vmem_shared>>
        %dma_wait3A_65 = arith.constant 0 : i32
        %dma_wait3A_66 = arith.constant 0 : i32
        %dma_wait3A_67 = tpu.memref_slice %arg8[%dma_wait3A_65, %dma_wait3A_66] : memref<128x128xf32, #tpu.memory_space<vmem>> -> memref<128x128xf32, #tpu.memory_space<vmem>>
        tpu.wait_dma2 semaphore(%run_scoped3A : memref<!tpu.dma_semaphore, #tpu.memory_space<semaphore_mem>>) src(%dma_wait3A_67 : memref<128x128xf32, #tpu.memory_space<vmem>>) dst(%dma_wait3A_64 : memref<128x128xf32, #tpu.memory_space<vmem_shared>>)
        tpu.yield
      }) : () -> ()
      %mul3A_42 = arith.constant 1000 : i32
      %mul3A_43 = arith.muli %arg1, %mul3A_42 : i32
      %add3A_44 = arith.constant 768 : i32
      %add3A_45 = arith.addi %mul3A_43, %add3A_44 : i32
      "tpu.region"() ({
        %run_scoped3A = tpu.sem_alloc : memref<!tpu.dma_semaphore, #tpu.memory_space<semaphore_mem>>
        %dma_start3A = arith.constant 0 : i32
        %dma_start3A_50 = arith.constant 0 : i32
        %dma_start3A_51 = tpu.memref_slice %arg8[%dma_start3A, %dma_start3A_50] : memref<128x128xf32, #tpu.memory_space<vmem>> -> memref<128x128xf32, #tpu.memory_space<vmem>>
        %dma_start3A_52 = arith.constant 0 : i32
        %dma_start3A_53 = tpu.memref_slice %arg10[%add3A_45, %dma_start3A_52] : memref<10000x128xf32, #tpu.memory_space<vmem_shared>> -> memref<128x128xf32, #tpu.memory_space<vmem_shared>>
        %dma_start3A_54 = arith.constant 0 : i32
        %dma_start3A_55 = tpu.memref_slice %arg10[%add3A_45, %dma_start3A_54] : memref<10000x128xf32, #tpu.memory_space<vmem_shared>> -> memref<128x128xf32, #tpu.memory_space<vmem_shared>>
        %dma_start3A_56 = arith.constant 0 : i32
        %dma_start3A_57 = arith.constant 0 : i32
        %dma_start3A_58 = tpu.memref_slice %arg8[%dma_start3A_56, %dma_start3A_57] : memref<128x128xf32, #tpu.memory_space<vmem>> -> memref<128x128xf32, #tpu.memory_space<vmem>>
        tpu.enqueue_dma source(%dma_start3A_58 : memref<128x128xf32, #tpu.memory_space<vmem>>) target(%dma_start3A_55 : memref<128x128xf32, #tpu.memory_space<vmem_shared>>) target_semaphore(%run_scoped3A : memref<!tpu.dma_semaphore, #tpu.memory_space<semaphore_mem>>)
        %dma_wait3A = arith.constant 0 : i32
        %dma_wait3A_59 = arith.constant 0 : i32
        %dma_wait3A_60 = tpu.memref_slice %arg8[%dma_wait3A, %dma_wait3A_59] : memref<128x128xf32, #tpu.memory_space<vmem>> -> memref<128x128xf32, #tpu.memory_space<vmem>>
        %dma_wait3A_61 = arith.constant 0 : i32
        %dma_wait3A_62 = tpu.memref_slice %arg10[%add3A_45, %dma_wait3A_61] : memref<10000x128xf32, #tpu.memory_space<vmem_shared>> -> memref<128x128xf32, #tpu.memory_space<vmem_shared>>
        %dma_wait3A_63 = arith.constant 0 : i32
        %dma_wait3A_64 = tpu.memref_slice %arg10[%add3A_45, %dma_wait3A_63] : memref<10000x128xf32, #tpu.memory_space<vmem_shared>> -> memref<128x128xf32, #tpu.memory_space<vmem_shared>>
        %dma_wait3A_65 = arith.constant 0 : i32
        %dma_wait3A_66 = arith.constant 0 : i32
        %dma_wait3A_67 = tpu.memref_slice %arg8[%dma_wait3A_65, %dma_wait3A_66] : memref<128x128xf32, #tpu.memory_space<vmem>> -> memref<128x128xf32, #tpu.memory_space<vmem>>
        tpu.wait_dma2 semaphore(%run_scoped3A : memref<!tpu.dma_semaphore, #tpu.memory_space<semaphore_mem>>) src(%dma_wait3A_67 : memref<128x128xf32, #tpu.memory_space<vmem>>) dst(%dma_wait3A_64 : memref<128x128xf32, #tpu.memory_space<vmem_shared>>)
        tpu.yield
      }) : () -> ()
      %mul3A_46 = arith.constant 1000 : i32
      %mul3A_47 = arith.muli %arg1, %mul3A_46 : i32
      %add3A_48 = arith.constant 896 : i32
      %add3A_49 = arith.addi %mul3A_47, %add3A_48 : i32
      "tpu.region"() ({
        %run_scoped3A = tpu.sem_alloc : memref<!tpu.dma_semaphore, #tpu.memory_space<semaphore_mem>>
        %dma_start3A = arith.constant 0 : i32
        %dma_start3A_50 = arith.constant 0 : i32
        %dma_start3A_51 = tpu.memref_slice %arg8[%dma_start3A, %dma_start3A_50] : memref<128x128xf32, #tpu.memory_space<vmem>> -> memref<104x128xf32, #tpu.memory_space<vmem>>
        %dma_start3A_52 = arith.constant 0 : i32
        %dma_start3A_53 = tpu.memref_slice %arg10[%add3A_49, %dma_start3A_52] : memref<10000x128xf32, #tpu.memory_space<vmem_shared>> -> memref<104x128xf32, #tpu.memory_space<vmem_shared>>
        %dma_start3A_54 = arith.constant 0 : i32
        %dma_start3A_55 = tpu.memref_slice %arg10[%add3A_49, %dma_start3A_54] : memref<10000x128xf32, #tpu.memory_space<vmem_shared>> -> memref<104x128xf32, #tpu.memory_space<vmem_shared>>
        %dma_start3A_56 = arith.constant 0 : i32
        %dma_start3A_57 = arith.constant 0 : i32
        %dma_start3A_58 = tpu.memref_slice %arg8[%dma_start3A_56, %dma_start3A_57] : memref<128x128xf32, #tpu.memory_space<vmem>> -> memref<104x128xf32, #tpu.memory_space<vmem>>
        tpu.enqueue_dma source(%dma_start3A_58 : memref<104x128xf32, #tpu.memory_space<vmem>>) target(%dma_start3A_55 : memref<104x128xf32, #tpu.memory_space<vmem_shared>>) target_semaphore(%run_scoped3A : memref<!tpu.dma_semaphore, #tpu.memory_space<semaphore_mem>>)
        %dma_wait3A = arith.constant 0 : i32
        %dma_wait3A_59 = arith.constant 0 : i32
        %dma_wait3A_60 = tpu.memref_slice %arg8[%dma_wait3A, %dma_wait3A_59] : memref<128x128xf32, #tpu.memory_space<vmem>> -> memref<104x128xf32, #tpu.memory_space<vmem>>
        %dma_wait3A_61 = arith.constant 0 : i32
        %dma_wait3A_62 = tpu.memref_slice %arg10[%add3A_49, %dma_wait3A_61] : memref<10000x128xf32, #tpu.memory_space<vmem_shared>> -> memref<104x128xf32, #tpu.memory_space<vmem_shared>>
        %dma_wait3A_63 = arith.constant 0 : i32
        %dma_wait3A_64 = tpu.memref_slice %arg10[%add3A_49, %dma_wait3A_63] : memref<10000x128xf32, #tpu.memory_space<vmem_shared>> -> memref<104x128xf32, #tpu.memory_space<vmem_shared>>
        %dma_wait3A_65 = arith.constant 0 : i32
        %dma_wait3A_66 = arith.constant 0 : i32
        %dma_wait3A_67 = tpu.memref_slice %arg8[%dma_wait3A_65, %dma_wait3A_66] : memref<128x128xf32, #tpu.memory_space<vmem>> -> memref<104x128xf32, #tpu.memory_space<vmem>>
        tpu.wait_dma2 semaphore(%run_scoped3A : memref<!tpu.dma_semaphore, #tpu.memory_space<semaphore_mem>>) src(%dma_wait3A_67 : memref<104x128xf32, #tpu.memory_space<vmem>>) dst(%dma_wait3A_64 : memref<104x128xf32, #tpu.memory_space<vmem_shared>>)
        tpu.yield
      }) : () -> ()
    } else {
    }
    %barrier3A = arith.constant 0 : index
    tpu.barrier barrier_id(%barrier3A)
    %scan3A_7 = arith.constant 0 : i32
    %scan3A_8 = arith.constant 2 : i32
    %scan3A_9 = arith.addi %scan3A_7, %scan3A_8 : i32
    %scan3A_10 = arith.constant 1 : i32
    scf.for %scan3A_18 = %scan3A_7 to %scan3A_9 step %scan3A_10  : i32 {
      %mul3A_19 = arith.constant 1 : i32
      %mul3A_20 = arith.muli %scan3A_18, %mul3A_19 : i32
      %add3A_21 = arith.constant 0 : i32
      %add3A_22 = arith.addi %add3A_21, %mul3A_20 : i32
      "tpu.region"() ({
        %run_scoped3A = tpu.sem_alloc : memref<!tpu.dma_semaphore, #tpu.memory_space<semaphore_mem>>
        %dma_start3A_34 = arith.constant 0 : i32
        %dma_start3A_35 = arith.constant 0 : i32
        %dma_start3A_36 = tpu.memref_slice %arg3[%add3A, %add3A_22, %dma_start3A_34, %dma_start3A_35] : memref<32x2x42x128xi32, #tpu.memory_space<hbm>> -> memref<1x1x42x128xi32, #tpu.memory_space<hbm>>
        %dma_start3A_37 = tpu.memref_squeeze %dma_start3A_36 : memref<1x1x42x128xi32, #tpu.memory_space<hbm>> -> memref<42x128xi32, #tpu.memory_space<hbm>>
        %dma_start3A_38 = arith.constant 0 : i32
        %dma_start3A_39 = arith.constant 0 : i32
        %dma_start3A_40 = tpu.memref_slice %arg3[%add3A, %add3A_22, %dma_start3A_38, %dma_start3A_39] : memref<32x2x42x128xi32, #tpu.memory_space<hbm>> -> memref<1x1x42x128xi32, #tpu.memory_space<hbm>>
        %dma_start3A_41 = tpu.memref_squeeze %dma_start3A_40 : memref<1x1x42x128xi32, #tpu.memory_space<hbm>> -> memref<42x128xi32, #tpu.memory_space<hbm>>
        tpu.enqueue_dma source(%dma_start3A_41 : memref<42x128xi32, #tpu.memory_space<hbm>>) target(%arg6 : memref<42x128xi32, #tpu.memory_space<vmem>>) target_semaphore(%run_scoped3A : memref<!tpu.dma_semaphore, #tpu.memory_space<semaphore_mem>>)
        %dma_wait3A = arith.constant 0 : i32
        %dma_wait3A_42 = arith.constant 0 : i32
        %dma_wait3A_43 = tpu.memref_slice %arg3[%add3A, %add3A_22, %dma_wait3A, %dma_wait3A_42] : memref<32x2x42x128xi32, #tpu.memory_space<hbm>> -> memref<1x1x42x128xi32, #tpu.memory_space<hbm>>
        %dma_wait3A_44 = tpu.memref_squeeze %dma_wait3A_43 : memref<1x1x42x128xi32, #tpu.memory_space<hbm>> -> memref<42x128xi32, #tpu.memory_space<hbm>>
        %dma_wait3A_45 = arith.constant 0 : i32
        %dma_wait3A_46 = arith.constant 0 : i32
        %dma_wait3A_47 = tpu.memref_slice %arg3[%add3A, %add3A_22, %dma_wait3A_45, %dma_wait3A_46] : memref<32x2x42x128xi32, #tpu.memory_space<hbm>> -> memref<1x1x42x128xi32, #tpu.memory_space<hbm>>
        %dma_wait3A_48 = tpu.memref_squeeze %dma_wait3A_47 : memref<1x1x42x128xi32, #tpu.memory_space<hbm>> -> memref<42x128xi32, #tpu.memory_space<hbm>>
        tpu.wait_dma2 semaphore(%run_scoped3A : memref<!tpu.dma_semaphore, #tpu.memory_space<semaphore_mem>>) src(%dma_wait3A_48 : memref<42x128xi32, #tpu.memory_space<hbm>>) dst(%arg6 : memref<42x128xi32, #tpu.memory_space<vmem>>)
        tpu.yield
      }) : () -> ()
      "tpu.region"() ({
        %run_scoped3A = tpu.sem_alloc : memref<!tpu.dma_semaphore, #tpu.memory_space<semaphore_mem>>
        %dma_start3A_34 = arith.constant 0 : i32
        %dma_start3A_35 = arith.constant 0 : i32
        %dma_start3A_36 = tpu.memref_slice %arg4[%add3A, %add3A_22, %dma_start3A_34, %dma_start3A_35] : memref<32x2x42x128xi32, #tpu.memory_space<hbm>> -> memref<1x1x42x128xi32, #tpu.memory_space<hbm>>
        %dma_start3A_37 = tpu.memref_squeeze %dma_start3A_36 : memref<1x1x42x128xi32, #tpu.memory_space<hbm>> -> memref<42x128xi32, #tpu.memory_space<hbm>>
        %dma_start3A_38 = arith.constant 0 : i32
        %dma_start3A_39 = arith.constant 0 : i32
        %dma_start3A_40 = tpu.memref_slice %arg4[%add3A, %add3A_22, %dma_start3A_38, %dma_start3A_39] : memref<32x2x42x128xi32, #tpu.memory_space<hbm>> -> memref<1x1x42x128xi32, #tpu.memory_space<hbm>>
        %dma_start3A_41 = tpu.memref_squeeze %dma_start3A_40 : memref<1x1x42x128xi32, #tpu.memory_space<hbm>> -> memref<42x128xi32, #tpu.memory_space<hbm>>
        tpu.enqueue_dma source(%dma_start3A_41 : memref<42x128xi32, #tpu.memory_space<hbm>>) target(%arg7 : memref<42x128xi32, #tpu.memory_space<vmem>>) target_semaphore(%run_scoped3A : memref<!tpu.dma_semaphore, #tpu.memory_space<semaphore_mem>>)
        %dma_wait3A = arith.constant 0 : i32
        %dma_wait3A_42 = arith.constant 0 : i32
        %dma_wait3A_43 = tpu.memref_slice %arg4[%add3A, %add3A_22, %dma_wait3A, %dma_wait3A_42] : memref<32x2x42x128xi32, #tpu.memory_space<hbm>> -> memref<1x1x42x128xi32, #tpu.memory_space<hbm>>
        %dma_wait3A_44 = tpu.memref_squeeze %dma_wait3A_43 : memref<1x1x42x128xi32, #tpu.memory_space<hbm>> -> memref<42x128xi32, #tpu.memory_space<hbm>>
        %dma_wait3A_45 = arith.constant 0 : i32
        %dma_wait3A_46 = arith.constant 0 : i32
        %dma_wait3A_47 = tpu.memref_slice %arg4[%add3A, %add3A_22, %dma_wait3A_45, %dma_wait3A_46] : memref<32x2x42x128xi32, #tpu.memory_space<hbm>> -> memref<1x1x42x128xi32, #tpu.memory_space<hbm>>
        %dma_wait3A_48 = tpu.memref_squeeze %dma_wait3A_47 : memref<1x1x42x128xi32, #tpu.memory_space<hbm>> -> memref<42x128xi32, #tpu.memory_space<hbm>>
        tpu.wait_dma2 semaphore(%run_scoped3A : memref<!tpu.dma_semaphore, #tpu.memory_space<semaphore_mem>>) src(%dma_wait3A_48 : memref<42x128xi32, #tpu.memory_space<hbm>>) dst(%arg7 : memref<42x128xi32, #tpu.memory_space<vmem>>)
        tpu.yield
      }) : () -> ()
      %dma_start3A = arith.constant 0 : i32
      %dma_start3A_23 = arith.constant 0 : i32
      %dma_start3A_24 = tpu.memref_slice %arg6[%dma_start3A, %dma_start3A_23] : memref<42x128xi32, #tpu.memory_space<vmem>> -> memref<1x128xi32, #tpu.memory_space<vmem>>
      %dma_start3A_25 = tpu.memref_squeeze %dma_start3A_24 : memref<1x128xi32, #tpu.memory_space<vmem>> -> memref<128xi32, #tpu.memory_space<vmem>>
      %dma_start3A_26 = arith.constant 0 : i32
      %dma_start3A_27 = arith.constant 0 : i32
      %dma_start3A_28 = tpu.memref_slice %arg2[%dma_start3A_26, %dma_start3A_27] : memref<10240x128xf32, #tpu.memory_space<hbm>> -> memref<10240x128xf32, #tpu.memory_space<hbm>>
      tpu.enqueue_indirect_dma source(%dma_start3A_28 : memref<10240x128xf32, #tpu.memory_space<hbm>>) target(%arg8 : memref<128x128xf32, #tpu.memory_space<vmem>>) offsets(%dma_start3A_25 : memref<128xi32, #tpu.memory_space<vmem>>) semaphore(%arg11 : memref<!tpu.dma_semaphore, #tpu.memory_space<semaphore_mem>>)
      %scan3A_29 = arith.constant 0 : i32
      %scan3A_30 = arith.constant 21 : i32
      %scan3A_31 = arith.addi %scan3A_29, %scan3A_30 : i32
      %scan3A_32 = arith.constant 1 : i32
      scf.for %scan3A_34 = %scan3A_29 to %scan3A_31 step %scan3A_32  : i32 {
        %mul3A_35 = arith.constant 1 : i32
        %mul3A_36 = arith.muli %scan3A_34, %mul3A_35 : i32
        %add3A_37 = arith.constant 0 : i32
        %add3A_38 = arith.addi %add3A_37, %mul3A_36 : i32
        %mul3A_39 = arith.constant 2 : i32
        %mul3A_40 = arith.muli %add3A_38, %mul3A_39 : i32
        %dma_wait3A = arith.constant 0 : i32
        %dma_wait3A_41 = tpu.memref_slice %arg6[%mul3A_40, %dma_wait3A] : memref<42x128xi32, #tpu.memory_space<vmem>> -> memref<1x128xi32, #tpu.memory_space<vmem>>
        %dma_wait3A_42 = tpu.memref_squeeze %dma_wait3A_41 : memref<1x128xi32, #tpu.memory_space<vmem>> -> memref<128xi32, #tpu.memory_space<vmem>>
        %dma_wait3A_43 = arith.constant 0 : i32
        %dma_wait3A_44 = arith.constant 0 : i32
        %dma_wait3A_45 = tpu.memref_slice %arg2[%dma_wait3A_43, %dma_wait3A_44] : memref<10240x128xf32, #tpu.memory_space<hbm>> -> memref<10240x128xf32, #tpu.memory_space<hbm>>
        tpu.wait_indirect_dma semaphore(%arg11 : memref<!tpu.dma_semaphore, #tpu.memory_space<semaphore_mem>>) src(%dma_wait3A_45 : memref<10240x128xf32, #tpu.memory_space<hbm>>) dst(%arg8 : memref<128x128xf32, #tpu.memory_space<vmem>>)
        %add3A_46 = arith.constant 1 : i32
        %add3A_47 = arith.addi %mul3A_40, %add3A_46 : i32
        %dma_start3A_48 = arith.constant 0 : i32
        %dma_start3A_49 = tpu.memref_slice %arg6[%add3A_47, %dma_start3A_48] : memref<42x128xi32, #tpu.memory_space<vmem>> -> memref<1x128xi32, #tpu.memory_space<vmem>>
        %dma_start3A_50 = tpu.memref_squeeze %dma_start3A_49 : memref<1x128xi32, #tpu.memory_space<vmem>> -> memref<128xi32, #tpu.memory_space<vmem>>
        %dma_start3A_51 = arith.constant 0 : i32
        %dma_start3A_52 = arith.constant 0 : i32
        %dma_start3A_53 = tpu.memref_slice %arg2[%dma_start3A_51, %dma_start3A_52] : memref<10240x128xf32, #tpu.memory_space<hbm>> -> memref<10240x128xf32, #tpu.memory_space<hbm>>
        tpu.enqueue_indirect_dma source(%dma_start3A_53 : memref<10240x128xf32, #tpu.memory_space<hbm>>) target(%arg9 : memref<128x128xf32, #tpu.memory_space<vmem>>) offsets(%dma_start3A_50 : memref<128xi32, #tpu.memory_space<vmem>>) semaphore(%arg12 : memref<!tpu.dma_semaphore, #tpu.memory_space<semaphore_mem>>)
        "tpu.region"() ({
          %run_scoped3A = tpu.sem_alloc : memref<!tpu.dma_semaphore, #tpu.memory_space<semaphore_mem>>
          %dma_start3A_71 = arith.constant 0 : i32
          %dma_start3A_72 = tpu.memref_slice %arg7[%mul3A_40, %dma_start3A_71] : memref<42x128xi32, #tpu.memory_space<vmem>> -> memref<1x128xi32, #tpu.memory_space<vmem>>
          %dma_start3A_73 = tpu.memref_squeeze %dma_start3A_72 : memref<1x128xi32, #tpu.memory_space<vmem>> -> memref<128xi32, #tpu.memory_space<vmem>>
          %dma_start3A_74 = arith.constant 0 : i32
          %dma_start3A_75 = arith.constant 0 : i32
          %dma_start3A_76 = tpu.memref_slice %arg10[%dma_start3A_74, %dma_start3A_75] : memref<10000x128xf32, #tpu.memory_space<vmem_shared>> -> memref<10000x128xf32, #tpu.memory_space<vmem_shared>>
          tpu.enqueue_indirect_dma source(%arg8 : memref<128x128xf32, #tpu.memory_space<vmem>>) target(%dma_start3A_76 : memref<10000x128xf32, #tpu.memory_space<vmem_shared>>) offsets(%dma_start3A_73 : memref<128xi32, #tpu.memory_space<vmem>>) semaphore(%run_scoped3A : memref<!tpu.dma_semaphore, #tpu.memory_space<semaphore_mem>>) {add = true}
          %dma_wait3A_77 = arith.constant 0 : i32
          %dma_wait3A_78 = tpu.memref_slice %arg7[%mul3A_40, %dma_wait3A_77] : memref<42x128xi32, #tpu.memory_space<vmem>> -> memref<1x128xi32, #tpu.memory_space<vmem>>
          %dma_wait3A_79 = tpu.memref_squeeze %dma_wait3A_78 : memref<1x128xi32, #tpu.memory_space<vmem>> -> memref<128xi32, #tpu.memory_space<vmem>>
          %dma_wait3A_80 = arith.constant 0 : i32
          %dma_wait3A_81 = arith.constant 0 : i32
          %dma_wait3A_82 = tpu.memref_slice %arg10[%dma_wait3A_80, %dma_wait3A_81] : memref<10000x128xf32, #tpu.memory_space<vmem_shared>> -> memref<10000x128xf32, #tpu.memory_space<vmem_shared>>
          tpu.wait_indirect_dma semaphore(%run_scoped3A : memref<!tpu.dma_semaphore, #tpu.memory_space<semaphore_mem>>) src(%arg8 : memref<128x128xf32, #tpu.memory_space<vmem>>) dst(%dma_wait3A_82 : memref<10000x128xf32, #tpu.memory_space<vmem_shared>>)
          tpu.yield
        }) : () -> ()
        %add3A_54 = arith.constant 1 : i32
        %add3A_55 = arith.addi %mul3A_40, %add3A_54 : i32
        %dma_wait3A_56 = arith.constant 0 : i32
        %dma_wait3A_57 = tpu.memref_slice %arg6[%add3A_55, %dma_wait3A_56] : memref<42x128xi32, #tpu.memory_space<vmem>> -> memref<1x128xi32, #tpu.memory_space<vmem>>
        %dma_wait3A_58 = tpu.memref_squeeze %dma_wait3A_57 : memref<1x128xi32, #tpu.memory_space<vmem>> -> memref<128xi32, #tpu.memory_space<vmem>>
        %dma_wait3A_59 = arith.constant 0 : i32
        %dma_wait3A_60 = arith.constant 0 : i32
        %dma_wait3A_61 = tpu.memref_slice %arg2[%dma_wait3A_59, %dma_wait3A_60] : memref<10240x128xf32, #tpu.memory_space<hbm>> -> memref<10240x128xf32, #tpu.memory_space<hbm>>
        tpu.wait_indirect_dma semaphore(%arg12 : memref<!tpu.dma_semaphore, #tpu.memory_space<semaphore_mem>>) src(%dma_wait3A_61 : memref<10240x128xf32, #tpu.memory_space<hbm>>) dst(%arg9 : memref<128x128xf32, #tpu.memory_space<vmem>>)
        %add3A_62 = arith.constant 1 : i32
        %add3A_63 = arith.addi %add3A_38, %add3A_62 : i32
        %lt3A_64 = arith.constant 21 : i32
        %lt3A_65 = arith.cmpi slt, %add3A_63, %lt3A_64 : i32
        %convert_element_type3A_66 = arith.extui %lt3A_65 : i1 to i32
        %cond3A_67 = arith.constant 0 : i32
        %cond3A_68 = arith.cmpi ne, %convert_element_type3A_66, %cond3A_67 : i32
        scf.if %cond3A_68 {
          %add3A_71 = arith.constant 2 : i32
          %add3A_72 = arith.addi %mul3A_40, %add3A_71 : i32
          %dma_start3A_73 = arith.constant 0 : i32
          %dma_start3A_74 = tpu.memref_slice %arg6[%add3A_72, %dma_start3A_73] : memref<42x128xi32, #tpu.memory_space<vmem>> -> memref<1x128xi32, #tpu.memory_space<vmem>>
          %dma_start3A_75 = tpu.memref_squeeze %dma_start3A_74 : memref<1x128xi32, #tpu.memory_space<vmem>> -> memref<128xi32, #tpu.memory_space<vmem>>
          %dma_start3A_76 = arith.constant 0 : i32
          %dma_start3A_77 = arith.constant 0 : i32
          %dma_start3A_78 = tpu.memref_slice %arg2[%dma_start3A_76, %dma_start3A_77] : memref<10240x128xf32, #tpu.memory_space<hbm>> -> memref<10240x128xf32, #tpu.memory_space<hbm>>
          tpu.enqueue_indirect_dma source(%dma_start3A_78 : memref<10240x128xf32, #tpu.memory_space<hbm>>) target(%arg8 : memref<128x128xf32, #tpu.memory_space<vmem>>) offsets(%dma_start3A_75 : memref<128xi32, #tpu.memory_space<vmem>>) semaphore(%arg11 : memref<!tpu.dma_semaphore, #tpu.memory_space<semaphore_mem>>)
        } else {
        }
        %add3A_69 = arith.constant 1 : i32
        %add3A_70 = arith.addi %mul3A_40, %add3A_69 : i32
        "tpu.region"() ({
          %run_scoped3A = tpu.sem_alloc : memref<!tpu.dma_semaphore, #tpu.memory_space<semaphore_mem>>
          %dma_start3A_71 = arith.constant 0 : i32
          %dma_start3A_72 = tpu.memref_slice %arg7[%add3A_70, %dma_start3A_71] : memref<42x128xi32, #tpu.memory_space<vmem>> -> memref<1x128xi32, #tpu.memory_space<vmem>>
          %dma_start3A_73 = tpu.memref_squeeze %dma_start3A_72 : memref<1x128xi32, #tpu.memory_space<vmem>> -> memref<128xi32, #tpu.memory_space<vmem>>
          %dma_start3A_74 = arith.constant 0 : i32
          %dma_start3A_75 = arith.constant 0 : i32
          %dma_start3A_76 = tpu.memref_slice %arg10[%dma_start3A_74, %dma_start3A_75] : memref<10000x128xf32, #tpu.memory_space<vmem_shared>> -> memref<10000x128xf32, #tpu.memory_space<vmem_shared>>
          tpu.enqueue_indirect_dma source(%arg9 : memref<128x128xf32, #tpu.memory_space<vmem>>) target(%dma_start3A_76 : memref<10000x128xf32, #tpu.memory_space<vmem_shared>>) offsets(%dma_start3A_73 : memref<128xi32, #tpu.memory_space<vmem>>) semaphore(%run_scoped3A : memref<!tpu.dma_semaphore, #tpu.memory_space<semaphore_mem>>) {add = true}
          %dma_wait3A_77 = arith.constant 0 : i32
          %dma_wait3A_78 = tpu.memref_slice %arg7[%add3A_70, %dma_wait3A_77] : memref<42x128xi32, #tpu.memory_space<vmem>> -> memref<1x128xi32, #tpu.memory_space<vmem>>
          %dma_wait3A_79 = tpu.memref_squeeze %dma_wait3A_78 : memref<1x128xi32, #tpu.memory_space<vmem>> -> memref<128xi32, #tpu.memory_space<vmem>>
          %dma_wait3A_80 = arith.constant 0 : i32
          %dma_wait3A_81 = arith.constant 0 : i32
          %dma_wait3A_82 = tpu.memref_slice %arg10[%dma_wait3A_80, %dma_wait3A_81] : memref<10000x128xf32, #tpu.memory_space<vmem_shared>> -> memref<10000x128xf32, #tpu.memory_space<vmem_shared>>
          tpu.wait_indirect_dma semaphore(%run_scoped3A : memref<!tpu.dma_semaphore, #tpu.memory_space<semaphore_mem>>) src(%arg9 : memref<128x128xf32, #tpu.memory_space<vmem>>) dst(%dma_wait3A_82 : memref<10000x128xf32, #tpu.memory_space<vmem_shared>>)
          tpu.yield
        }) : () -> ()
      }
      %scan3A_33 = arith.constant 21 : i32
    }
    %scan3A_11 = arith.constant 2 : i32
    %barrier3A_12 = arith.constant 0 : index
    tpu.barrier barrier_id(%barrier3A_12)
    %lt3A_13 = arith.constant 10 : i32
    %lt3A_14 = arith.cmpi slt, %arg1, %lt3A_13 : i32
    %convert_element_type3A_15 = arith.extui %lt3A_14 : i1 to i32
    %cond3A_16 = arith.constant 0 : i32
    %cond3A_17 = arith.cmpi ne, %convert_element_type3A_15, %cond3A_16 : i32
    scf.if %cond3A_17 {
      %mul3A_18 = arith.constant 1000 : i32
      %mul3A_19 = arith.muli %arg1, %mul3A_18 : i32
      %add3A_20 = arith.constant 0 : i32
      %add3A_21 = arith.addi %mul3A_19, %add3A_20 : i32
      "tpu.region"() ({
        %run_scoped3A = tpu.sem_alloc : memref<!tpu.dma_semaphore, #tpu.memory_space<semaphore_mem>>
        %dma_start3A = arith.constant 0 : i32
        %dma_start3A_82 = arith.constant 0 : i32
        %dma_start3A_83 = tpu.memref_slice %arg8[%dma_start3A, %dma_start3A_82] : memref<128x128xf32, #tpu.memory_space<vmem>> -> memref<128x128xf32, #tpu.memory_space<vmem>>
        %dma_start3A_84 = arith.constant 0 : i32
        %dma_start3A_85 = tpu.memref_slice %arg10[%add3A_21, %dma_start3A_84] : memref<10000x128xf32, #tpu.memory_space<vmem_shared>> -> memref<128x128xf32, #tpu.memory_space<vmem_shared>>
        %dma_start3A_86 = arith.constant 0 : i32
        %dma_start3A_87 = arith.constant 0 : i32
        %dma_start3A_88 = tpu.memref_slice %arg8[%dma_start3A_86, %dma_start3A_87] : memref<128x128xf32, #tpu.memory_space<vmem>> -> memref<128x128xf32, #tpu.memory_space<vmem>>
        %dma_start3A_89 = arith.constant 0 : i32
        %dma_start3A_90 = tpu.memref_slice %arg10[%add3A_21, %dma_start3A_89] : memref<10000x128xf32, #tpu.memory_space<vmem_shared>> -> memref<128x128xf32, #tpu.memory_space<vmem_shared>>
        tpu.enqueue_dma source(%dma_start3A_90 : memref<128x128xf32, #tpu.memory_space<vmem_shared>>) target(%dma_start3A_88 : memref<128x128xf32, #tpu.memory_space<vmem>>) target_semaphore(%run_scoped3A : memref<!tpu.dma_semaphore, #tpu.memory_space<semaphore_mem>>)
        %dma_wait3A = arith.constant 0 : i32
        %dma_wait3A_91 = arith.constant 0 : i32
        %dma_wait3A_92 = tpu.memref_slice %arg8[%dma_wait3A, %dma_wait3A_91] : memref<128x128xf32, #tpu.memory_space<vmem>> -> memref<128x128xf32, #tpu.memory_space<vmem>>
        %dma_wait3A_93 = arith.constant 0 : i32
        %dma_wait3A_94 = tpu.memref_slice %arg10[%add3A_21, %dma_wait3A_93] : memref<10000x128xf32, #tpu.memory_space<vmem_shared>> -> memref<128x128xf32, #tpu.memory_space<vmem_shared>>
        %dma_wait3A_95 = arith.constant 0 : i32
        %dma_wait3A_96 = arith.constant 0 : i32
        %dma_wait3A_97 = tpu.memref_slice %arg8[%dma_wait3A_95, %dma_wait3A_96] : memref<128x128xf32, #tpu.memory_space<vmem>> -> memref<128x128xf32, #tpu.memory_space<vmem>>
        %dma_wait3A_98 = arith.constant 0 : i32
        %dma_wait3A_99 = tpu.memref_slice %arg10[%add3A_21, %dma_wait3A_98] : memref<10000x128xf32, #tpu.memory_space<vmem_shared>> -> memref<128x128xf32, #tpu.memory_space<vmem_shared>>
        tpu.wait_dma2 semaphore(%run_scoped3A : memref<!tpu.dma_semaphore, #tpu.memory_space<semaphore_mem>>) src(%dma_wait3A_99 : memref<128x128xf32, #tpu.memory_space<vmem_shared>>) dst(%dma_wait3A_97 : memref<128x128xf32, #tpu.memory_space<vmem>>)
        tpu.yield
      }) : () -> ()
      %mul3A_22 = arith.constant 1000 : i32
      %mul3A_23 = arith.muli %arg1, %mul3A_22 : i32
      %add3A_24 = arith.constant 0 : i32
      %add3A_25 = arith.addi %mul3A_23, %add3A_24 : i32
      "tpu.region"() ({
        %run_scoped3A = tpu.sem_alloc : memref<!tpu.dma_semaphore, #tpu.memory_space<semaphore_mem>>
        %dma_start3A = arith.constant 0 : i32
        %dma_start3A_82 = arith.constant 0 : i32
        %dma_start3A_83 = tpu.memref_slice %arg8[%dma_start3A, %dma_start3A_82] : memref<128x128xf32, #tpu.memory_space<vmem>> -> memref<128x128xf32, #tpu.memory_space<vmem>>
        %dma_start3A_84 = arith.constant 0 : i32
        %dma_start3A_85 = tpu.memref_slice %arg5[%arg0, %add3A_25, %dma_start3A_84] : memref<2x10000x128xf32, #tpu.memory_space<hbm>> -> memref<1x128x128xf32, #tpu.memory_space<hbm>>
        %dma_start3A_86 = tpu.memref_squeeze %dma_start3A_85 : memref<1x128x128xf32, #tpu.memory_space<hbm>> -> memref<128x128xf32, #tpu.memory_space<hbm>>
        %dma_start3A_87 = arith.constant 0 : i32
        %dma_start3A_88 = tpu.memref_slice %arg5[%arg0, %add3A_25, %dma_start3A_87] : memref<2x10000x128xf32, #tpu.memory_space<hbm>> -> memref<1x128x128xf32, #tpu.memory_space<hbm>>
        %dma_start3A_89 = tpu.memref_squeeze %dma_start3A_88 : memref<1x128x128xf32, #tpu.memory_space<hbm>> -> memref<128x128xf32, #tpu.memory_space<hbm>>
        %dma_start3A_90 = arith.constant 0 : i32
        %dma_start3A_91 = arith.constant 0 : i32
        %dma_start3A_92 = tpu.memref_slice %arg8[%dma_start3A_90, %dma_start3A_91] : memref<128x128xf32, #tpu.memory_space<vmem>> -> memref<128x128xf32, #tpu.memory_space<vmem>>
        tpu.enqueue_dma source(%dma_start3A_92 : memref<128x128xf32, #tpu.memory_space<vmem>>) target(%dma_start3A_89 : memref<128x128xf32, #tpu.memory_space<hbm>>) target_semaphore(%run_scoped3A : memref<!tpu.dma_semaphore, #tpu.memory_space<semaphore_mem>>)
        %dma_wait3A = arith.constant 0 : i32
        %dma_wait3A_93 = arith.constant 0 : i32
        %dma_wait3A_94 = tpu.memref_slice %arg8[%dma_wait3A, %dma_wait3A_93] : memref<128x128xf32, #tpu.memory_space<vmem>> -> memref<128x128xf32, #tpu.memory_space<vmem>>
        %dma_wait3A_95 = arith.constant 0 : i32
        %dma_wait3A_96 = tpu.memref_slice %arg5[%arg0, %add3A_25, %dma_wait3A_95] : memref<2x10000x128xf32, #tpu.memory_space<hbm>> -> memref<1x128x128xf32, #tpu.memory_space<hbm>>
        %dma_wait3A_97 = tpu.memref_squeeze %dma_wait3A_96 : memref<1x128x128xf32, #tpu.memory_space<hbm>> -> memref<128x128xf32, #tpu.memory_space<hbm>>
        %dma_wait3A_98 = arith.constant 0 : i32
        %dma_wait3A_99 = tpu.memref_slice %arg5[%arg0, %add3A_25, %dma_wait3A_98] : memref<2x10000x128xf32, #tpu.memory_space<hbm>> -> memref<1x128x128xf32, #tpu.memory_space<hbm>>
        %dma_wait3A_100 = tpu.memref_squeeze %dma_wait3A_99 : memref<1x128x128xf32, #tpu.memory_space<hbm>> -> memref<128x128xf32, #tpu.memory_space<hbm>>
        %dma_wait3A_101 = arith.constant 0 : i32
        %dma_wait3A_102 = arith.constant 0 : i32
        %dma_wait3A_103 = tpu.memref_slice %arg8[%dma_wait3A_101, %dma_wait3A_102] : memref<128x128xf32, #tpu.memory_space<vmem>> -> memref<128x128xf32, #tpu.memory_space<vmem>>
        tpu.wait_dma2 semaphore(%run_scoped3A : memref<!tpu.dma_semaphore, #tpu.memory_space<semaphore_mem>>) src(%dma_wait3A_103 : memref<128x128xf32, #tpu.memory_space<vmem>>) dst(%dma_wait3A_100 : memref<128x128xf32, #tpu.memory_space<hbm>>)
        tpu.yield
      }) : () -> ()
      %mul3A_26 = arith.constant 1000 : i32
      %mul3A_27 = arith.muli %arg1, %mul3A_26 : i32
      %add3A_28 = arith.constant 128 : i32
      %add3A_29 = arith.addi %mul3A_27, %add3A_28 : i32
      "tpu.region"() ({
        %run_scoped3A = tpu.sem_alloc : memref<!tpu.dma_semaphore, #tpu.memory_space<semaphore_mem>>
        %dma_start3A = arith.constant 0 : i32
        %dma_start3A_82 = arith.constant 0 : i32
        %dma_start3A_83 = tpu.memref_slice %arg8[%dma_start3A, %dma_start3A_82] : memref<128x128xf32, #tpu.memory_space<vmem>> -> memref<128x128xf32, #tpu.memory_space<vmem>>
        %dma_start3A_84 = arith.constant 0 : i32
        %dma_start3A_85 = tpu.memref_slice %arg10[%add3A_29, %dma_start3A_84] : memref<10000x128xf32, #tpu.memory_space<vmem_shared>> -> memref<128x128xf32, #tpu.memory_space<vmem_shared>>
        %dma_start3A_86 = arith.constant 0 : i32
        %dma_start3A_87 = arith.constant 0 : i32
        %dma_start3A_88 = tpu.memref_slice %arg8[%dma_start3A_86, %dma_start3A_87] : memref<128x128xf32, #tpu.memory_space<vmem>> -> memref<128x128xf32, #tpu.memory_space<vmem>>
        %dma_start3A_89 = arith.constant 0 : i32
        %dma_start3A_90 = tpu.memref_slice %arg10[%add3A_29, %dma_start3A_89] : memref<10000x128xf32, #tpu.memory_space<vmem_shared>> -> memref<128x128xf32, #tpu.memory_space<vmem_shared>>
        tpu.enqueue_dma source(%dma_start3A_90 : memref<128x128xf32, #tpu.memory_space<vmem_shared>>) target(%dma_start3A_88 : memref<128x128xf32, #tpu.memory_space<vmem>>) target_semaphore(%run_scoped3A : memref<!tpu.dma_semaphore, #tpu.memory_space<semaphore_mem>>)
        %dma_wait3A = arith.constant 0 : i32
        %dma_wait3A_91 = arith.constant 0 : i32
        %dma_wait3A_92 = tpu.memref_slice %arg8[%dma_wait3A, %dma_wait3A_91] : memref<128x128xf32, #tpu.memory_space<vmem>> -> memref<128x128xf32, #tpu.memory_space<vmem>>
        %dma_wait3A_93 = arith.constant 0 : i32
        %dma_wait3A_94 = tpu.memref_slice %arg10[%add3A_29, %dma_wait3A_93] : memref<10000x128xf32, #tpu.memory_space<vmem_shared>> -> memref<128x128xf32, #tpu.memory_space<vmem_shared>>
        %dma_wait3A_95 = arith.constant 0 : i32
        %dma_wait3A_96 = arith.constant 0 : i32
        %dma_wait3A_97 = tpu.memref_slice %arg8[%dma_wait3A_95, %dma_wait3A_96] : memref<128x128xf32, #tpu.memory_space<vmem>> -> memref<128x128xf32, #tpu.memory_space<vmem>>
        %dma_wait3A_98 = arith.constant 0 : i32
        %dma_wait3A_99 = tpu.memref_slice %arg10[%add3A_29, %dma_wait3A_98] : memref<10000x128xf32, #tpu.memory_space<vmem_shared>> -> memref<128x128xf32, #tpu.memory_space<vmem_shared>>
        tpu.wait_dma2 semaphore(%run_scoped3A : memref<!tpu.dma_semaphore, #tpu.memory_space<semaphore_mem>>) src(%dma_wait3A_99 : memref<128x128xf32, #tpu.memory_space<vmem_shared>>) dst(%dma_wait3A_97 : memref<128x128xf32, #tpu.memory_space<vmem>>)
        tpu.yield
      }) : () -> ()
      %mul3A_30 = arith.constant 1000 : i32
      %mul3A_31 = arith.muli %arg1, %mul3A_30 : i32
      %add3A_32 = arith.constant 128 : i32
      %add3A_33 = arith.addi %mul3A_31, %add3A_32 : i32
      "tpu.region"() ({
        %run_scoped3A = tpu.sem_alloc : memref<!tpu.dma_semaphore, #tpu.memory_space<semaphore_mem>>
        %dma_start3A = arith.constant 0 : i32
        %dma_start3A_82 = arith.constant 0 : i32
        %dma_start3A_83 = tpu.memref_slice %arg8[%dma_start3A, %dma_start3A_82] : memref<128x128xf32, #tpu.memory_space<vmem>> -> memref<128x128xf32, #tpu.memory_space<vmem>>
        %dma_start3A_84 = arith.constant 0 : i32
        %dma_start3A_85 = tpu.memref_slice %arg5[%arg0, %add3A_33, %dma_start3A_84] : memref<2x10000x128xf32, #tpu.memory_space<hbm>> -> memref<1x128x128xf32, #tpu.memory_space<hbm>>
        %dma_start3A_86 = tpu.memref_squeeze %dma_start3A_85 : memref<1x128x128xf32, #tpu.memory_space<hbm>> -> memref<128x128xf32, #tpu.memory_space<hbm>>
        %dma_start3A_87 = arith.constant 0 : i32
        %dma_start3A_88 = tpu.memref_slice %arg5[%arg0, %add3A_33, %dma_start3A_87] : memref<2x10000x128xf32, #tpu.memory_space<hbm>> -> memref<1x128x128xf32, #tpu.memory_space<hbm>>
        %dma_start3A_89 = tpu.memref_squeeze %dma_start3A_88 : memref<1x128x128xf32, #tpu.memory_space<hbm>> -> memref<128x128xf32, #tpu.memory_space<hbm>>
        %dma_start3A_90 = arith.constant 0 : i32
        %dma_start3A_91 = arith.constant 0 : i32
        %dma_start3A_92 = tpu.memref_slice %arg8[%dma_start3A_90, %dma_start3A_91] : memref<128x128xf32, #tpu.memory_space<vmem>> -> memref<128x128xf32, #tpu.memory_space<vmem>>
        tpu.enqueue_dma source(%dma_start3A_92 : memref<128x128xf32, #tpu.memory_space<vmem>>) target(%dma_start3A_89 : memref<128x128xf32, #tpu.memory_space<hbm>>) target_semaphore(%run_scoped3A : memref<!tpu.dma_semaphore, #tpu.memory_space<semaphore_mem>>)
        %dma_wait3A = arith.constant 0 : i32
        %dma_wait3A_93 = arith.constant 0 : i32
        %dma_wait3A_94 = tpu.memref_slice %arg8[%dma_wait3A, %dma_wait3A_93] : memref<128x128xf32, #tpu.memory_space<vmem>> -> memref<128x128xf32, #tpu.memory_space<vmem>>
        %dma_wait3A_95 = arith.constant 0 : i32
        %dma_wait3A_96 = tpu.memref_slice %arg5[%arg0, %add3A_33, %dma_wait3A_95] : memref<2x10000x128xf32, #tpu.memory_space<hbm>> -> memref<1x128x128xf32, #tpu.memory_space<hbm>>
        %dma_wait3A_97 = tpu.memref_squeeze %dma_wait3A_96 : memref<1x128x128xf32, #tpu.memory_space<hbm>> -> memref<128x128xf32, #tpu.memory_space<hbm>>
        %dma_wait3A_98 = arith.constant 0 : i32
        %dma_wait3A_99 = tpu.memref_slice %arg5[%arg0, %add3A_33, %dma_wait3A_98] : memref<2x10000x128xf32, #tpu.memory_space<hbm>> -> memref<1x128x128xf32, #tpu.memory_space<hbm>>
        %dma_wait3A_100 = tpu.memref_squeeze %dma_wait3A_99 : memref<1x128x128xf32, #tpu.memory_space<hbm>> -> memref<128x128xf32, #tpu.memory_space<hbm>>
        %dma_wait3A_101 = arith.constant 0 : i32
        %dma_wait3A_102 = arith.constant 0 : i32
        %dma_wait3A_103 = tpu.memref_slice %arg8[%dma_wait3A_101, %dma_wait3A_102] : memref<128x128xf32, #tpu.memory_space<vmem>> -> memref<128x128xf32, #tpu.memory_space<vmem>>
        tpu.wait_dma2 semaphore(%run_scoped3A : memref<!tpu.dma_semaphore, #tpu.memory_space<semaphore_mem>>) src(%dma_wait3A_103 : memref<128x128xf32, #tpu.memory_space<vmem>>) dst(%dma_wait3A_100 : memref<128x128xf32, #tpu.memory_space<hbm>>)
        tpu.yield
      }) : () -> ()
      %mul3A_34 = arith.constant 1000 : i32
      %mul3A_35 = arith.muli %arg1, %mul3A_34 : i32
      %add3A_36 = arith.constant 256 : i32
      %add3A_37 = arith.addi %mul3A_35, %add3A_36 : i32
      "tpu.region"() ({
        %run_scoped3A = tpu.sem_alloc : memref<!tpu.dma_semaphore, #tpu.memory_space<semaphore_mem>>
        %dma_start3A = arith.constant 0 : i32
        %dma_start3A_82 = arith.constant 0 : i32
        %dma_start3A_83 = tpu.memref_slice %arg8[%dma_start3A, %dma_start3A_82] : memref<128x128xf32, #tpu.memory_space<vmem>> -> memref<128x128xf32, #tpu.memory_space<vmem>>
        %dma_start3A_84 = arith.constant 0 : i32
        %dma_start3A_85 = tpu.memref_slice %arg10[%add3A_37, %dma_start3A_84] : memref<10000x128xf32, #tpu.memory_space<vmem_shared>> -> memref<128x128xf32, #tpu.memory_space<vmem_shared>>
        %dma_start3A_86 = arith.constant 0 : i32
        %dma_start3A_87 = arith.constant 0 : i32
        %dma_start3A_88 = tpu.memref_slice %arg8[%dma_start3A_86, %dma_start3A_87] : memref<128x128xf32, #tpu.memory_space<vmem>> -> memref<128x128xf32, #tpu.memory_space<vmem>>
        %dma_start3A_89 = arith.constant 0 : i32
        %dma_start3A_90 = tpu.memref_slice %arg10[%add3A_37, %dma_start3A_89] : memref<10000x128xf32, #tpu.memory_space<vmem_shared>> -> memref<128x128xf32, #tpu.memory_space<vmem_shared>>
        tpu.enqueue_dma source(%dma_start3A_90 : memref<128x128xf32, #tpu.memory_space<vmem_shared>>) target(%dma_start3A_88 : memref<128x128xf32, #tpu.memory_space<vmem>>) target_semaphore(%run_scoped3A : memref<!tpu.dma_semaphore, #tpu.memory_space<semaphore_mem>>)
        %dma_wait3A = arith.constant 0 : i32
        %dma_wait3A_91 = arith.constant 0 : i32
        %dma_wait3A_92 = tpu.memref_slice %arg8[%dma_wait3A, %dma_wait3A_91] : memref<128x128xf32, #tpu.memory_space<vmem>> -> memref<128x128xf32, #tpu.memory_space<vmem>>
        %dma_wait3A_93 = arith.constant 0 : i32
        %dma_wait3A_94 = tpu.memref_slice %arg10[%add3A_37, %dma_wait3A_93] : memref<10000x128xf32, #tpu.memory_space<vmem_shared>> -> memref<128x128xf32, #tpu.memory_space<vmem_shared>>
        %dma_wait3A_95 = arith.constant 0 : i32
        %dma_wait3A_96 = arith.constant 0 : i32
        %dma_wait3A_97 = tpu.memref_slice %arg8[%dma_wait3A_95, %dma_wait3A_96] : memref<128x128xf32, #tpu.memory_space<vmem>> -> memref<128x128xf32, #tpu.memory_space<vmem>>
        %dma_wait3A_98 = arith.constant 0 : i32
        %dma_wait3A_99 = tpu.memref_slice %arg10[%add3A_37, %dma_wait3A_98] : memref<10000x128xf32, #tpu.memory_space<vmem_shared>> -> memref<128x128xf32, #tpu.memory_space<vmem_shared>>
        tpu.wait_dma2 semaphore(%run_scoped3A : memref<!tpu.dma_semaphore, #tpu.memory_space<semaphore_mem>>) src(%dma_wait3A_99 : memref<128x128xf32, #tpu.memory_space<vmem_shared>>) dst(%dma_wait3A_97 : memref<128x128xf32, #tpu.memory_space<vmem>>)
        tpu.yield
      }) : () -> ()
      %mul3A_38 = arith.constant 1000 : i32
      %mul3A_39 = arith.muli %arg1, %mul3A_38 : i32
      %add3A_40 = arith.constant 256 : i32
      %add3A_41 = arith.addi %mul3A_39, %add3A_40 : i32
      "tpu.region"() ({
        %run_scoped3A = tpu.sem_alloc : memref<!tpu.dma_semaphore, #tpu.memory_space<semaphore_mem>>
        %dma_start3A = arith.constant 0 : i32
        %dma_start3A_82 = arith.constant 0 : i32
        %dma_start3A_83 = tpu.memref_slice %arg8[%dma_start3A, %dma_start3A_82] : memref<128x128xf32, #tpu.memory_space<vmem>> -> memref<128x128xf32, #tpu.memory_space<vmem>>
        %dma_start3A_84 = arith.constant 0 : i32
        %dma_start3A_85 = tpu.memref_slice %arg5[%arg0, %add3A_41, %dma_start3A_84] : memref<2x10000x128xf32, #tpu.memory_space<hbm>> -> memref<1x128x128xf32, #tpu.memory_space<hbm>>
        %dma_start3A_86 = tpu.memref_squeeze %dma_start3A_85 : memref<1x128x128xf32, #tpu.memory_space<hbm>> -> memref<128x128xf32, #tpu.memory_space<hbm>>
        %dma_start3A_87 = arith.constant 0 : i32
        %dma_start3A_88 = tpu.memref_slice %arg5[%arg0, %add3A_41, %dma_start3A_87] : memref<2x10000x128xf32, #tpu.memory_space<hbm>> -> memref<1x128x128xf32, #tpu.memory_space<hbm>>
        %dma_start3A_89 = tpu.memref_squeeze %dma_start3A_88 : memref<1x128x128xf32, #tpu.memory_space<hbm>> -> memref<128x128xf32, #tpu.memory_space<hbm>>
        %dma_start3A_90 = arith.constant 0 : i32
        %dma_start3A_91 = arith.constant 0 : i32
        %dma_start3A_92 = tpu.memref_slice %arg8[%dma_start3A_90, %dma_start3A_91] : memref<128x128xf32, #tpu.memory_space<vmem>> -> memref<128x128xf32, #tpu.memory_space<vmem>>
        tpu.enqueue_dma source(%dma_start3A_92 : memref<128x128xf32, #tpu.memory_space<vmem>>) target(%dma_start3A_89 : memref<128x128xf32, #tpu.memory_space<hbm>>) target_semaphore(%run_scoped3A : memref<!tpu.dma_semaphore, #tpu.memory_space<semaphore_mem>>)
        %dma_wait3A = arith.constant 0 : i32
        %dma_wait3A_93 = arith.constant 0 : i32
        %dma_wait3A_94 = tpu.memref_slice %arg8[%dma_wait3A, %dma_wait3A_93] : memref<128x128xf32, #tpu.memory_space<vmem>> -> memref<128x128xf32, #tpu.memory_space<vmem>>
        %dma_wait3A_95 = arith.constant 0 : i32
        %dma_wait3A_96 = tpu.memref_slice %arg5[%arg0, %add3A_41, %dma_wait3A_95] : memref<2x10000x128xf32, #tpu.memory_space<hbm>> -> memref<1x128x128xf32, #tpu.memory_space<hbm>>
        %dma_wait3A_97 = tpu.memref_squeeze %dma_wait3A_96 : memref<1x128x128xf32, #tpu.memory_space<hbm>> -> memref<128x128xf32, #tpu.memory_space<hbm>>
        %dma_wait3A_98 = arith.constant 0 : i32
        %dma_wait3A_99 = tpu.memref_slice %arg5[%arg0, %add3A_41, %dma_wait3A_98] : memref<2x10000x128xf32, #tpu.memory_space<hbm>> -> memref<1x128x128xf32, #tpu.memory_space<hbm>>
        %dma_wait3A_100 = tpu.memref_squeeze %dma_wait3A_99 : memref<1x128x128xf32, #tpu.memory_space<hbm>> -> memref<128x128xf32, #tpu.memory_space<hbm>>
        %dma_wait3A_101 = arith.constant 0 : i32
        %dma_wait3A_102 = arith.constant 0 : i32
        %dma_wait3A_103 = tpu.memref_slice %arg8[%dma_wait3A_101, %dma_wait3A_102] : memref<128x128xf32, #tpu.memory_space<vmem>> -> memref<128x128xf32, #tpu.memory_space<vmem>>
        tpu.wait_dma2 semaphore(%run_scoped3A : memref<!tpu.dma_semaphore, #tpu.memory_space<semaphore_mem>>) src(%dma_wait3A_103 : memref<128x128xf32, #tpu.memory_space<vmem>>) dst(%dma_wait3A_100 : memref<128x128xf32, #tpu.memory_space<hbm>>)
        tpu.yield
      }) : () -> ()
      %mul3A_42 = arith.constant 1000 : i32
      %mul3A_43 = arith.muli %arg1, %mul3A_42 : i32
      %add3A_44 = arith.constant 384 : i32
      %add3A_45 = arith.addi %mul3A_43, %add3A_44 : i32
      "tpu.region"() ({
        %run_scoped3A = tpu.sem_alloc : memref<!tpu.dma_semaphore, #tpu.memory_space<semaphore_mem>>
        %dma_start3A = arith.constant 0 : i32
        %dma_start3A_82 = arith.constant 0 : i32
        %dma_start3A_83 = tpu.memref_slice %arg8[%dma_start3A, %dma_start3A_82] : memref<128x128xf32, #tpu.memory_space<vmem>> -> memref<128x128xf32, #tpu.memory_space<vmem>>
        %dma_start3A_84 = arith.constant 0 : i32
        %dma_start3A_85 = tpu.memref_slice %arg10[%add3A_45, %dma_start3A_84] : memref<10000x128xf32, #tpu.memory_space<vmem_shared>> -> memref<128x128xf32, #tpu.memory_space<vmem_shared>>
        %dma_start3A_86 = arith.constant 0 : i32
        %dma_start3A_87 = arith.constant 0 : i32
        %dma_start3A_88 = tpu.memref_slice %arg8[%dma_start3A_86, %dma_start3A_87] : memref<128x128xf32, #tpu.memory_space<vmem>> -> memref<128x128xf32, #tpu.memory_space<vmem>>
        %dma_start3A_89 = arith.constant 0 : i32
        %dma_start3A_90 = tpu.memref_slice %arg10[%add3A_45, %dma_start3A_89] : memref<10000x128xf32, #tpu.memory_space<vmem_shared>> -> memref<128x128xf32, #tpu.memory_space<vmem_shared>>
        tpu.enqueue_dma source(%dma_start3A_90 : memref<128x128xf32, #tpu.memory_space<vmem_shared>>) target(%dma_start3A_88 : memref<128x128xf32, #tpu.memory_space<vmem>>) target_semaphore(%run_scoped3A : memref<!tpu.dma_semaphore, #tpu.memory_space<semaphore_mem>>)
        %dma_wait3A = arith.constant 0 : i32
        %dma_wait3A_91 = arith.constant 0 : i32
        %dma_wait3A_92 = tpu.memref_slice %arg8[%dma_wait3A, %dma_wait3A_91] : memref<128x128xf32, #tpu.memory_space<vmem>> -> memref<128x128xf32, #tpu.memory_space<vmem>>
        %dma_wait3A_93 = arith.constant 0 : i32
        %dma_wait3A_94 = tpu.memref_slice %arg10[%add3A_45, %dma_wait3A_93] : memref<10000x128xf32, #tpu.memory_space<vmem_shared>> -> memref<128x128xf32, #tpu.memory_space<vmem_shared>>
        %dma_wait3A_95 = arith.constant 0 : i32
        %dma_wait3A_96 = arith.constant 0 : i32
        %dma_wait3A_97 = tpu.memref_slice %arg8[%dma_wait3A_95, %dma_wait3A_96] : memref<128x128xf32, #tpu.memory_space<vmem>> -> memref<128x128xf32, #tpu.memory_space<vmem>>
        %dma_wait3A_98 = arith.constant 0 : i32
        %dma_wait3A_99 = tpu.memref_slice %arg10[%add3A_45, %dma_wait3A_98] : memref<10000x128xf32, #tpu.memory_space<vmem_shared>> -> memref<128x128xf32, #tpu.memory_space<vmem_shared>>
        tpu.wait_dma2 semaphore(%run_scoped3A : memref<!tpu.dma_semaphore, #tpu.memory_space<semaphore_mem>>) src(%dma_wait3A_99 : memref<128x128xf32, #tpu.memory_space<vmem_shared>>) dst(%dma_wait3A_97 : memref<128x128xf32, #tpu.memory_space<vmem>>)
        tpu.yield
      }) : () -> ()
      %mul3A_46 = arith.constant 1000 : i32
      %mul3A_47 = arith.muli %arg1, %mul3A_46 : i32
      %add3A_48 = arith.constant 384 : i32
      %add3A_49 = arith.addi %mul3A_47, %add3A_48 : i32
      "tpu.region"() ({
        %run_scoped3A = tpu.sem_alloc : memref<!tpu.dma_semaphore, #tpu.memory_space<semaphore_mem>>
        %dma_start3A = arith.constant 0 : i32
        %dma_start3A_82 = arith.constant 0 : i32
        %dma_start3A_83 = tpu.memref_slice %arg8[%dma_start3A, %dma_start3A_82] : memref<128x128xf32, #tpu.memory_space<vmem>> -> memref<128x128xf32, #tpu.memory_space<vmem>>
        %dma_start3A_84 = arith.constant 0 : i32
        %dma_start3A_85 = tpu.memref_slice %arg5[%arg0, %add3A_49, %dma_start3A_84] : memref<2x10000x128xf32, #tpu.memory_space<hbm>> -> memref<1x128x128xf32, #tpu.memory_space<hbm>>
        %dma_start3A_86 = tpu.memref_squeeze %dma_start3A_85 : memref<1x128x128xf32, #tpu.memory_space<hbm>> -> memref<128x128xf32, #tpu.memory_space<hbm>>
        %dma_start3A_87 = arith.constant 0 : i32
        %dma_start3A_88 = tpu.memref_slice %arg5[%arg0, %add3A_49, %dma_start3A_87] : memref<2x10000x128xf32, #tpu.memory_space<hbm>> -> memref<1x128x128xf32, #tpu.memory_space<hbm>>
        %dma_start3A_89 = tpu.memref_squeeze %dma_start3A_88 : memref<1x128x128xf32, #tpu.memory_space<hbm>> -> memref<128x128xf32, #tpu.memory_space<hbm>>
        %dma_start3A_90 = arith.constant 0 : i32
        %dma_start3A_91 = arith.constant 0 : i32
        %dma_start3A_92 = tpu.memref_slice %arg8[%dma_start3A_90, %dma_start3A_91] : memref<128x128xf32, #tpu.memory_space<vmem>> -> memref<128x128xf32, #tpu.memory_space<vmem>>
        tpu.enqueue_dma source(%dma_start3A_92 : memref<128x128xf32, #tpu.memory_space<vmem>>) target(%dma_start3A_89 : memref<128x128xf32, #tpu.memory_space<hbm>>) target_semaphore(%run_scoped3A : memref<!tpu.dma_semaphore, #tpu.memory_space<semaphore_mem>>)
        %dma_wait3A = arith.constant 0 : i32
        %dma_wait3A_93 = arith.constant 0 : i32
        %dma_wait3A_94 = tpu.memref_slice %arg8[%dma_wait3A, %dma_wait3A_93] : memref<128x128xf32, #tpu.memory_space<vmem>> -> memref<128x128xf32, #tpu.memory_space<vmem>>
        %dma_wait3A_95 = arith.constant 0 : i32
        %dma_wait3A_96 = tpu.memref_slice %arg5[%arg0, %add3A_49, %dma_wait3A_95] : memref<2x10000x128xf32, #tpu.memory_space<hbm>> -> memref<1x128x128xf32, #tpu.memory_space<hbm>>
        %dma_wait3A_97 = tpu.memref_squeeze %dma_wait3A_96 : memref<1x128x128xf32, #tpu.memory_space<hbm>> -> memref<128x128xf32, #tpu.memory_space<hbm>>
        %dma_wait3A_98 = arith.constant 0 : i32
        %dma_wait3A_99 = tpu.memref_slice %arg5[%arg0, %add3A_49, %dma_wait3A_98] : memref<2x10000x128xf32, #tpu.memory_space<hbm>> -> memref<1x128x128xf32, #tpu.memory_space<hbm>>
        %dma_wait3A_100 = tpu.memref_squeeze %dma_wait3A_99 : memref<1x128x128xf32, #tpu.memory_space<hbm>> -> memref<128x128xf32, #tpu.memory_space<hbm>>
        %dma_wait3A_101 = arith.constant 0 : i32
        %dma_wait3A_102 = arith.constant 0 : i32
        %dma_wait3A_103 = tpu.memref_slice %arg8[%dma_wait3A_101, %dma_wait3A_102] : memref<128x128xf32, #tpu.memory_space<vmem>> -> memref<128x128xf32, #tpu.memory_space<vmem>>
        tpu.wait_dma2 semaphore(%run_scoped3A : memref<!tpu.dma_semaphore, #tpu.memory_space<semaphore_mem>>) src(%dma_wait3A_103 : memref<128x128xf32, #tpu.memory_space<vmem>>) dst(%dma_wait3A_100 : memref<128x128xf32, #tpu.memory_space<hbm>>)
        tpu.yield
      }) : () -> ()
      %mul3A_50 = arith.constant 1000 : i32
      %mul3A_51 = arith.muli %arg1, %mul3A_50 : i32
      %add3A_52 = arith.constant 512 : i32
      %add3A_53 = arith.addi %mul3A_51, %add3A_52 : i32
      "tpu.region"() ({
        %run_scoped3A = tpu.sem_alloc : memref<!tpu.dma_semaphore, #tpu.memory_space<semaphore_mem>>
        %dma_start3A = arith.constant 0 : i32
        %dma_start3A_82 = arith.constant 0 : i32
        %dma_start3A_83 = tpu.memref_slice %arg8[%dma_start3A, %dma_start3A_82] : memref<128x128xf32, #tpu.memory_space<vmem>> -> memref<128x128xf32, #tpu.memory_space<vmem>>
        %dma_start3A_84 = arith.constant 0 : i32
        %dma_start3A_85 = tpu.memref_slice %arg10[%add3A_53, %dma_start3A_84] : memref<10000x128xf32, #tpu.memory_space<vmem_shared>> -> memref<128x128xf32, #tpu.memory_space<vmem_shared>>
        %dma_start3A_86 = arith.constant 0 : i32
        %dma_start3A_87 = arith.constant 0 : i32
        %dma_start3A_88 = tpu.memref_slice %arg8[%dma_start3A_86, %dma_start3A_87] : memref<128x128xf32, #tpu.memory_space<vmem>> -> memref<128x128xf32, #tpu.memory_space<vmem>>
        %dma_start3A_89 = arith.constant 0 : i32
        %dma_start3A_90 = tpu.memref_slice %arg10[%add3A_53, %dma_start3A_89] : memref<10000x128xf32, #tpu.memory_space<vmem_shared>> -> memref<128x128xf32, #tpu.memory_space<vmem_shared>>
        tpu.enqueue_dma source(%dma_start3A_90 : memref<128x128xf32, #tpu.memory_space<vmem_shared>>) target(%dma_start3A_88 : memref<128x128xf32, #tpu.memory_space<vmem>>) target_semaphore(%run_scoped3A : memref<!tpu.dma_semaphore, #tpu.memory_space<semaphore_mem>>)
        %dma_wait3A = arith.constant 0 : i32
        %dma_wait3A_91 = arith.constant 0 : i32
        %dma_wait3A_92 = tpu.memref_slice %arg8[%dma_wait3A, %dma_wait3A_91] : memref<128x128xf32, #tpu.memory_space<vmem>> -> memref<128x128xf32, #tpu.memory_space<vmem>>
        %dma_wait3A_93 = arith.constant 0 : i32
        %dma_wait3A_94 = tpu.memref_slice %arg10[%add3A_53, %dma_wait3A_93] : memref<10000x128xf32, #tpu.memory_space<vmem_shared>> -> memref<128x128xf32, #tpu.memory_space<vmem_shared>>
        %dma_wait3A_95 = arith.constant 0 : i32
        %dma_wait3A_96 = arith.constant 0 : i32
        %dma_wait3A_97 = tpu.memref_slice %arg8[%dma_wait3A_95, %dma_wait3A_96] : memref<128x128xf32, #tpu.memory_space<vmem>> -> memref<128x128xf32, #tpu.memory_space<vmem>>
        %dma_wait3A_98 = arith.constant 0 : i32
        %dma_wait3A_99 = tpu.memref_slice %arg10[%add3A_53, %dma_wait3A_98] : memref<10000x128xf32, #tpu.memory_space<vmem_shared>> -> memref<128x128xf32, #tpu.memory_space<vmem_shared>>
        tpu.wait_dma2 semaphore(%run_scoped3A : memref<!tpu.dma_semaphore, #tpu.memory_space<semaphore_mem>>) src(%dma_wait3A_99 : memref<128x128xf32, #tpu.memory_space<vmem_shared>>) dst(%dma_wait3A_97 : memref<128x128xf32, #tpu.memory_space<vmem>>)
        tpu.yield
      }) : () -> ()
      %mul3A_54 = arith.constant 1000 : i32
      %mul3A_55 = arith.muli %arg1, %mul3A_54 : i32
      %add3A_56 = arith.constant 512 : i32
      %add3A_57 = arith.addi %mul3A_55, %add3A_56 : i32
      "tpu.region"() ({
        %run_scoped3A = tpu.sem_alloc : memref<!tpu.dma_semaphore, #tpu.memory_space<semaphore_mem>>
        %dma_start3A = arith.constant 0 : i32
        %dma_start3A_82 = arith.constant 0 : i32
        %dma_start3A_83 = tpu.memref_slice %arg8[%dma_start3A, %dma_start3A_82] : memref<128x128xf32, #tpu.memory_space<vmem>> -> memref<128x128xf32, #tpu.memory_space<vmem>>
        %dma_start3A_84 = arith.constant 0 : i32
        %dma_start3A_85 = tpu.memref_slice %arg5[%arg0, %add3A_57, %dma_start3A_84] : memref<2x10000x128xf32, #tpu.memory_space<hbm>> -> memref<1x128x128xf32, #tpu.memory_space<hbm>>
        %dma_start3A_86 = tpu.memref_squeeze %dma_start3A_85 : memref<1x128x128xf32, #tpu.memory_space<hbm>> -> memref<128x128xf32, #tpu.memory_space<hbm>>
        %dma_start3A_87 = arith.constant 0 : i32
        %dma_start3A_88 = tpu.memref_slice %arg5[%arg0, %add3A_57, %dma_start3A_87] : memref<2x10000x128xf32, #tpu.memory_space<hbm>> -> memref<1x128x128xf32, #tpu.memory_space<hbm>>
        %dma_start3A_89 = tpu.memref_squeeze %dma_start3A_88 : memref<1x128x128xf32, #tpu.memory_space<hbm>> -> memref<128x128xf32, #tpu.memory_space<hbm>>
        %dma_start3A_90 = arith.constant 0 : i32
        %dma_start3A_91 = arith.constant 0 : i32
        %dma_start3A_92 = tpu.memref_slice %arg8[%dma_start3A_90, %dma_start3A_91] : memref<128x128xf32, #tpu.memory_space<vmem>> -> memref<128x128xf32, #tpu.memory_space<vmem>>
        tpu.enqueue_dma source(%dma_start3A_92 : memref<128x128xf32, #tpu.memory_space<vmem>>) target(%dma_start3A_89 : memref<128x128xf32, #tpu.memory_space<hbm>>) target_semaphore(%run_scoped3A : memref<!tpu.dma_semaphore, #tpu.memory_space<semaphore_mem>>)
        %dma_wait3A = arith.constant 0 : i32
        %dma_wait3A_93 = arith.constant 0 : i32
        %dma_wait3A_94 = tpu.memref_slice %arg8[%dma_wait3A, %dma_wait3A_93] : memref<128x128xf32, #tpu.memory_space<vmem>> -> memref<128x128xf32, #tpu.memory_space<vmem>>
        %dma_wait3A_95 = arith.constant 0 : i32
        %dma_wait3A_96 = tpu.memref_slice %arg5[%arg0, %add3A_57, %dma_wait3A_95] : memref<2x10000x128xf32, #tpu.memory_space<hbm>> -> memref<1x128x128xf32, #tpu.memory_space<hbm>>
        %dma_wait3A_97 = tpu.memref_squeeze %dma_wait3A_96 : memref<1x128x128xf32, #tpu.memory_space<hbm>> -> memref<128x128xf32, #tpu.memory_space<hbm>>
        %dma_wait3A_98 = arith.constant 0 : i32
        %dma_wait3A_99 = tpu.memref_slice %arg5[%arg0, %add3A_57, %dma_wait3A_98] : memref<2x10000x128xf32, #tpu.memory_space<hbm>> -> memref<1x128x128xf32, #tpu.memory_space<hbm>>
        %dma_wait3A_100 = tpu.memref_squeeze %dma_wait3A_99 : memref<1x128x128xf32, #tpu.memory_space<hbm>> -> memref<128x128xf32, #tpu.memory_space<hbm>>
        %dma_wait3A_101 = arith.constant 0 : i32
        %dma_wait3A_102 = arith.constant 0 : i32
        %dma_wait3A_103 = tpu.memref_slice %arg8[%dma_wait3A_101, %dma_wait3A_102] : memref<128x128xf32, #tpu.memory_space<vmem>> -> memref<128x128xf32, #tpu.memory_space<vmem>>
        tpu.wait_dma2 semaphore(%run_scoped3A : memref<!tpu.dma_semaphore, #tpu.memory_space<semaphore_mem>>) src(%dma_wait3A_103 : memref<128x128xf32, #tpu.memory_space<vmem>>) dst(%dma_wait3A_100 : memref<128x128xf32, #tpu.memory_space<hbm>>)
        tpu.yield
      }) : () -> ()
      %mul3A_58 = arith.constant 1000 : i32
      %mul3A_59 = arith.muli %arg1, %mul3A_58 : i32
      %add3A_60 = arith.constant 640 : i32
      %add3A_61 = arith.addi %mul3A_59, %add3A_60 : i32
      "tpu.region"() ({
        %run_scoped3A = tpu.sem_alloc : memref<!tpu.dma_semaphore, #tpu.memory_space<semaphore_mem>>
        %dma_start3A = arith.constant 0 : i32
        %dma_start3A_82 = arith.constant 0 : i32
        %dma_start3A_83 = tpu.memref_slice %arg8[%dma_start3A, %dma_start3A_82] : memref<128x128xf32, #tpu.memory_space<vmem>> -> memref<128x128xf32, #tpu.memory_space<vmem>>
        %dma_start3A_84 = arith.constant 0 : i32
        %dma_start3A_85 = tpu.memref_slice %arg10[%add3A_61, %dma_start3A_84] : memref<10000x128xf32, #tpu.memory_space<vmem_shared>> -> memref<128x128xf32, #tpu.memory_space<vmem_shared>>
        %dma_start3A_86 = arith.constant 0 : i32
        %dma_start3A_87 = arith.constant 0 : i32
        %dma_start3A_88 = tpu.memref_slice %arg8[%dma_start3A_86, %dma_start3A_87] : memref<128x128xf32, #tpu.memory_space<vmem>> -> memref<128x128xf32, #tpu.memory_space<vmem>>
        %dma_start3A_89 = arith.constant 0 : i32
        %dma_start3A_90 = tpu.memref_slice %arg10[%add3A_61, %dma_start3A_89] : memref<10000x128xf32, #tpu.memory_space<vmem_shared>> -> memref<128x128xf32, #tpu.memory_space<vmem_shared>>
        tpu.enqueue_dma source(%dma_start3A_90 : memref<128x128xf32, #tpu.memory_space<vmem_shared>>) target(%dma_start3A_88 : memref<128x128xf32, #tpu.memory_space<vmem>>) target_semaphore(%run_scoped3A : memref<!tpu.dma_semaphore, #tpu.memory_space<semaphore_mem>>)
        %dma_wait3A = arith.constant 0 : i32
        %dma_wait3A_91 = arith.constant 0 : i32
        %dma_wait3A_92 = tpu.memref_slice %arg8[%dma_wait3A, %dma_wait3A_91] : memref<128x128xf32, #tpu.memory_space<vmem>> -> memref<128x128xf32, #tpu.memory_space<vmem>>
        %dma_wait3A_93 = arith.constant 0 : i32
        %dma_wait3A_94 = tpu.memref_slice %arg10[%add3A_61, %dma_wait3A_93] : memref<10000x128xf32, #tpu.memory_space<vmem_shared>> -> memref<128x128xf32, #tpu.memory_space<vmem_shared>>
        %dma_wait3A_95 = arith.constant 0 : i32
        %dma_wait3A_96 = arith.constant 0 : i32
        %dma_wait3A_97 = tpu.memref_slice %arg8[%dma_wait3A_95, %dma_wait3A_96] : memref<128x128xf32, #tpu.memory_space<vmem>> -> memref<128x128xf32, #tpu.memory_space<vmem>>
        %dma_wait3A_98 = arith.constant 0 : i32
        %dma_wait3A_99 = tpu.memref_slice %arg10[%add3A_61, %dma_wait3A_98] : memref<10000x128xf32, #tpu.memory_space<vmem_shared>> -> memref<128x128xf32, #tpu.memory_space<vmem_shared>>
        tpu.wait_dma2 semaphore(%run_scoped3A : memref<!tpu.dma_semaphore, #tpu.memory_space<semaphore_mem>>) src(%dma_wait3A_99 : memref<128x128xf32, #tpu.memory_space<vmem_shared>>) dst(%dma_wait3A_97 : memref<128x128xf32, #tpu.memory_space<vmem>>)
        tpu.yield
      }) : () -> ()
      %mul3A_62 = arith.constant 1000 : i32
      %mul3A_63 = arith.muli %arg1, %mul3A_62 : i32
      %add3A_64 = arith.constant 640 : i32
      %add3A_65 = arith.addi %mul3A_63, %add3A_64 : i32
      "tpu.region"() ({
        %run_scoped3A = tpu.sem_alloc : memref<!tpu.dma_semaphore, #tpu.memory_space<semaphore_mem>>
        %dma_start3A = arith.constant 0 : i32
        %dma_start3A_82 = arith.constant 0 : i32
        %dma_start3A_83 = tpu.memref_slice %arg8[%dma_start3A, %dma_start3A_82] : memref<128x128xf32, #tpu.memory_space<vmem>> -> memref<128x128xf32, #tpu.memory_space<vmem>>
        %dma_start3A_84 = arith.constant 0 : i32
        %dma_start3A_85 = tpu.memref_slice %arg5[%arg0, %add3A_65, %dma_start3A_84] : memref<2x10000x128xf32, #tpu.memory_space<hbm>> -> memref<1x128x128xf32, #tpu.memory_space<hbm>>
        %dma_start3A_86 = tpu.memref_squeeze %dma_start3A_85 : memref<1x128x128xf32, #tpu.memory_space<hbm>> -> memref<128x128xf32, #tpu.memory_space<hbm>>
        %dma_start3A_87 = arith.constant 0 : i32
        %dma_start3A_88 = tpu.memref_slice %arg5[%arg0, %add3A_65, %dma_start3A_87] : memref<2x10000x128xf32, #tpu.memory_space<hbm>> -> memref<1x128x128xf32, #tpu.memory_space<hbm>>
        %dma_start3A_89 = tpu.memref_squeeze %dma_start3A_88 : memref<1x128x128xf32, #tpu.memory_space<hbm>> -> memref<128x128xf32, #tpu.memory_space<hbm>>
        %dma_start3A_90 = arith.constant 0 : i32
        %dma_start3A_91 = arith.constant 0 : i32
        %dma_start3A_92 = tpu.memref_slice %arg8[%dma_start3A_90, %dma_start3A_91] : memref<128x128xf32, #tpu.memory_space<vmem>> -> memref<128x128xf32, #tpu.memory_space<vmem>>
        tpu.enqueue_dma source(%dma_start3A_92 : memref<128x128xf32, #tpu.memory_space<vmem>>) target(%dma_start3A_89 : memref<128x128xf32, #tpu.memory_space<hbm>>) target_semaphore(%run_scoped3A : memref<!tpu.dma_semaphore, #tpu.memory_space<semaphore_mem>>)
        %dma_wait3A = arith.constant 0 : i32
        %dma_wait3A_93 = arith.constant 0 : i32
        %dma_wait3A_94 = tpu.memref_slice %arg8[%dma_wait3A, %dma_wait3A_93] : memref<128x128xf32, #tpu.memory_space<vmem>> -> memref<128x128xf32, #tpu.memory_space<vmem>>
        %dma_wait3A_95 = arith.constant 0 : i32
        %dma_wait3A_96 = tpu.memref_slice %arg5[%arg0, %add3A_65, %dma_wait3A_95] : memref<2x10000x128xf32, #tpu.memory_space<hbm>> -> memref<1x128x128xf32, #tpu.memory_space<hbm>>
        %dma_wait3A_97 = tpu.memref_squeeze %dma_wait3A_96 : memref<1x128x128xf32, #tpu.memory_space<hbm>> -> memref<128x128xf32, #tpu.memory_space<hbm>>
        %dma_wait3A_98 = arith.constant 0 : i32
        %dma_wait3A_99 = tpu.memref_slice %arg5[%arg0, %add3A_65, %dma_wait3A_98] : memref<2x10000x128xf32, #tpu.memory_space<hbm>> -> memref<1x128x128xf32, #tpu.memory_space<hbm>>
        %dma_wait3A_100 = tpu.memref_squeeze %dma_wait3A_99 : memref<1x128x128xf32, #tpu.memory_space<hbm>> -> memref<128x128xf32, #tpu.memory_space<hbm>>
        %dma_wait3A_101 = arith.constant 0 : i32
        %dma_wait3A_102 = arith.constant 0 : i32
        %dma_wait3A_103 = tpu.memref_slice %arg8[%dma_wait3A_101, %dma_wait3A_102] : memref<128x128xf32, #tpu.memory_space<vmem>> -> memref<128x128xf32, #tpu.memory_space<vmem>>
        tpu.wait_dma2 semaphore(%run_scoped3A : memref<!tpu.dma_semaphore, #tpu.memory_space<semaphore_mem>>) src(%dma_wait3A_103 : memref<128x128xf32, #tpu.memory_space<vmem>>) dst(%dma_wait3A_100 : memref<128x128xf32, #tpu.memory_space<hbm>>)
        tpu.yield
      }) : () -> ()
      %mul3A_66 = arith.constant 1000 : i32
      %mul3A_67 = arith.muli %arg1, %mul3A_66 : i32
      %add3A_68 = arith.constant 768 : i32
      %add3A_69 = arith.addi %mul3A_67, %add3A_68 : i32
      "tpu.region"() ({
        %run_scoped3A = tpu.sem_alloc : memref<!tpu.dma_semaphore, #tpu.memory_space<semaphore_mem>>
        %dma_start3A = arith.constant 0 : i32
        %dma_start3A_82 = arith.constant 0 : i32
        %dma_start3A_83 = tpu.memref_slice %arg8[%dma_start3A, %dma_start3A_82] : memref<128x128xf32, #tpu.memory_space<vmem>> -> memref<128x128xf32, #tpu.memory_space<vmem>>
        %dma_start3A_84 = arith.constant 0 : i32
        %dma_start3A_85 = tpu.memref_slice %arg10[%add3A_69, %dma_start3A_84] : memref<10000x128xf32, #tpu.memory_space<vmem_shared>> -> memref<128x128xf32, #tpu.memory_space<vmem_shared>>
        %dma_start3A_86 = arith.constant 0 : i32
        %dma_start3A_87 = arith.constant 0 : i32
        %dma_start3A_88 = tpu.memref_slice %arg8[%dma_start3A_86, %dma_start3A_87] : memref<128x128xf32, #tpu.memory_space<vmem>> -> memref<128x128xf32, #tpu.memory_space<vmem>>
        %dma_start3A_89 = arith.constant 0 : i32
        %dma_start3A_90 = tpu.memref_slice %arg10[%add3A_69, %dma_start3A_89] : memref<10000x128xf32, #tpu.memory_space<vmem_shared>> -> memref<128x128xf32, #tpu.memory_space<vmem_shared>>
        tpu.enqueue_dma source(%dma_start3A_90 : memref<128x128xf32, #tpu.memory_space<vmem_shared>>) target(%dma_start3A_88 : memref<128x128xf32, #tpu.memory_space<vmem>>) target_semaphore(%run_scoped3A : memref<!tpu.dma_semaphore, #tpu.memory_space<semaphore_mem>>)
        %dma_wait3A = arith.constant 0 : i32
        %dma_wait3A_91 = arith.constant 0 : i32
        %dma_wait3A_92 = tpu.memref_slice %arg8[%dma_wait3A, %dma_wait3A_91] : memref<128x128xf32, #tpu.memory_space<vmem>> -> memref<128x128xf32, #tpu.memory_space<vmem>>
        %dma_wait3A_93 = arith.constant 0 : i32
        %dma_wait3A_94 = tpu.memref_slice %arg10[%add3A_69, %dma_wait3A_93] : memref<10000x128xf32, #tpu.memory_space<vmem_shared>> -> memref<128x128xf32, #tpu.memory_space<vmem_shared>>
        %dma_wait3A_95 = arith.constant 0 : i32
        %dma_wait3A_96 = arith.constant 0 : i32
        %dma_wait3A_97 = tpu.memref_slice %arg8[%dma_wait3A_95, %dma_wait3A_96] : memref<128x128xf32, #tpu.memory_space<vmem>> -> memref<128x128xf32, #tpu.memory_space<vmem>>
        %dma_wait3A_98 = arith.constant 0 : i32
        %dma_wait3A_99 = tpu.memref_slice %arg10[%add3A_69, %dma_wait3A_98] : memref<10000x128xf32, #tpu.memory_space<vmem_shared>> -> memref<128x128xf32, #tpu.memory_space<vmem_shared>>
        tpu.wait_dma2 semaphore(%run_scoped3A : memref<!tpu.dma_semaphore, #tpu.memory_space<semaphore_mem>>) src(%dma_wait3A_99 : memref<128x128xf32, #tpu.memory_space<vmem_shared>>) dst(%dma_wait3A_97 : memref<128x128xf32, #tpu.memory_space<vmem>>)
        tpu.yield
      }) : () -> ()
      %mul3A_70 = arith.constant 1000 : i32
      %mul3A_71 = arith.muli %arg1, %mul3A_70 : i32
      %add3A_72 = arith.constant 768 : i32
      %add3A_73 = arith.addi %mul3A_71, %add3A_72 : i32
      "tpu.region"() ({
        %run_scoped3A = tpu.sem_alloc : memref<!tpu.dma_semaphore, #tpu.memory_space<semaphore_mem>>
        %dma_start3A = arith.constant 0 : i32
        %dma_start3A_82 = arith.constant 0 : i32
        %dma_start3A_83 = tpu.memref_slice %arg8[%dma_start3A, %dma_start3A_82] : memref<128x128xf32, #tpu.memory_space<vmem>> -> memref<128x128xf32, #tpu.memory_space<vmem>>
        %dma_start3A_84 = arith.constant 0 : i32
        %dma_start3A_85 = tpu.memref_slice %arg5[%arg0, %add3A_73, %dma_start3A_84] : memref<2x10000x128xf32, #tpu.memory_space<hbm>> -> memref<1x128x128xf32, #tpu.memory_space<hbm>>
        %dma_start3A_86 = tpu.memref_squeeze %dma_start3A_85 : memref<1x128x128xf32, #tpu.memory_space<hbm>> -> memref<128x128xf32, #tpu.memory_space<hbm>>
        %dma_start3A_87 = arith.constant 0 : i32
        %dma_start3A_88 = tpu.memref_slice %arg5[%arg0, %add3A_73, %dma_start3A_87] : memref<2x10000x128xf32, #tpu.memory_space<hbm>> -> memref<1x128x128xf32, #tpu.memory_space<hbm>>
        %dma_start3A_89 = tpu.memref_squeeze %dma_start3A_88 : memref<1x128x128xf32, #tpu.memory_space<hbm>> -> memref<128x128xf32, #tpu.memory_space<hbm>>
        %dma_start3A_90 = arith.constant 0 : i32
        %dma_start3A_91 = arith.constant 0 : i32
        %dma_start3A_92 = tpu.memref_slice %arg8[%dma_start3A_90, %dma_start3A_91] : memref<128x128xf32, #tpu.memory_space<vmem>> -> memref<128x128xf32, #tpu.memory_space<vmem>>
        tpu.enqueue_dma source(%dma_start3A_92 : memref<128x128xf32, #tpu.memory_space<vmem>>) target(%dma_start3A_89 : memref<128x128xf32, #tpu.memory_space<hbm>>) target_semaphore(%run_scoped3A : memref<!tpu.dma_semaphore, #tpu.memory_space<semaphore_mem>>)
        %dma_wait3A = arith.constant 0 : i32
        %dma_wait3A_93 = arith.constant 0 : i32
        %dma_wait3A_94 = tpu.memref_slice %arg8[%dma_wait3A, %dma_wait3A_93] : memref<128x128xf32, #tpu.memory_space<vmem>> -> memref<128x128xf32, #tpu.memory_space<vmem>>
        %dma_wait3A_95 = arith.constant 0 : i32
        %dma_wait3A_96 = tpu.memref_slice %arg5[%arg0, %add3A_73, %dma_wait3A_95] : memref<2x10000x128xf32, #tpu.memory_space<hbm>> -> memref<1x128x128xf32, #tpu.memory_space<hbm>>
        %dma_wait3A_97 = tpu.memref_squeeze %dma_wait3A_96 : memref<1x128x128xf32, #tpu.memory_space<hbm>> -> memref<128x128xf32, #tpu.memory_space<hbm>>
        %dma_wait3A_98 = arith.constant 0 : i32
        %dma_wait3A_99 = tpu.memref_slice %arg5[%arg0, %add3A_73, %dma_wait3A_98] : memref<2x10000x128xf32, #tpu.memory_space<hbm>> -> memref<1x128x128xf32, #tpu.memory_space<hbm>>
        %dma_wait3A_100 = tpu.memref_squeeze %dma_wait3A_99 : memref<1x128x128xf32, #tpu.memory_space<hbm>> -> memref<128x128xf32, #tpu.memory_space<hbm>>
        %dma_wait3A_101 = arith.constant 0 : i32
        %dma_wait3A_102 = arith.constant 0 : i32
        %dma_wait3A_103 = tpu.memref_slice %arg8[%dma_wait3A_101, %dma_wait3A_102] : memref<128x128xf32, #tpu.memory_space<vmem>> -> memref<128x128xf32, #tpu.memory_space<vmem>>
        tpu.wait_dma2 semaphore(%run_scoped3A : memref<!tpu.dma_semaphore, #tpu.memory_space<semaphore_mem>>) src(%dma_wait3A_103 : memref<128x128xf32, #tpu.memory_space<vmem>>) dst(%dma_wait3A_100 : memref<128x128xf32, #tpu.memory_space<hbm>>)
        tpu.yield
      }) : () -> ()
      %mul3A_74 = arith.constant 1000 : i32
      %mul3A_75 = arith.muli %arg1, %mul3A_74 : i32
      %add3A_76 = arith.constant 896 : i32
      %add3A_77 = arith.addi %mul3A_75, %add3A_76 : i32
      "tpu.region"() ({
        %run_scoped3A = tpu.sem_alloc : memref<!tpu.dma_semaphore, #tpu.memory_space<semaphore_mem>>
        %dma_start3A = arith.constant 0 : i32
        %dma_start3A_82 = arith.constant 0 : i32
        %dma_start3A_83 = tpu.memref_slice %arg8[%dma_start3A, %dma_start3A_82] : memref<128x128xf32, #tpu.memory_space<vmem>> -> memref<104x128xf32, #tpu.memory_space<vmem>>
        %dma_start3A_84 = arith.constant 0 : i32
        %dma_start3A_85 = tpu.memref_slice %arg10[%add3A_77, %dma_start3A_84] : memref<10000x128xf32, #tpu.memory_space<vmem_shared>> -> memref<104x128xf32, #tpu.memory_space<vmem_shared>>
        %dma_start3A_86 = arith.constant 0 : i32
        %dma_start3A_87 = arith.constant 0 : i32
        %dma_start3A_88 = tpu.memref_slice %arg8[%dma_start3A_86, %dma_start3A_87] : memref<128x128xf32, #tpu.memory_space<vmem>> -> memref<104x128xf32, #tpu.memory_space<vmem>>
        %dma_start3A_89 = arith.constant 0 : i32
        %dma_start3A_90 = tpu.memref_slice %arg10[%add3A_77, %dma_start3A_89] : memref<10000x128xf32, #tpu.memory_space<vmem_shared>> -> memref<104x128xf32, #tpu.memory_space<vmem_shared>>
        tpu.enqueue_dma source(%dma_start3A_90 : memref<104x128xf32, #tpu.memory_space<vmem_shared>>) target(%dma_start3A_88 : memref<104x128xf32, #tpu.memory_space<vmem>>) target_semaphore(%run_scoped3A : memref<!tpu.dma_semaphore, #tpu.memory_space<semaphore_mem>>)
        %dma_wait3A = arith.constant 0 : i32
        %dma_wait3A_91 = arith.constant 0 : i32
        %dma_wait3A_92 = tpu.memref_slice %arg8[%dma_wait3A, %dma_wait3A_91] : memref<128x128xf32, #tpu.memory_space<vmem>> -> memref<104x128xf32, #tpu.memory_space<vmem>>
        %dma_wait3A_93 = arith.constant 0 : i32
        %dma_wait3A_94 = tpu.memref_slice %arg10[%add3A_77, %dma_wait3A_93] : memref<10000x128xf32, #tpu.memory_space<vmem_shared>> -> memref<104x128xf32, #tpu.memory_space<vmem_shared>>
        %dma_wait3A_95 = arith.constant 0 : i32
        %dma_wait3A_96 = arith.constant 0 : i32
        %dma_wait3A_97 = tpu.memref_slice %arg8[%dma_wait3A_95, %dma_wait3A_96] : memref<128x128xf32, #tpu.memory_space<vmem>> -> memref<104x128xf32, #tpu.memory_space<vmem>>
        %dma_wait3A_98 = arith.constant 0 : i32
        %dma_wait3A_99 = tpu.memref_slice %arg10[%add3A_77, %dma_wait3A_98] : memref<10000x128xf32, #tpu.memory_space<vmem_shared>> -> memref<104x128xf32, #tpu.memory_space<vmem_shared>>
        tpu.wait_dma2 semaphore(%run_scoped3A : memref<!tpu.dma_semaphore, #tpu.memory_space<semaphore_mem>>) src(%dma_wait3A_99 : memref<104x128xf32, #tpu.memory_space<vmem_shared>>) dst(%dma_wait3A_97 : memref<104x128xf32, #tpu.memory_space<vmem>>)
        tpu.yield
      }) : () -> ()
      %mul3A_78 = arith.constant 1000 : i32
      %mul3A_79 = arith.muli %arg1, %mul3A_78 : i32
      %add3A_80 = arith.constant 896 : i32
      %add3A_81 = arith.addi %mul3A_79, %add3A_80 : i32
      "tpu.region"() ({
        %run_scoped3A = tpu.sem_alloc : memref<!tpu.dma_semaphore, #tpu.memory_space<semaphore_mem>>
        %dma_start3A = arith.constant 0 : i32
        %dma_start3A_82 = arith.constant 0 : i32
        %dma_start3A_83 = tpu.memref_slice %arg8[%dma_start3A, %dma_start3A_82] : memref<128x128xf32, #tpu.memory_space<vmem>> -> memref<104x128xf32, #tpu.memory_space<vmem>>
        %dma_start3A_84 = arith.constant 0 : i32
        %dma_start3A_85 = tpu.memref_slice %arg5[%arg0, %add3A_81, %dma_start3A_84] : memref<2x10000x128xf32, #tpu.memory_space<hbm>> -> memref<1x104x128xf32, #tpu.memory_space<hbm>>
        %dma_start3A_86 = tpu.memref_squeeze %dma_start3A_85 : memref<1x104x128xf32, #tpu.memory_space<hbm>> -> memref<104x128xf32, #tpu.memory_space<hbm>>
        %dma_start3A_87 = arith.constant 0 : i32
        %dma_start3A_88 = tpu.memref_slice %arg5[%arg0, %add3A_81, %dma_start3A_87] : memref<2x10000x128xf32, #tpu.memory_space<hbm>> -> memref<1x104x128xf32, #tpu.memory_space<hbm>>
        %dma_start3A_89 = tpu.memref_squeeze %dma_start3A_88 : memref<1x104x128xf32, #tpu.memory_space<hbm>> -> memref<104x128xf32, #tpu.memory_space<hbm>>
        %dma_start3A_90 = arith.constant 0 : i32
        %dma_start3A_91 = arith.constant 0 : i32
        %dma_start3A_92 = tpu.memref_slice %arg8[%dma_start3A_90, %dma_start3A_91] : memref<128x128xf32, #tpu.memory_space<vmem>> -> memref<104x128xf32, #tpu.memory_space<vmem>>
        tpu.enqueue_dma source(%dma_start3A_92 : memref<104x128xf32, #tpu.memory_space<vmem>>) target(%dma_start3A_89 : memref<104x128xf32, #tpu.memory_space<hbm>>) target_semaphore(%run_scoped3A : memref<!tpu.dma_semaphore, #tpu.memory_space<semaphore_mem>>)
        %dma_wait3A = arith.constant 0 : i32
        %dma_wait3A_93 = arith.constant 0 : i32
        %dma_wait3A_94 = tpu.memref_slice %arg8[%dma_wait3A, %dma_wait3A_93] : memref<128x128xf32, #tpu.memory_space<vmem>> -> memref<104x128xf32, #tpu.memory_space<vmem>>
        %dma_wait3A_95 = arith.constant 0 : i32
        %dma_wait3A_96 = tpu.memref_slice %arg5[%arg0, %add3A_81, %dma_wait3A_95] : memref<2x10000x128xf32, #tpu.memory_space<hbm>> -> memref<1x104x128xf32, #tpu.memory_space<hbm>>
        %dma_wait3A_97 = tpu.memref_squeeze %dma_wait3A_96 : memref<1x104x128xf32, #tpu.memory_space<hbm>> -> memref<104x128xf32, #tpu.memory_space<hbm>>
        %dma_wait3A_98 = arith.constant 0 : i32
        %dma_wait3A_99 = tpu.memref_slice %arg5[%arg0, %add3A_81, %dma_wait3A_98] : memref<2x10000x128xf32, #tpu.memory_space<hbm>> -> memref<1x104x128xf32, #tpu.memory_space<hbm>>
        %dma_wait3A_100 = tpu.memref_squeeze %dma_wait3A_99 : memref<1x104x128xf32, #tpu.memory_space<hbm>> -> memref<104x128xf32, #tpu.memory_space<hbm>>
        %dma_wait3A_101 = arith.constant 0 : i32
        %dma_wait3A_102 = arith.constant 0 : i32
        %dma_wait3A_103 = tpu.memref_slice %arg8[%dma_wait3A_101, %dma_wait3A_102] : memref<128x128xf32, #tpu.memory_space<vmem>> -> memref<104x128xf32, #tpu.memory_space<vmem>>
        tpu.wait_dma2 semaphore(%run_scoped3A : memref<!tpu.dma_semaphore, #tpu.memory_space<semaphore_mem>>) src(%dma_wait3A_103 : memref<104x128xf32, #tpu.memory_space<vmem>>) dst(%dma_wait3A_100 : memref<104x128xf32, #tpu.memory_space<hbm>>)
        tpu.yield
      }) : () -> ()
    } else {
    }
    return
  }
}

module attributes {stable_mosaic.version = 14 : i64} {
  func.func @_tc_prescale_body(%arg0: memref<10240x128xf32, #tpu.memory_space<vmem>>, %arg1: memref<128x128xf32, #tpu.memory_space<vmem>>, %arg2: memref<2x10240x1xf32, #tpu.memory_space<vmem>>, %arg3: memref<10240x128xf32, #tpu.memory_space<vmem>>) attributes {dimension_semantics = [], scalar_prefetch = 0 : i64, scratch_operands = 0 : i64, tpu.core_type = #tpu.core_type<tc>} {
    %get3A = arith.constant 0 : index
    %get3A_0 = arith.constant 0 : index
    %get3A_1 = arith.constant 0 : index
    %get3A_2 = vector.load %arg2[%get3A, %get3A_0, %get3A_1] : memref<2x10240x1xf32, #tpu.memory_space<vmem>>, vector<2x10240x1xf32>
    %slice3A = vector.extract_strided_slice %get3A_2 {offsets = [0, 0, 0], sizes = [1, 10240, 1], strides = [1, 1, 1]} : vector<2x10240x1xf32> to vector<1x10240x1xf32>
    %squeeze3A = vector.shape_cast %slice3A : vector<1x10240x1xf32> to vector<10240x1xf32>
    %slice3A_3 = vector.extract_strided_slice %get3A_2 {offsets = [1, 0, 0], sizes = [1, 10240, 1], strides = [1, 1, 1]} : vector<2x10240x1xf32> to vector<1x10240x1xf32>
    %squeeze3A_4 = vector.shape_cast %slice3A_3 : vector<1x10240x1xf32> to vector<10240x1xf32>
    %add3A = arith.addf %squeeze3A, %squeeze3A_4 : vector<10240x1xf32>
    %gt3A = arith.constant 0.000000e+00 : f32
    %gt3A_5 = vector.broadcast %gt3A : f32 to vector<10240x1xf32>
    %gt3A_6 = arith.cmpf ogt, %add3A, %gt3A_5 : vector<10240x1xf32>
    %rsqrt3A = math.rsqrt %add3A : vector<10240x1xf32>
    %jit3A = arith.constant 0.000000e+00 : f32
    %broadcast_in_dim3A = vector.broadcast %jit3A : f32 to vector<10240x1xf32>
    %select_n3A = arith.select %gt3A_6, %rsqrt3A, %broadcast_in_dim3A : vector<10240x1xi1>, vector<10240x1xf32>
    %get3A_7 = arith.constant 0 : index
    %get3A_8 = arith.constant 0 : index
    %get3A_9 = vector.load %arg0[%get3A_7, %get3A_8] : memref<10240x128xf32, #tpu.memory_space<vmem>>, vector<10240x128xf32>
    %get3A_10 = arith.constant 0 : index
    %get3A_11 = arith.constant 0 : index
    %get3A_12 = vector.load %arg1[%get3A_10, %get3A_11] : memref<128x128xf32, #tpu.memory_space<vmem>>, vector<128x128xf32>
    %dot_general3A = arith.constant dense<0.000000e+00> : vector<10240x128xf32>
    %dot_general3A_13 = tpu.matmul %get3A_9, %get3A_12, %dot_general3A {dimension_numbers = #tpu.dot_dimension_numbers<[1], [0], [0], [1], [0, 0, 1, 1], [], []>, transpose_lhs_hint = false} : vector<10240x128xf32>, vector<128x128xf32>, vector<10240x128xf32> -> vector<10240x128xf32>
    %mul3A = vector.broadcast %select_n3A : vector<10240x1xf32> to vector<10240x128xf32>
    %mul3A_14 = arith.mulf %dot_general3A_13, %mul3A : vector<10240x128xf32>
    %swap3A = arith.constant 0 : index
    %swap3A_15 = arith.constant 0 : index
    %swap3A_16 = vector.load %arg3[%swap3A, %swap3A_15] : memref<10240x128xf32, #tpu.memory_space<vmem>>, vector<10240x128xf32>
    tpu.vector_store %arg3[%swap3A, %swap3A_15], %mul3A_14 {strides = array<i32>} : memref<10240x128xf32, #tpu.memory_space<vmem>>, vector<10240x128xf32>,
    return
  }
}

module attributes {stable_mosaic.version = 14 : i64} {
  func.func @_tc_mid_body(%arg0: memref<2x10000x128xf32, #tpu.memory_space<vmem>>, %arg1: memref<2x10240x1xf32, #tpu.memory_space<vmem>>, %arg2: memref<128xf32, #tpu.memory_space<vmem>>, %arg3: memref<128x128xf32, #tpu.memory_space<vmem>>, %arg4: memref<10240x128xf32, #tpu.memory_space<vmem>>) attributes {dimension_semantics = [], scalar_prefetch = 0 : i64, scratch_operands = 0 : i64, tpu.core_type = #tpu.core_type<tc>} {
    %get3A = arith.constant 0 : index
    %get3A_0 = arith.constant 0 : index
    %get3A_1 = arith.constant 0 : index
    %get3A_2 = vector.load %arg1[%get3A, %get3A_0, %get3A_1] : memref<2x10240x1xf32, #tpu.memory_space<vmem>>, vector<2x10240x1xf32>
    %slice3A = vector.extract_strided_slice %get3A_2 {offsets = [0, 0, 0], sizes = [1, 10240, 1], strides = [1, 1, 1]} : vector<2x10240x1xf32> to vector<1x10240x1xf32>
    %squeeze3A = vector.shape_cast %slice3A : vector<1x10240x1xf32> to vector<10240x1xf32>
    %slice3A_3 = vector.extract_strided_slice %get3A_2 {offsets = [1, 0, 0], sizes = [1, 10240, 1], strides = [1, 1, 1]} : vector<2x10240x1xf32> to vector<1x10240x1xf32>
    %squeeze3A_4 = vector.shape_cast %slice3A_3 : vector<1x10240x1xf32> to vector<10240x1xf32>
    %add3A = arith.addf %squeeze3A, %squeeze3A_4 : vector<10240x1xf32>
    %gt3A = arith.constant 0.000000e+00 : f32
    %gt3A_5 = vector.broadcast %gt3A : f32 to vector<10240x1xf32>
    %gt3A_6 = arith.cmpf ogt, %add3A, %gt3A_5 : vector<10240x1xf32>
    %rsqrt3A = math.rsqrt %add3A : vector<10240x1xf32>
    %jit3A = arith.constant 0.000000e+00 : f32
    %broadcast_in_dim3A = vector.broadcast %jit3A : f32 to vector<10240x1xf32>
    %select_n3A = arith.select %gt3A_6, %rsqrt3A, %broadcast_in_dim3A : vector<10240x1xi1>, vector<10240x1xf32>
    %slice3A_7 = vector.extract_strided_slice %select_n3A {offsets = [0, 0], sizes = [10000, 1], strides = [1, 1]} : vector<10240x1xf32> to vector<10000x1xf32>
    %get3A_8 = arith.constant 0 : index
    %get3A_9 = arith.constant 0 : index
    %get3A_10 = arith.constant 0 : index
    %get3A_11 = vector.load %arg0[%get3A_8, %get3A_9, %get3A_10] : memref<2x10000x128xf32, #tpu.memory_space<vmem>>, vector<1x10000x128xf32>
    %get3A_12 = vector.shape_cast %get3A_11 : vector<1x10000x128xf32> to vector<10000x128xf32>
    %get3A_13 = arith.constant 1 : index
    %get3A_14 = arith.constant 0 : index
    %get3A_15 = arith.constant 0 : index
    %get3A_16 = vector.load %arg0[%get3A_13, %get3A_14, %get3A_15] : memref<2x10000x128xf32, #tpu.memory_space<vmem>>, vector<1x10000x128xf32>
    %get3A_17 = vector.shape_cast %get3A_16 : vector<1x10000x128xf32> to vector<10000x128xf32>
    %add3A_18 = arith.addf %get3A_12, %get3A_17 : vector<10000x128xf32>
    %mul3A = vector.broadcast %slice3A_7 : vector<10000x1xf32> to vector<10000x128xf32>
    %mul3A_19 = arith.mulf %add3A_18, %mul3A : vector<10000x128xf32>
    %get3A_20 = arith.constant 0 : index
    %get3A_21 = vector.load %arg2[%get3A_20] : memref<128xf32, #tpu.memory_space<vmem>>, vector<128xf32>
    %broadcast_in_dim3A_22 = vector.shape_cast %get3A_21 : vector<128xf32> to vector<1x128xf32>
    %add3A_23 = vector.broadcast %broadcast_in_dim3A_22 : vector<1x128xf32> to vector<10000x128xf32>
    %add3A_24 = arith.addf %mul3A_19, %add3A_23 : vector<10000x128xf32>
    %max3A = arith.constant 0.000000e+00 : f32
    %max3A_25 = vector.broadcast %max3A : f32 to vector<10000x128xf32>
    %max3A_26 = arith.maximumf %add3A_24, %max3A_25 : vector<10000x128xf32>
    %get3A_27 = arith.constant 0 : index
    %get3A_28 = arith.constant 0 : index
    %get3A_29 = vector.load %arg3[%get3A_27, %get3A_28] : memref<128x128xf32, #tpu.memory_space<vmem>>, vector<128x128xf32>
    %dot_general3A = arith.constant dense<0.000000e+00> : vector<10000x128xf32>
    %dot_general3A_30 = tpu.matmul %max3A_26, %get3A_29, %dot_general3A {dimension_numbers = #tpu.dot_dimension_numbers<[1], [0], [0], [1], [0, 0, 1, 1], [], []>, transpose_lhs_hint = false} : vector<10000x128xf32>, vector<128x128xf32>, vector<10000x128xf32> -> vector<10000x128xf32>
    %mul3A_31 = vector.broadcast %slice3A_7 : vector<10000x1xf32> to vector<10000x128xf32>
    %mul3A_32 = arith.mulf %dot_general3A_30, %mul3A_31 : vector<10000x128xf32>
    %swap3A = arith.constant 0 : index
    %swap3A_33 = arith.constant 0 : index
    %swap3A_34 = vector.load %arg4[%swap3A, %swap3A_33] : memref<10240x128xf32, #tpu.memory_space<vmem>>, vector<10000x128xf32>
    tpu.vector_store %arg4[%swap3A, %swap3A_33], %mul3A_32 {strides = array<i32>} : memref<10240x128xf32, #tpu.memory_space<vmem>>, vector<10000x128xf32>,
    %broadcast_in_dim3A_35 = arith.constant 0.000000e+00 : f32
    %broadcast_in_dim3A_36 = vector.broadcast %broadcast_in_dim3A_35 : f32 to vector<240x128xf32>
    %swap3A_37 = arith.constant 10000 : index
    %swap3A_38 = arith.constant 0 : index
    %swap3A_39 = vector.load %arg4[%swap3A_37, %swap3A_38] : memref<10240x128xf32, #tpu.memory_space<vmem>>, vector<240x128xf32>
    tpu.vector_store %arg4[%swap3A_37, %swap3A_38], %broadcast_in_dim3A_36 {strides = array<i32>} : memref<10240x128xf32, #tpu.memory_space<vmem>>, vector<240x128xf32>,
    return
  }
}

module attributes {stable_mosaic.version = 14 : i64} {
  func.func @_tc_final_body(%arg0: memref<2x10000x128xf32, #tpu.memory_space<vmem>>, %arg1: memref<2x10240x1xf32, #tpu.memory_space<vmem>>, %arg2: memref<128xf32, #tpu.memory_space<vmem>>, %arg3: memref<1x10000xi32, #tpu.memory_space<vmem>>, %arg4: memref<128x128xf32, #tpu.memory_space<vmem>>, %arg5: memref<128xf32, #tpu.memory_space<vmem>>, %arg6: memref<64x128xf32, #tpu.memory_space<vmem>>) attributes {dimension_semantics = [], scalar_prefetch = 0 : i64, scratch_operands = 0 : i64, tpu.core_type = #tpu.core_type<tc>} {
    %get3A = arith.constant 0 : index
    %get3A_0 = arith.constant 0 : index
    %get3A_1 = arith.constant 0 : index
    %get3A_2 = vector.load %arg1[%get3A, %get3A_0, %get3A_1] : memref<2x10240x1xf32, #tpu.memory_space<vmem>>, vector<2x10240x1xf32>
    %slice3A = vector.extract_strided_slice %get3A_2 {offsets = [0, 0, 0], sizes = [1, 10240, 1], strides = [1, 1, 1]} : vector<2x10240x1xf32> to vector<1x10240x1xf32>
    %squeeze3A = vector.shape_cast %slice3A : vector<1x10240x1xf32> to vector<10240x1xf32>
    %slice3A_3 = vector.extract_strided_slice %get3A_2 {offsets = [1, 0, 0], sizes = [1, 10240, 1], strides = [1, 1, 1]} : vector<2x10240x1xf32> to vector<1x10240x1xf32>
    %squeeze3A_4 = vector.shape_cast %slice3A_3 : vector<1x10240x1xf32> to vector<10240x1xf32>
    %add3A = arith.addf %squeeze3A, %squeeze3A_4 : vector<10240x1xf32>
    %gt3A = arith.constant 0.000000e+00 : f32
    %gt3A_5 = vector.broadcast %gt3A : f32 to vector<10240x1xf32>
    %gt3A_6 = arith.cmpf ogt, %add3A, %gt3A_5 : vector<10240x1xf32>
    %rsqrt3A = math.rsqrt %add3A : vector<10240x1xf32>
    %jit3A = arith.constant 0.000000e+00 : f32
    %broadcast_in_dim3A = vector.broadcast %jit3A : f32 to vector<10240x1xf32>
    %select_n3A = arith.select %gt3A_6, %rsqrt3A, %broadcast_in_dim3A : vector<10240x1xi1>, vector<10240x1xf32>
    %slice3A_7 = vector.extract_strided_slice %select_n3A {offsets = [0, 0], sizes = [10000, 1], strides = [1, 1]} : vector<10240x1xf32> to vector<10000x1xf32>
    %get3A_8 = arith.constant 0 : index
    %get3A_9 = arith.constant 0 : index
    %get3A_10 = arith.constant 0 : index
    %get3A_11 = vector.load %arg0[%get3A_8, %get3A_9, %get3A_10] : memref<2x10000x128xf32, #tpu.memory_space<vmem>>, vector<1x10000x128xf32>
    %get3A_12 = vector.shape_cast %get3A_11 : vector<1x10000x128xf32> to vector<10000x128xf32>
    %get3A_13 = arith.constant 1 : index
    %get3A_14 = arith.constant 0 : index
    %get3A_15 = arith.constant 0 : index
    %get3A_16 = vector.load %arg0[%get3A_13, %get3A_14, %get3A_15] : memref<2x10000x128xf32, #tpu.memory_space<vmem>>, vector<1x10000x128xf32>
    %get3A_17 = vector.shape_cast %get3A_16 : vector<1x10000x128xf32> to vector<10000x128xf32>
    %add3A_18 = arith.addf %get3A_12, %get3A_17 : vector<10000x128xf32>
    %mul3A = vector.broadcast %slice3A_7 : vector<10000x1xf32> to vector<10000x128xf32>
    %mul3A_19 = arith.mulf %add3A_18, %mul3A : vector<10000x128xf32>
    %get3A_20 = arith.constant 0 : index
    %get3A_21 = vector.load %arg2[%get3A_20] : memref<128xf32, #tpu.memory_space<vmem>>, vector<128xf32>
    %broadcast_in_dim3A_22 = vector.shape_cast %get3A_21 : vector<128xf32> to vector<1x128xf32>
    %add3A_23 = vector.broadcast %broadcast_in_dim3A_22 : vector<1x128xf32> to vector<10000x128xf32>
    %add3A_24 = arith.addf %mul3A_19, %add3A_23 : vector<10000x128xf32>
    %max3A = arith.constant 0.000000e+00 : f32
    %max3A_25 = vector.broadcast %max3A : f32 to vector<10000x128xf32>
    %max3A_26 = arith.maximumf %add3A_24, %max3A_25 : vector<10000x128xf32>
    %iota3A = tpu.iota {dimensions = array<i32: 0>} : vector<64x10000xi32>
    %get3A_27 = arith.constant 0 : index
    %get3A_28 = arith.constant 0 : index
    %get3A_29 = vector.load %arg3[%get3A_27, %get3A_28] : memref<1x10000xi32, #tpu.memory_space<vmem>>, vector<1x10000xi32>
    %broadcast_in_dim3A_30 = vector.shape_cast %get3A_29 : vector<1x10000xi32> to vector<1x10000xi32>
    %broadcast_in_dim3A_31 = vector.broadcast %broadcast_in_dim3A_30 : vector<1x10000xi32> to vector<64x10000xi32>
    %eq3A = arith.cmpi eq, %iota3A, %broadcast_in_dim3A_31 : vector<64x10000xi32>
    %jit3A_32 = arith.constant 1.000000e+00 : f32
    %jit3A_33 = arith.constant 0.000000e+00 : f32
    %broadcast_in_dim3A_34 = vector.broadcast %jit3A_32 : f32 to vector<64x10000xf32>
    %broadcast_in_dim3A_35 = vector.broadcast %jit3A_33 : f32 to vector<64x10000xf32>
    %select_n3A_36 = arith.select %eq3A, %broadcast_in_dim3A_34, %broadcast_in_dim3A_35 : vector<64x10000xi1>, vector<64x10000xf32>
    %dot_general3A = arith.constant dense<0.000000e+00> : vector<64x128xf32>
    %dot_general3A_37 = tpu.matmul %select_n3A_36, %max3A_26, %dot_general3A {dimension_numbers = #tpu.dot_dimension_numbers<[1], [0], [0], [1], [0, 0, 1, 1], [], []>, transpose_lhs_hint = false} : vector<64x10000xf32>, vector<10000x128xf32>, vector<64x128xf32> -> vector<64x128xf32>
    %reduce_sum3A = arith.constant dense<0.000000e+00> : vector<64xf32>
    %reduce_sum3A_38 = vector.multi_reduction <add>, %select_n3A_36, %reduce_sum3A [1] : vector<64x10000xf32> to vector<64xf32>
    %broadcast_in_dim3A_39 = vector.shape_cast %reduce_sum3A_38 : vector<64xf32> to vector<64x1xf32>
    %max3A_40 = arith.constant 1.000000e+00 : f32
    %max3A_41 = vector.broadcast %max3A_40 : f32 to vector<64x1xf32>
    %max3A_42 = arith.maximumf %broadcast_in_dim3A_39, %max3A_41 : vector<64x1xf32>
    %div3A = vector.broadcast %max3A_42 : vector<64x1xf32> to vector<64x128xf32>
    %div3A_43 = arith.divf %dot_general3A_37, %div3A : vector<64x128xf32>
    %get3A_44 = arith.constant 0 : index
    %get3A_45 = arith.constant 0 : index
    %get3A_46 = vector.load %arg4[%get3A_44, %get3A_45] : memref<128x128xf32, #tpu.memory_space<vmem>>, vector<128x128xf32>
    %dot_general3A_47 = arith.constant dense<0.000000e+00> : vector<64x128xf32>
    %dot_general3A_48 = tpu.matmul %div3A_43, %get3A_46, %dot_general3A_47 {dimension_numbers = #tpu.dot_dimension_numbers<[1], [0], [0], [1], [0, 0, 1, 1], [], []>, transpose_lhs_hint = false} : vector<64x128xf32>, vector<128x128xf32>, vector<64x128xf32> -> vector<64x128xf32>
    %get3A_49 = arith.constant 0 : index
    %get3A_50 = vector.load %arg5[%get3A_49] : memref<128xf32, #tpu.memory_space<vmem>>, vector<128xf32>
    %broadcast_in_dim3A_51 = vector.shape_cast %get3A_50 : vector<128xf32> to vector<1x128xf32>
    %add3A_52 = vector.broadcast %broadcast_in_dim3A_51 : vector<1x128xf32> to vector<64x128xf32>
    %add3A_53 = arith.addf %dot_general3A_48, %add3A_52 : vector<64x128xf32>
    %swap3A = arith.constant 0 : index
    %swap3A_54 = arith.constant 0 : index
    %swap3A_55 = vector.load %arg6[%swap3A, %swap3A_54] : memref<64x128xf32, #tpu.memory_space<vmem>>, vector<64x128xf32>
    tpu.vector_store %arg6[%swap3A, %swap3A_54], %add3A_53 {strides = array<i32>} : memref<64x128xf32, #tpu.memory_space<vmem>>, vector<64x128xf32>,
    return
  }
}

</mosaic_0001>

<sc_bundles>
// kernel: kernel.11.cloned.1.call-start
scs
__scs_entry_jumppad:
0x0: {  	(pc) =	sbr.rel $0x88, $3  }
0x1: {  	(tag) =	ssettag $0x0;
	lr =	simm.s32 $0x1  }
0x2: {  	[smem:$0x3F98] =	sst lr;
	_ =	strace $0xD0000000  }
0x3: {  	_ = 	snop  }
0x4: {  	_ = 	snop  }
0x5: {  	_ = 	snop  }
0x6: {  	_ = 	snop  }
0x7: {  	_ = 	snop  }
__scs_overlays_trampoline_lowered:
0x8: {  	[smem:$0x3FA7] =	sst s0  }
0x9: {  	[smem:$0x3FA8] =	sst s1  }
0xa: {  	[smem:$0x3FA9] =	sst s2  }
0xb: {  	[smem:$0x3FAA] =	sst s3  }
0xc: {  	[smem:$0x3FAB] =	sst s4  }
0xd: {  	[smem:$0x3FAC] =	sst s5  }
0xe: {  	[smem:$0x3FAD] =	sst s6  }
0xf: {  	[smem:$0x3FAE] =	sst s7  }
0x10: {  	[smem:$0x3FAF] =	sst s8  }
0x11: {  	[smem:$0x3FB0] =	sst s9;
	s0 =	simm.s32 @!p0 $0x0  }
0x12: {  	s1 =	sld [smem:$0x3F96];
	s0 =	simm.s32 @p0 $0x1  }
0x13: {  	[smem:$0x3FB1] =	sst s0;
	s0 =	simm.s32 @!p1 $0x0  }
0x14: {  	s2 =	sld [smem:$0x3F95];
	s0 =	simm.s32 @p1 $0x1  }
0x15: {  	[smem:$0x3FB2] =	sst s0;
	s0 =	simm.s32 @!p2 $0x0  }
0x16: {  	s3 =	sld [smem:$0x3FDB];
	s0 =	simm.s32 @p2 $0x1  }
0x17: {  	s4 =	simm.s32 $0x1BF5;
	[smem:$0x3FB4] =	sst s0  }
0x18: {  	s0 =	sld [smem:$0x3F97];
	_ =	swait.ge [sflag:s4], $0x0  }
0x19: {  	s7 =	sld [smem:$0x3F98]  }
0x1a: {  	s8 =	sadd.s32 $0xFFFFE003, lr  }
0x1b: {  	s9 =	sadd.s32 $0xFFFFFEF7, lr;
	s5 =	simm.s32 $0xFFFFFFFF;
	p2 =	slt.u32 s8, $0xFFFFF086  }
0x1c: {  	p1 =	slt.u32 s9, $0xF7A;
	s5 =	simm.s32 @!p2 $0x0  }
0x1d: {  	s5 =	simm.s32 @p1 $0x1;
	p0 =	seq.s32 s7, s2  }
0x1e: {  	s7 =	smul.u32 @!p0 $0xF7A, s2;
	p2 =	seq.s32 @!p0 s5, $0x0  }
0x1f: {  	s9 =	smul.u32 $0xF7A, s1;
	s8 =	simm.s32 @!p0 $0x1BF5;
	p2 =	por !p2, p0  }
0x20: {  	[sflag:s8] =	ssyncset.s32 @!p0 $0xFFFFF086;
	s6 =	sadd.s32 @!p0 s3, s7;
	s7 =	simm.s32 @!p0 $0x108  }
0x21: {  	s3 =	sadd.s32 s3, s9;
	s6 =	sadd.s32 @!p0 $0x88, s6;
	s7 =	simm.s32 @p2 $0x1082  }
0x22: {  	[simem:s7], [sflag:s8] =	dma.local @!p0 [hbm:s6], $0xF7A  }
0x23: {  	s9 =	sor.u32 $0xD0000000, s2;
	s6 =	simm.s32 $0x108;
	_ =	swait.ge @!p0 [sflag:s8], $0x0  }
0x24: {  	s3 =	sadd.s32 $0x88, s3;
	s6 =	simm.s32 @!p1 $0x1082;
	[sflag:s4] =	ssyncset.s32 $0xFFFFF086  }
0x25: {  	[simem:s6], [sflag:s4] =	dma.local [hbm:s3], $0xF7A  }
0x26: {  	[smem:$0x3F98] =	sst s1;
	(tag) =	ssettag s2;
	_ =	strace s9  }
0x27: {  	s1 =	sld [smem:$0x3FA8]  }
0x28: {  	s2 =	sld [smem:$0x3FA9]  }
0x29: {  	s4 =	sld [smem:$0x3FAB]  }
0x2a: {  	p0 =	seq.s32 s5, $0x0;
	s5 =	sld [smem:$0x3FAC]  }
0x2b: {  	s6 =	sld [smem:$0x3FAD]  }
0x2c: {  	s7 =	sld [smem:$0x3FAE]  }
0x2d: {  	s3 =	simm.s32 $0x108;
	s8 =	sld [smem:$0x3FAF]  }
0x2e: {  	s3 =	simm.s32 @!p0 $0x1082;
	s9 =	sld [smem:$0x3FB0]  }
0x2f: {  	lr =	sadd.s32 s0, s3;
	s0 =	sld [smem:$0x3FA7]  }
0x30: {  	s3 =	sld [smem:$0x3FAA]  }
0x31: {  	[smem:$0x3FB3] =	sst s10  }
0x32: {  	s10 =	sld [smem:$0x3FB1];
	_ =	sdelay $0x3  }
0x33: {  	p0 =	seq.s32 s10, $0x1;
	s10 =	sld [smem:$0x3FB3];
	_ =	sdelay $0x3  }
0x34: {  	[smem:$0x3FB3] =	sst s10  }
0x35: {  	s10 =	sld [smem:$0x3FB2];
	_ =	sdelay $0x3  }
0x36: {  	p1 =	seq.s32 s10, $0x1;
	s10 =	sld [smem:$0x3FB3];
	_ =	sdelay $0x3  }
0x37: {  	[smem:$0x3FB3] =	sst s10  }
0x38: {  	s10 =	sld [smem:$0x3FB4]  }
0x39: {  	_ = 	snop;
	(pc) =	sbr.ind lr, $3  }
0x3a: {  	_ = 	snop  }
0x3b: {  	_ = 	snop  }
0x3c: {  	p2 =	seq.s32 s10, $0x1;
	s10 =	sld [smem:$0x3FB3]  }
0x3d: {  	_ =	shalt  }
0x3e: {  	_ =	shalt  }
0x3f: {  	_ =	shalt  }
0x40: {  	_ =	shalt  }
0x41: {  	_ =	shalt  }
0x42: {  	_ =	shalt  }
0x43: {  	_ =	shalt  }
0x44: {  	_ =	shalt  }
0x45: {  	_ =	shalt  }
0x46: {  	_ =	shalt  }
0x47: {  	_ =	shalt  }
0x48: {  	_ =	shalt  }
0x49: {  	_ =	shalt  }
0x4a: {  	_ =	shalt  }
0x4b: {  	_ =	shalt  }
0x4c: {  	_ =	shalt  }
0x4d: {  	_ =	shalt  }
0x4e: {  	_ =	shalt  }
0x4f: {  	_ =	shalt  }
0x50: {  	_ =	shalt  }
0x51: {  	_ =	shalt  }
0x52: {  	_ =	shalt  }
0x53: {  	_ =	shalt  }
0x54: {  	_ =	shalt  }
0x55: {  	_ =	shalt  }
0x56: {  	_ =	shalt  }
0x57: {  	_ =	shalt  }
0x58: {  	_ =	shalt  }
0x59: {  	_ =	shalt  }
0x5a: {  	_ =	shalt  }
0x5b: {  	_ =	shalt  }
0x5c: {  	_ =	shalt  }
0x5d: {  	_ =	shalt  }
0x5e: {  	_ =	shalt  }
0x5f: {  	_ =	shalt  }
0x60: {  	_ =	shalt  }
0x61: {  	_ =	shalt  }
0x62: {  	_ =	shalt  }
0x63: {  	_ =	shalt  }
0x64: {  	_ =	shalt  }
0x65: {  	_ =	shalt  }
0x66: {  	_ =	shalt  }
0x67: {  	_ =	shalt  }
0x68: {  	_ =	shalt  }
0x69: {  	_ =	shalt  }
0x6a: {  	_ =	shalt  }
0x6b: {  	_ =	shalt  }
0x6c: {  	_ =	shalt  }
0x6d: {  	_ =	shalt  }
0x6e: {  	_ =	shalt  }
0x6f: {  	_ =	shalt  }
0x70: {  	_ =	shalt  }
0x71: {  	_ =	shalt  }
0x72: {  	_ =	shalt  }
0x73: {  	_ =	shalt  }
0x74: {  	_ =	shalt  }
0x75: {  	_ =	shalt  }
0x76: {  	_ =	shalt  }
0x77: {  	_ =	shalt  }
0x78: {  	_ =	shalt  }
0x79: {  	_ =	shalt  }
0x7a: {  	_ =	shalt  }
0x7b: {  	_ =	shalt  }
0x7c: {  	_ =	shalt  }
0x7d: {  	_ =	shalt  }
0x7e: {  	_ =	shalt  }
0x7f: {  	_ =	shalt  }
0x80: {  	_ =	shalt  }
0x81: {  	_ =	shalt  }
0x82: {  	_ =	shalt  }
0x83: {  	_ =	shalt  }
0x84: {  	_ =	shalt  }
0x85: {  	_ =	shalt  }
0x86: {  	_ =	shalt  }
0x87: {  	_ =	shalt  }
.Lfunc_end0:
.L_simem_size_0:
called_computation.1_lowered:
.L_overlay_start_0:
0x88: {  	s2 =	sld [smem:$0x3FD9]  }
0x89: {  	s3 =	sld [smem:$0x3FFE];
	_ =	sdelay $0x1  }
0x8a: {  	s1 =	srdreg.scid  }
0x8b: {  	s0 =	sand.u32 $0x1, s1  }
0x8c: {  	s16 =	sshll.u32 s0, $0xA;
	s2 =	sadd.s32 s3, s2  }
0x8d: {  	s2 =	sadd.s32 s2, s16  }
0x8e: {  	[smem:$0x3FBF] =	sst s2  }
0x8f: {  	_ = 	snop  }
0x90: {  	(tm) =	ssettm $0x1  }
0x91: {  	s17 =	sld [smem:$0x3FFB];
	_ =	sdelay $0x3  }
0x92: {  	_ =	strace s17  }
0x93: {  	s2 =	sld [smem:$0x3FFC];
	_ =	sdelay $0x3  }
0x94: {  	_ =	strace s2  }
0x95: {  	s2 =	sld [smem:$0x3FFD];
	_ =	sdelay $0x3  }
0x96: {  	_ =	strace s2  }
0x97: {  	_ =	strace $0x8FFFFFFF  }
0x98: {  	s18 =	sld [smem:$0x3FDB];
	_ =	sdelay $0x1  }
0x99: {  	s19 =	simm.s32 $_scs_section_size  }
0x9a: {  	s4 =	simm.s32 $_size__tile_overlayer_lowered;
	s5 =	simm.s32 $_tile_overlayer_lowered  }
0x9b: {  	s22 =	simm.s32 $0x1BFF;
	s21 =	sshll.u32 s5, $0x1;
	s2 =	sadd.s32 s19, s18  }
0x9c: {  	s6 =	simm.s32 $0x0;
	s20 =	sshll.u32 s4, $0x1;
	s4 =	sadd.s32 s21, s2  }
0x9d: {  	[timem:s6], [sflag:s22] =	dma.local [hbm:s4], s20  }
0x9e: {  	_ =	swait.ge [sflag:s22], s20  }
0x9f: {  	s3 =	ssub.s32 $0x0, s20;
	[sflag:s22] =	ssyncset.done $0x0  }
0xa0: {  	[sflag:s22] =	ssyncadd.s32 s3;
	_ =	sdelay $0x1  }
0xa1: {  	s23 =	simm.s32 $0x1B8B  }
0xa2: {  	_ =	swait.ge [sflag:s23], $0x1  }
0xa3: {  	[sflag:s23] =	ssyncset.done $0x0  }
0xa4: {  	s25 =	simm.s32 $0x1B8E;
	s24 =	sld [smem:$0x3FFE];
	[sflag:s23] =	ssyncadd.s32 $0xFFFFFFFF  }
0xa5: {  	s26 =	simm.s32 $execute0_lowered;
	[smem:$0x3FD2] =	sst s25  }
0xa6: {  	s4 =	sshll.u32 s26, $0x1;
	_ =	strace $0x80000049;
	[dreg:$0x1] =	wrdreg $0xFFFFFFFF  }
0xa7: {  	s28 =	simm.s32 $_size_execute0_lowered;
	s2 =	sadd.s32 s2, s4;
	[dreg:$0x0] =	wrdreg $0x0  }
0xa8: {  	s4 =	sshll.u32 s28, $0x1;
	[dreg:$0x2] =	wrdreg s2  }
0xa9: {  	[dreg:$0x3] =	wrdreg s4  }
0xaa: {  	[dreg:$0x4] =	wrdreg $0xC0  }
0xab: {  	_ =	task [dreg:s6], $0x5FFFF  }
0xac: {  	[dreg:$0x1] =	wrdreg $0xFFFFFFFF  }
0xad: {  	[dreg:$0x0] =	wrdreg $0x60  }
0xae: {  	[dreg:$0x2] =	wrdreg s24  }
0xaf: {  	[dreg:$0x3] =	wrdreg $0xB0000  }
0xb0: {  	[dreg:$0x4] =	wrdreg $0x9  }
0xb1: {  	_ =	task.clear_ibuf [dreg:s6], $0x5FFFF;
	_ =	strace $0x90000049  }
0xb2: {  	s29 =	simm.s32 $0x9;
	_ =	strace $0x8000004B  }
0xb3: {  	_ =	swait.ge [sflag:s29], $0x1  }
0xb4: {  	[sflag:s29] =	ssyncadd.s32 $0xFFFFFFFF  }
0xb5: {  	_ =	strace $0x9000004B  }
0xb6: {  	_ =	sfence  }
0xb7: {  	s30 =	sld [smem:$0x0];
	_ =	sdelay $0x2  }
0xb8: {  	s31 =	sshll.u32 s1, $0xD;
	s1 =	sshrl.u32 s1, $0x2  }
0xb9: {  	s3 =	sand.u32 $0x4000, s31;
	s1 =	sadd.s32 s1, s30  }
0xba: {  	s0 =	sor.u32 s3, s0;
	s1 =	sshll.u32 s1, $0x11  }
0xbb: {  	s0 =	sor.u32 s1, s0  }
0xbc: {  	s0 =	sadd.s32 $0x8F2B, s0  }
0xbd: {  	[sflag:s0] =	ssyncadd.remote.s32 $0x1  }
0xbe: {  	_ =	sfence.sel $0xFFFF  }
0xbf: {  	[dreg:$0x0] =	wrdreg $0xFFFFFFFF;
	(pc) =	sbr.abs _section_cstart, $3  }
0xc0: {  	[dreg:$0x1] =	wrdreg $0xFFFFFFFF  }
0xc1: {  	_ =	task.clear_ibuf [dreg:s6], $0x2FFFF;
	_ =	strace $0x9FFFFFFF  }
0xc2: {  	(tm) =	ssettm $0x7FFFFFFF  }
0xc3: {  	_ =	shalt  }
tec
execute0_lowered:
.L_overlay_start_1:
0x0: {  	(tag) =	ssettag $0x1  }
0x1: {  	s0 =	rddreg [dreg:$0x0]  }
0x2: {  	s1 =	rddreg [dreg:$0x1];
	s2 =	srdreg.scid  }
0x3: {  	s26 =	stileid.u32;
	s3 =	sadd.s32 $0xEA00, s0;
	s4 =	sadd.s32 $0x1AA00, s0  }
0x4: {  	s2 =	sand.u32 $0x1, s2;
	s8 =	smul.u32 $0x1F400, s26;
	s9 =	sadd.s32 $0x9EA00, s0  }
0x5: {  	s17 =	smul.u32 $0x7D000, s26;
	p0 =	sgt.u32 s26, $0x9;
	s5 =	ssub.s32 $0x2, s2  }
0x6: {  	s6 =	smul.u32 $0x138800, s2;
	s2 =	sshll.u32 s2, $0x4;
	s7 =	sshrl.u32 s5, $0x1  }
0x7: {  	s2 =	sor.u32 s26, s2;
	s18 =	sadd.s32 $0x4000, s8;
	s19 =	sadd.s32 $0x8000, s8  }
0x8: {  	s20 =	sadd.s32 $0xC000, s8;
	s17 =	sshrl.u32 s17, $0x2;
	s5 =	ssub.s32 s5, s7  }
0x9: {  	s10 =	sadd.s32 s8, s6;
	s2 =	smul.u32 $0x3000, s2;
	s11 =	sadd.s32 s6, s18  }
0xa: {  	s22 =	sadd.s32 s6, s19;
	s23 =	sadd.s32 s6, s20;
	s17 =	sadd.s32 s17, s1  }
0xb: {  	s18 =	sadd.s32 s18, s1;
	s19 =	sadd.s32 s19, s1;
	s20 =	sadd.s32 s20, s1  }
0xc: {  	s7 =	simm.s32 $0x1;
	s10 =	sshrl.u32 s10, $0x3;
	s21 =	sshrl.u32 s11, $0x3  }
0xd: {  	s24 =	sshrl.u32 s23, $0x3;
	s23 =	sadd.s32 $0x18000, s8;
	s26 =	sadd.s32 $0x4000, s17  }
0xe: {  	s28 =	sadd.s32 $0x8000, s17;
	s29 =	sadd.s32 $0xC000, s17;
	s30 =	sadd.s32 $0x10000, s17  }
0xf: {  	s31 =	sadd.s32 $0x14000, s17;
	s10 =	sadd.s32 s9, s10;
	s14 =	sadd.s32 s6, s23  }
0x10: {  	s2 =	sshrl.u32 s2, $0x3;
	[dreg:$0x3] =	wrdreg s10;
	s10 =	sadd.s32 s9, s21  }
0x11: {  	s21 =	sadd.s32 $0x10000, s8;
	s15 =	sshrl.u32 s14, $0x3;
	s11 =	sadd.s32 s3, s2  }
0x12: {  	s16 =	sadd.s32 $0x300, s2;
	s14 =	simm.s32 $0x0;
	[dreg:$0x4] =	wrdreg s10  }
0x13: {  	s10 =	sshrl.u32 s22, $0x3;
	s25 =	sadd.s32 s6, s21;
	s22 =	sadd.s32 $0x14000, s8  }
0x14: {  	s8 =	sadd.s32 $0x1C000, s8;
	[smem:$0x7FF] =	sst s14;
	s21 =	sadd.s32 s21, s1  }
0x15: {  	s10 =	sadd.s32 s9, s10;
	s12 =	sshrl.u32 s25, $0x3;
	s13 =	sadd.s32 s6, s22  }
0x16: {  	s6 =	sadd.s32 s6, s8;
	[dreg:$0x5] =	wrdreg s10;
	s10 =	sadd.s32 s9, s24  }
0x17: {  	s6 =	sshrl.u32 s6, $0x3;
	[dreg:$0x6] =	wrdreg s10;
	s10 =	sadd.s32 s9, s12  }
0x18: {  	s6 =	sadd.s32 s9, s6;
	[dreg:$0x7] =	wrdreg s10;
	s10 =	sshrl.u32 s13, $0x3  }
0x19: {  	s25 =	sadd.s32 s23, s1;
	[dreg:$0xa] =	wrdreg s6;
	s10 =	sadd.s32 s9, s10  }
0x1a: {  	s24 =	sadd.s32 s22, s1;
	[dreg:$0x8] =	wrdreg s10;
	s10 =	sadd.s32 s9, s15  }
0x1b: {  	s12 =	sadd.s32 s4, s2;
	s2 =	sadd.s32 $0x1C000, s17;
	[dreg:$0x9] =	wrdreg s10  }
0x1c: {  	s13 =	sadd.s32 s3, s16;
	_ =	strace $0x8000004A;
	[dreg:$0xb] =	wrdreg s18  }
0x1d: {  	s3 =	simm.s32 $0x3;
	s6 =	simm.s32 $0x3000;
	[dreg:$0xc] =	wrdreg s19  }
0x1e: {  	s15 =	sadd.s32 s4, s16;
	s16 =	sadd.s32 $0x76A00, s0;
	[dreg:$0xd] =	wrdreg s20  }
.Ltmp0:
0x1f: {  	s0 =	sadd.s32 $0x18000, s17;
	[dreg:$0xe] =	wrdreg s21;
	(pc) =	sbr.rel .LBB2_1-.Ltmp0, $4  }
0x20: {  	s4 =	simm.s32 $0x1800;
	s9 =	simm.s32 $0x2;
	[dreg:$0xf] =	wrdreg s24  }
0x21: {  	s10 =	simm.s32 $0x1480;
	[dreg:$0x10] =	wrdreg s25;
	s24 =	sadd.s32 s8, s1  }
0x22: {  	s25 =	smax.u32 s5, $0x1;
	s5 =	simm.s32 $0x80;
	s8 =	simm.s32 $0x7000  }
0x23: {  	v0 =	vimm.f32 $0.0e+00;
	s18 =	simm.s32 $0x2C00;
	s19 =	simm.s32 $0x2C80;
	s20 =	simm.s32 $0x0  }
.LBB2_9:
0x24: {  	s20 =	sadd.s32 $0x1, s20  }
0x25: {  	p1 =	sne.s32 s20, s25  }
.Ltmp1:
0x26: {  	_ = 	snop;
	(pc) =	sbr.rel @!p1 .LBB2_10-.Ltmp1, $1  }
0x27: {  	_ =	sdelay $0x3  }
.LBB2_1:
0x28: {  	s21 =	simm.s32 $0x0;
	s22 =	simm.s32 $0x200  }
.LBB2_2:
0x29: {  	p1 =	sne.s32 s22, $0xFE00;
	[tilespmem:s21+$0x3070] =	vst v0  }
0x2a: {  	[tilespmem:s21+$0x3000] =	vst v0  }
0x2b: {  	[tilespmem:s21+$0x3010] =	vst v0  }
.Ltmp2:
0x2c: {  	[tilespmem:s21+$0x3020] =	vst v0;
	(pc) =	sbr.rel @p1 .LBB2_2-.Ltmp2, $4  }
0x2d: {  	[tilespmem:s21+$0x3030] =	vst v0  }
0x2e: {  	[tilespmem:s21+$0x3040] =	vst v0  }
0x2f: {  	[tilespmem:s21+$0x3050] =	vst v0  }
0x30: {  	[tilespmem:s21+$0x3060] =	vst v0;
	s21 =	sshra.s32 s22, $0x2;
	s22 =	sadd.s32 $0x200, s22  }
0x31: {  	[tilespmem:s21+$0x3070] =	vst v0  }
0x32: {  	[tilespmem:s21+$0x3000] =	vst v0  }
0x33: {  	[tilespmem:s21+$0x3010] =	vst v0  }
0x34: {  	[tilespmem:s21+$0x3020] =	vst v0  }
0x35: {  	[tilespmem:s21+$0x3030] =	vst v0  }
0x36: {  	[tilespmem:s21+$0x3040] =	vst v0  }
0x37: {  	[tilespmem:s21+$0x3050] =	vst v0  }
0x38: {  	[tilespmem:s21+$0x3060] =	vst v0;
	s21 =	simm.s32 @!p0 $0x3000;
	s22 =	simm.s32 @!p0 $0x3  }
0x39: {  	[spmem:s17] =	stream.linear.scatter @!p0 [tilespmem:s21], [sflag:$0x3], $0x4000, $0x38;
	[tilespmem:$0x1E880] =	vst v63  }
0x3a: {  	_ =	swait.ge @!p0 [sflag:s22], $0x4000  }
0x3b: {  	[sflag:s22] =	ssyncset.done @!p0 $0x0  }
0x3c: {  	[sflag:s22] =	ssyncadd.s32 @!p0 $0xFFFFC000  }
0x3d: {  	[spmem:s26] =	stream.linear.scatter @!p0 [tilespmem:s21], [sflag:$0x3], $0x4000, $0x38;
	[tilespmem:$0x1E880] =	vst v63  }
0x3e: {  	_ =	swait.ge @!p0 [sflag:s22], $0x4000  }
0x3f: {  	[sflag:s22] =	ssyncset.done @!p0 $0x0  }
0x40: {  	[sflag:s22] =	ssyncadd.s32 @!p0 $0xFFFFC000  }
0x41: {  	[spmem:s28] =	stream.linear.scatter @!p0 [tilespmem:s21], [sflag:$0x3], $0x4000, $0x38;
	[tilespmem:$0x1E880] =	vst v63  }
0x42: {  	_ =	swait.ge @!p0 [sflag:s22], $0x4000  }
0x43: {  	[sflag:s22] =	ssyncset.done @!p0 $0x0  }
0x44: {  	[sflag:s22] =	ssyncadd.s32 @!p0 $0xFFFFC000  }
0x45: {  	[spmem:s29] =	stream.linear.scatter @!p0 [tilespmem:s21], [sflag:$0x3], $0x4000, $0x38;
	[tilespmem:$0x1E880] =	vst v63  }
0x46: {  	_ =	swait.ge @!p0 [sflag:s22], $0x4000  }
0x47: {  	[sflag:s22] =	ssyncset.done @!p0 $0x0  }
0x48: {  	[sflag:s22] =	ssyncadd.s32 @!p0 $0xFFFFC000  }
0x49: {  	[spmem:s30] =	stream.linear.scatter @!p0 [tilespmem:s21], [sflag:$0x3], $0x4000, $0x38;
	[tilespmem:$0x1E880] =	vst v63  }
0x4a: {  	_ =	swait.ge @!p0 [sflag:s22], $0x4000  }
0x4b: {  	[sflag:s22] =	ssyncset.done @!p0 $0x0  }
0x4c: {  	[sflag:s22] =	ssyncadd.s32 @!p0 $0xFFFFC000  }
0x4d: {  	[spmem:s31] =	stream.linear.scatter @!p0 [tilespmem:s21], [sflag:$0x3], $0x4000, $0x38;
	[tilespmem:$0x1E880] =	vst v63  }
0x4e: {  	_ =	swait.ge @!p0 [sflag:s22], $0x4000  }
0x4f: {  	[sflag:s22] =	ssyncset.done @!p0 $0x0  }
0x50: {  	[sflag:s22] =	ssyncadd.s32 @!p0 $0xFFFFC000  }
0x51: {  	[spmem:s0] =	stream.linear.scatter @!p0 [tilespmem:s21], [sflag:$0x3], $0x4000, $0x38;
	[tilespmem:$0x1E880] =	vst v63  }
0x52: {  	_ =	swait.ge @!p0 [sflag:s22], $0x4000  }
0x53: {  	[sflag:s22] =	ssyncset.done @!p0 $0x0  }
0x54: {  	[sflag:s22] =	ssyncadd.s32 @!p0 $0xFFFFC000  }
0x55: {  	[spmem:s2] =	stream.linear.scatter @!p0 [tilespmem:s21], [sflag:$0x3], $0x3400, $0x38;
	[tilespmem:$0x1E880] =	vst v63  }
0x56: {  	_ =	swait.ge @!p0 [sflag:s22], $0x3400  }
0x57: {  	[sflag:s22] =	ssyncset.done @!p0 $0x0  }
0x58: {  	[sflag:s22] =	ssyncadd.s32 @!p0 $0xFFFFCC00  }
0x59: {  	s23 =	simm.s32 $0x0;
	[bflag:$0x0] =	sbarrier.arrive $0xFFFF  }
0x5a: {  	[tilespmem:s23], [sflag:$0x3] =	stream.linear.gather [hbm4b:s11+s23], $0x1500, $0x38;
	[tilespmem:$0x1E880] =	vst v63  }
0x5b: {  	_ =	swait.ge [sflag:s3], $0x1500  }
0x5c: {  	[sflag:s3] =	ssyncset.done $0x0  }
0x5d: {  	[sflag:s3] =	ssyncadd.s32 $0xFFFFEB00  }
0x5e: {  	[tilespmem:s4], [sflag:$0x3] =	stream.linear.gather [hbm4b:s12+s23], $0x1500, $0x38;
	[tilespmem:$0x1E880] =	vst v63  }
0x5f: {  	_ =	swait.ge [sflag:s3], $0x1500  }
0x60: {  	[sflag:s3] =	ssyncset.done $0x0  }
0x61: {  	[sflag:s3] =	ssyncadd.s32 $0xFFFFEB00  }
0x62: {  	[tilespmem:s6], [sflag:$0x1] =	stream.indirect.gather [hbm4b:s16+s5], $0x80, s23, s5, $0xb8;
	[tilespmem:$0x1E880] =	vst v63  }
0x63: {  	_ =	swait.ge [sflag:s7], $0x4000  }
0x64: {  	[sflag:s7] =	ssyncset.done $0x0  }
0x65: {  	s22 =	simm.s32 $0x80;
	[sflag:s7] =	ssyncadd.s32 $0xFFFFC000  }
0x66: {  	[tilespmem:s8], [sflag:$0x2] =	stream.indirect.gather [hbm4b:s16+s5], $0x80, s22, s5, $0xb8;
	[tilespmem:$0x1E880] =	vst v63  }
0x67: {  	s23 =	simm.s32 $0x1800  }
0x68: {  	[spmem:s1] =	stream.indirect.scatter.add.f32 [tilespmem:s6], [sflag:$0x3], $0x80, s23, s5, $0xb8;
	[tilespmem:$0x1E880] =	vst v63  }
0x69: {  	_ =	swait.ge [sflag:s3], $0x4000  }
0x6a: {  	[sflag:s3] =	ssyncset.done $0x0  }
0x6b: {  	[sflag:s3] =	ssyncadd.s32 $0xFFFFC000  }
0x6c: {  	_ =	swait.ge [sflag:s9], $0x4000  }
0x6d: {  	[sflag:s9] =	ssyncset.done $0x0  }
0x6e: {  	s22 =	simm.s32 $0x100;
	[sflag:s9] =	ssyncadd.s32 $0xFFFFC000  }
0x6f: {  	[tilespmem:s6], [sflag:$0x1] =	stream.indirect.gather [hbm4b:s16+s5], $0x80, s22, s5, $0xb8;
	[tilespmem:$0x1E880] =	vst v63  }
0x70: {  	s23 =	simm.s32 $0x1880  }
0x71: {  	[spmem:s1] =	stream.indirect.scatter.add.f32 [tilespmem:s8], [sflag:$0x3], $0x80, s23, s5, $0xb8;
	[tilespmem:$0x1E880] =	vst v63  }
0x72: {  	_ =	swait.ge [sflag:s3], $0x4000  }
0x73: {  	s21 =	simm.s32 $0x400;
	[sflag:s3] =	ssyncset.done $0x0  }
.LBB2_4:
0x74: {  	p1 =	sne.s32 s21, $0x4C00  }
0x75: {  	[sflag:s3] =	ssyncadd.s32 $0xFFFFC000;
	s22 =	smov.u32 s21;
	s21 =	sadd.s32 $0x400, s21  }
0x76: {  	_ = 	snop  }
0x77: {  	_ =	swait.ge [sflag:s7], $0x4000  }
0x78: {  	s22 =	sshra.s32 s22, $0x2;
	[sflag:s7] =	ssyncset.done $0x0  }
0x79: {  	s23 =	sadd.s32 $0x80, s22;
	[sflag:s7] =	ssyncadd.s32 $0xFFFFC000  }
0x7a: {  	[tilespmem:s8], [sflag:$0x2] =	stream.indirect.gather [hbm4b:s16+s5], $0x80, s23, s5, $0xb8;
	[tilespmem:$0x1E880] =	vst v63  }
0x7b: {  	s23 =	sadd.s32 $0x1800, s22  }
0x7c: {  	[spmem:s1] =	stream.indirect.scatter.add.f32 [tilespmem:s6], [sflag:$0x3], $0x80, s23, s5, $0xb8;
	[tilespmem:$0x1E880] =	vst v63  }
0x7d: {  	_ =	swait.ge [sflag:s3], $0x4000  }
0x7e: {  	[sflag:s3] =	ssyncset.done $0x0  }
0x7f: {  	[sflag:s3] =	ssyncadd.s32 $0xFFFFC000  }
0x80: {  	_ =	swait.ge [sflag:s9], $0x4000  }
0x81: {  	[sflag:s9] =	ssyncset.done $0x0  }
0x82: {  	s23 =	sadd.s32 $0x100, s22;
	[sflag:s9] =	ssyncadd.s32 $0xFFFFC000  }
0x83: {  	[tilespmem:s6], [sflag:$0x1] =	stream.indirect.gather [hbm4b:s16+s5], $0x80, s23, s5, $0xb8;
	[tilespmem:$0x1E880] =	vst v63  }
.Ltmp3:
0x84: {  	_ = 	snop;
	(pc) =	sbr.rel @p1 .LBB2_4-.Ltmp3, $4  }
0x85: {  	s22 =	sadd.s32 $0x1880, s22  }
0x86: {  	[spmem:s1] =	stream.indirect.scatter.add.f32 [tilespmem:s8], [sflag:$0x3], $0x80, s22, s5, $0xb8;
	[tilespmem:$0x1E880] =	vst v63  }
0x87: {  	_ =	swait.ge [sflag:s3], $0x4000  }
0x88: {  	[sflag:s3] =	ssyncset.done $0x0  }
0x89: {  	[sflag:s3] =	ssyncadd.s32 $0xFFFFC000  }
0x8a: {  	_ =	swait.ge [sflag:s7], $0x4000  }
0x8b: {  	[sflag:s7] =	ssyncset.done $0x0  }
0x8c: {  	[sflag:s7] =	ssyncadd.s32 $0xFFFFC000  }
0x8d: {  	[tilespmem:s8], [sflag:$0x2] =	stream.indirect.gather [hbm4b:s16+s5], $0x80, s10, s5, $0xb8;
	[tilespmem:$0x1E880] =	vst v63  }
0x8e: {  	_ = 	snop  }
0x8f: {  	[spmem:s1] =	stream.indirect.scatter.add.f32 [tilespmem:s6], [sflag:$0x3], $0x80, s18, s5, $0xb8;
	[tilespmem:$0x1E880] =	vst v63  }
0x90: {  	_ =	swait.ge [sflag:s3], $0x4000  }
0x91: {  	[sflag:s3] =	ssyncset.done $0x0  }
0x92: {  	[sflag:s3] =	ssyncadd.s32 $0xFFFFC000  }
0x93: {  	_ =	swait.ge [sflag:s9], $0x4000  }
0x94: {  	[sflag:s9] =	ssyncset.done $0x0  }
0x95: {  	[sflag:s9] =	ssyncadd.s32 $0xFFFFC000  }
0x96: {  	[spmem:s1] =	stream.indirect.scatter.add.f32 [tilespmem:s8], [sflag:$0x3], $0x80, s19, s5, $0xb8;
	[tilespmem:$0x1E880] =	vst v63  }
0x97: {  	_ =	swait.ge [sflag:s3], $0x4000  }
0x98: {  	[sflag:s3] =	ssyncset.done $0x0  }
0x99: {  	s21 =	simm.s32 $0x0;
	[sflag:s3] =	ssyncadd.s32 $0xFFFFC000  }
0x9a: {  	[tilespmem:s21], [sflag:$0x3] =	stream.linear.gather [hbm4b:s13+s21], $0x1500, $0x38;
	[tilespmem:$0x1E880] =	vst v63  }
0x9b: {  	_ =	swait.ge [sflag:s3], $0x1500  }
0x9c: {  	[sflag:s3] =	ssyncset.done $0x0  }
0x9d: {  	[sflag:s3] =	ssyncadd.s32 $0xFFFFEB00  }
0x9e: {  	[tilespmem:s4], [sflag:$0x3] =	stream.linear.gather [hbm4b:s15+s21], $0x1500, $0x38;
	[tilespmem:$0x1E880] =	vst v63  }
0x9f: {  	_ =	swait.ge [sflag:s3], $0x1500  }
0xa0: {  	[sflag:s3] =	ssyncset.done $0x0  }
0xa1: {  	[sflag:s3] =	ssyncadd.s32 $0xFFFFEB00  }
0xa2: {  	[tilespmem:s6], [sflag:$0x1] =	stream.indirect.gather [hbm4b:s16+s5], $0x80, s21, s5, $0xb8;
	[tilespmem:$0x1E880] =	vst v63  }
0xa3: {  	_ =	swait.ge [sflag:s7], $0x4000  }
0xa4: {  	[sflag:s7] =	ssyncset.done $0x0  }
0xa5: {  	s22 =	simm.s32 $0x80;
	[sflag:s7] =	ssyncadd.s32 $0xFFFFC000  }
0xa6: {  	[tilespmem:s8], [sflag:$0x2] =	stream.indirect.gather [hbm4b:s16+s5], $0x80, s22, s5, $0xb8;
	[tilespmem:$0x1E880] =	vst v63  }
0xa7: {  	s23 =	simm.s32 $0x1800  }
0xa8: {  	[spmem:s1] =	stream.indirect.scatter.add.f32 [tilespmem:s6], [sflag:$0x3], $0x80, s23, s5, $0xb8;
	[tilespmem:$0x1E880] =	vst v63  }
0xa9: {  	_ =	swait.ge [sflag:s3], $0x4000  }
0xaa: {  	[sflag:s3] =	ssyncset.done $0x0  }
0xab: {  	[sflag:s3] =	ssyncadd.s32 $0xFFFFC000  }
0xac: {  	_ =	swait.ge [sflag:s9], $0x4000  }
0xad: {  	[sflag:s9] =	ssyncset.done $0x0  }
0xae: {  	s22 =	simm.s32 $0x100;
	[sflag:s9] =	ssyncadd.s32 $0xFFFFC000  }
0xaf: {  	[tilespmem:s6], [sflag:$0x1] =	stream.indirect.gather [hbm4b:s16+s5], $0x80, s22, s5, $0xb8;
	[tilespmem:$0x1E880] =	vst v63  }
0xb0: {  	s23 =	simm.s32 $0x1880  }
0xb1: {  	[spmem:s1] =	stream.indirect.scatter.add.f32 [tilespmem:s8], [sflag:$0x3], $0x80, s23, s5, $0xb8;
	[tilespmem:$0x1E880] =	vst v63  }
0xb2: {  	_ =	swait.ge [sflag:s3], $0x4000  }
0xb3: {  	s21 =	simm.s32 $0x400;
	[sflag:s3] =	ssyncset.done $0x0  }
.LBB2_6:
0xb4: {  	p1 =	sne.s32 s21, $0x4C00  }
0xb5: {  	[sflag:s3] =	ssyncadd.s32 $0xFFFFC000;
	s22 =	smov.u32 s21;
	s21 =	sadd.s32 $0x400, s21  }
0xb6: {  	_ = 	snop  }
0xb7: {  	_ =	swait.ge [sflag:s7], $0x4000  }
0xb8: {  	s22 =	sshra.s32 s22, $0x2;
	[sflag:s7] =	ssyncset.done $0x0  }
0xb9: {  	s23 =	sadd.s32 $0x80, s22;
	[sflag:s7] =	ssyncadd.s32 $0xFFFFC000  }
0xba: {  	[tilespmem:s8], [sflag:$0x2] =	stream.indirect.gather [hbm4b:s16+s5], $0x80, s23, s5, $0xb8;
	[tilespmem:$0x1E880] =	vst v63  }
0xbb: {  	s23 =	sadd.s32 $0x1800, s22  }
0xbc: {  	[spmem:s1] =	stream.indirect.scatter.add.f32 [tilespmem:s6], [sflag:$0x3], $0x80, s23, s5, $0xb8;
	[tilespmem:$0x1E880] =	vst v63  }
0xbd: {  	_ =	swait.ge [sflag:s3], $0x4000  }
0xbe: {  	[sflag:s3] =	ssyncset.done $0x0  }
0xbf: {  	[sflag:s3] =	ssyncadd.s32 $0xFFFFC000  }
0xc0: {  	_ =	swait.ge [sflag:s9], $0x4000  }
0xc1: {  	[sflag:s9] =	ssyncset.done $0x0  }
0xc2: {  	s23 =	sadd.s32 $0x100, s22;
	[sflag:s9] =	ssyncadd.s32 $0xFFFFC000  }
0xc3: {  	[tilespmem:s6], [sflag:$0x1] =	stream.indirect.gather [hbm4b:s16+s5], $0x80, s23, s5, $0xb8;
	[tilespmem:$0x1E880] =	vst v63  }
.Ltmp4:
0xc4: {  	_ = 	snop;
	(pc) =	sbr.rel @p1 .LBB2_6-.Ltmp4, $4  }
0xc5: {  	s22 =	sadd.s32 $0x1880, s22  }
0xc6: {  	[spmem:s1] =	stream.indirect.scatter.add.f32 [tilespmem:s8], [sflag:$0x3], $0x80, s22, s5, $0xb8;
	[tilespmem:$0x1E880] =	vst v63  }
0xc7: {  	_ =	swait.ge [sflag:s3], $0x4000  }
0xc8: {  	[sflag:s3] =	ssyncset.done $0x0  }
0xc9: {  	[sflag:s3] =	ssyncadd.s32 $0xFFFFC000  }
0xca: {  	_ =	swait.ge [sflag:s7], $0x4000  }
0xcb: {  	[sflag:s7] =	ssyncset.done $0x0  }
0xcc: {  	[sflag:s7] =	ssyncadd.s32 $0xFFFFC000  }
0xcd: {  	[tilespmem:s8], [sflag:$0x2] =	stream.indirect.gather [hbm4b:s16+s5], $0x80, s10, s5, $0xb8;
	[tilespmem:$0x1E880] =	vst v63  }
0xce: {  	_ = 	snop  }
0xcf: {  	[spmem:s1] =	stream.indirect.scatter.add.f32 [tilespmem:s6], [sflag:$0x3], $0x80, s18, s5, $0xb8;
	[tilespmem:$0x1E880] =	vst v63  }
0xd0: {  	_ =	swait.ge [sflag:s3], $0x4000  }
0xd1: {  	[sflag:s3] =	ssyncset.done $0x0  }
0xd2: {  	[sflag:s3] =	ssyncadd.s32 $0xFFFFC000  }
0xd3: {  	_ =	swait.ge [sflag:s9], $0x4000  }
0xd4: {  	[sflag:s9] =	ssyncset.done $0x0  }
0xd5: {  	[sflag:s9] =	ssyncadd.s32 $0xFFFFC000  }
0xd6: {  	[spmem:s1] =	stream.indirect.scatter.add.f32 [tilespmem:s8], [sflag:$0x3], $0x80, s19, s5, $0xb8;
	[tilespmem:$0x1E880] =	vst v63  }
.Ltmp5:
0xd7: {  	_ =	swait.ge [sflag:s3], $0x4000;
	(pc) =	sbr.rel @p0 .LBB2_9-.Ltmp5, $3  }
0xd8: {  	[sflag:s3] =	ssyncset.done $0x0  }
0xd9: {  	[sflag:s3] =	ssyncadd.s32 $0xFFFFC000  }
0xda: {  	[bflag:$0x0] =	sbarrier.arrive $0xFFFF;
	_ =	sdelay $0x1  }
0xdb: {  	[tilespmem:s6], [sflag:$0x3] =	stream.linear.gather [spmem:s17], $0x4000, $0x38;
	[tilespmem:$0x1E880] =	vst v63  }
0xdc: {  	_ =	swait.ge [sflag:s3], $0x4000  }
0xdd: {  	[sflag:s3] =	ssyncset.done $0x0  }
0xde: {  	s21 =	rddreg [dreg:$0x3];
	[sflag:s3] =	ssyncadd.s32 $0xFFFFC000  }
0xdf: {  	[hbm4b:s21+s14] =	stream.linear.scatter [tilespmem:s6], [sflag:$0x3], $0x4000, $0x38;
	[tilespmem:$0x1E880] =	vst v63  }
0xe0: {  	_ =	swait.ge [sflag:s3], $0x4000  }
0xe1: {  	[sflag:s3] =	ssyncset.done $0x0  }
0xe2: {  	s23 =	rddreg [dreg:$0xb];
	[sflag:s3] =	ssyncadd.s32 $0xFFFFC000  }
0xe3: {  	[tilespmem:s6], [sflag:$0x3] =	stream.linear.gather [spmem:s23], $0x4000, $0x38;
	[tilespmem:$0x1E880] =	vst v63  }
0xe4: {  	_ =	swait.ge [sflag:s3], $0x4000  }
0xe5: {  	[sflag:s3] =	ssyncset.done $0x0  }
0xe6: {  	s22 =	rddreg [dreg:$0x4];
	[sflag:s3] =	ssyncadd.s32 $0xFFFFC000  }
0xe7: {  	[hbm4b:s22+s14] =	stream.linear.scatter [tilespmem:s6], [sflag:$0x3], $0x4000, $0x38;
	[tilespmem:$0x1E880] =	vst v63  }
0xe8: {  	_ =	swait.ge [sflag:s3], $0x4000  }
0xe9: {  	[sflag:s3] =	ssyncset.done $0x0  }
0xea: {  	s23 =	rddreg [dreg:$0xc];
	[sflag:s3] =	ssyncadd.s32 $0xFFFFC000  }
0xeb: {  	[tilespmem:s6], [sflag:$0x3] =	stream.linear.gather [spmem:s23], $0x4000, $0x38;
	[tilespmem:$0x1E880] =	vst v63  }
0xec: {  	_ =	swait.ge [sflag:s3], $0x4000  }
0xed: {  	[sflag:s3] =	ssyncset.done $0x0  }
0xee: {  	s22 =	rddreg [dreg:$0x5];
	[sflag:s3] =	ssyncadd.s32 $0xFFFFC000  }
0xef: {  	[hbm4b:s22+s14] =	stream.linear.scatter [tilespmem:s6], [sflag:$0x3], $0x4000, $0x38;
	[tilespmem:$0x1E880] =	vst v63  }
0xf0: {  	_ =	swait.ge [sflag:s3], $0x4000  }
0xf1: {  	[sflag:s3] =	ssyncset.done $0x0  }
0xf2: {  	s23 =	rddreg [dreg:$0xd];
	[sflag:s3] =	ssyncadd.s32 $0xFFFFC000  }
0xf3: {  	[tilespmem:s6], [sflag:$0x3] =	stream.linear.gather [spmem:s23], $0x4000, $0x38;
	[tilespmem:$0x1E880] =	vst v63  }
0xf4: {  	_ =	swait.ge [sflag:s3], $0x4000  }
0xf5: {  	[sflag:s3] =	ssyncset.done $0x0  }
0xf6: {  	s22 =	rddreg [dreg:$0x6];
	[sflag:s3] =	ssyncadd.s32 $0xFFFFC000  }
0xf7: {  	[hbm4b:s22+s14] =	stream.linear.scatter [tilespmem:s6], [sflag:$0x3], $0x4000, $0x38;
	[tilespmem:$0x1E880] =	vst v63  }
0xf8: {  	_ =	swait.ge [sflag:s3], $0x4000  }
0xf9: {  	[sflag:s3] =	ssyncset.done $0x0  }
0xfa: {  	s23 =	rddreg [dreg:$0xe];
	[sflag:s3] =	ssyncadd.s32 $0xFFFFC000  }
0xfb: {  	[tilespmem:s6], [sflag:$0x3] =	stream.linear.gather [spmem:s23], $0x4000, $0x38;
	[tilespmem:$0x1E880] =	vst v63  }
0xfc: {  	_ =	swait.ge [sflag:s3], $0x4000  }
0xfd: {  	[sflag:s3] =	ssyncset.done $0x0  }
0xfe: {  	s22 =	rddreg [dreg:$0x7];
	[sflag:s3] =	ssyncadd.s32 $0xFFFFC000  }
0xff: {  	[hbm4b:s22+s14] =	stream.linear.scatter [tilespmem:s6], [sflag:$0x3], $0x4000, $0x38;
	[tilespmem:$0x1E880] =	vst v63  }
0x100: {  	_ =	swait.ge [sflag:s3], $0x4000  }
0x101: {  	[sflag:s3] =	ssyncset.done $0x0  }
0x102: {  	s23 =	rddreg [dreg:$0xf];
	[sflag:s3] =	ssyncadd.s32 $0xFFFFC000  }
0x103: {  	[tilespmem:s6], [sflag:$0x3] =	stream.linear.gather [spmem:s23], $0x4000, $0x38;
	[tilespmem:$0x1E880] =	vst v63  }
0x104: {  	_ =	swait.ge [sflag:s3], $0x4000  }
0x105: {  	[sflag:s3] =	ssyncset.done $0x0  }
0x106: {  	s22 =	rddreg [dreg:$0x8];
	[sflag:s3] =	ssyncadd.s32 $0xFFFFC000  }
0x107: {  	[hbm4b:s22+s14] =	stream.linear.scatter [tilespmem:s6], [sflag:$0x3], $0x4000, $0x38;
	[tilespmem:$0x1E880] =	vst v63  }
0x108: {  	_ =	swait.ge [sflag:s3], $0x4000  }
0x109: {  	[sflag:s3] =	ssyncset.done $0x0  }
0x10a: {  	s23 =	rddreg [dreg:$0x10];
	[sflag:s3] =	ssyncadd.s32 $0xFFFFC000  }
0x10b: {  	[tilespmem:s6], [sflag:$0x3] =	stream.linear.gather [spmem:s23], $0x4000, $0x38;
	[tilespmem:$0x1E880] =	vst v63  }
0x10c: {  	_ =	swait.ge [sflag:s3], $0x4000  }
0x10d: {  	[sflag:s3] =	ssyncset.done $0x0  }
0x10e: {  	s22 =	rddreg [dreg:$0x9];
	[sflag:s3] =	ssyncadd.s32 $0xFFFFC000  }
0x10f: {  	[hbm4b:s22+s14] =	stream.linear.scatter [tilespmem:s6], [sflag:$0x3], $0x4000, $0x38;
	[tilespmem:$0x1E880] =	vst v63  }
0x110: {  	_ =	swait.ge [sflag:s3], $0x4000  }
0x111: {  	[sflag:s3] =	ssyncset.done $0x0  }
0x112: {  	[sflag:s3] =	ssyncadd.s32 $0xFFFFC000  }
0x113: {  	[tilespmem:s6], [sflag:$0x3] =	stream.linear.gather [spmem:s24], $0x3400, $0x38;
	[tilespmem:$0x1E880] =	vst v63  }
0x114: {  	_ =	swait.ge [sflag:s3], $0x3400  }
0x115: {  	[sflag:s3] =	ssyncset.done $0x0  }
.Ltmp6:
0x116: {  	s23 =	rddreg [dreg:$0xa];
	[sflag:s3] =	ssyncadd.s32 $0xFFFFCC00;
	(pc) =	sbr.rel .LBB2_9-.Ltmp6, $4  }
0x117: {  	[hbm4b:s23+s14] =	stream.linear.scatter [tilespmem:s6], [sflag:$0x3], $0x3400, $0x38;
	[tilespmem:$0x1E880] =	vst v63  }
0x118: {  	_ =	swait.ge [sflag:s3], $0x3400  }
0x119: {  	[sflag:s3] =	ssyncset.done $0x0  }
0x11a: {  	[sflag:s3] =	ssyncadd.s32 $0xFFFFCC00  }
.LBB2_10:
0x11b: {  	_ =	sfence.sel $0x180000  }
0x11c: {  	[bflag:$0x0] =	sbarrier.arrive $0xFFFF  }
0x11d: {  	_ =	strace $0x9000004A  }
0x11e: {  	s0 =	stileid.u32;
	[bflag:$0x2] =	sbarrier.arrive $0xFFFF  }
0x11f: {  	p0 =	sne.s32 s0, $0x0;
	s0 =	rddreg [dreg:$0x2]  }
0x120: {  	s0 =	sadd.s32 @!p0 $0x100000, s0  }
0x121: {  	[sflag:s0] =	ssyncadd.tile.s32 @!p0 $0x1;
	_ =	shalt  }
.Lfunc_end2:
_tile_overlayer_lowered:
.L_overlay_start_2:
0x122: {  	(tag) =	ssettag $0x2  }
0x123: {  	s0 =	rddreg [dreg:$0x0];
	s2 =	stileid.u32  }
0x124: {  	s1 =	rddreg [dreg:$0x1];
	p0 =	sne.s32 s2, $0x0  }
0x125: {  	s3 =	rddreg [dreg:$0x2];
	[bflag:$0x3] =	sbarrier.arrive $0xFFFF;
	s2 =	simm.s32 @!p0 $0x1C03  }
0x126: {  	[timem:s3], [sflag:s2] =	dma.local @!p0 [hbm:s0], s1  }
0x127: {  	s0 =	simm.s32 @!p0 $0x3  }
0x128: {  	_ =	swait.ge @!p0 [sflag:s0], s1  }
0x129: {  	s1 =	ssub.s32 @!p0 $0x0, s1;
	[sflag:s0] =	ssyncset.done @!p0 $0x0  }
0x12a: {  	[sflag:s0] =	ssyncadd.s32 @!p0 s1  }
0x12b: {  	[bflag:$0x3] =	sbarrier.arrive $0xFFFF  }
0x12c: {  	_ =	shalt  }

// kernel: kernel.14.cloned.1.call-start
scs
__scs_entry_jumppad:
0x0: {  	(pc) =	sbr.rel $0x88, $3  }
0x1: {  	(tag) =	ssettag $0x0;
	lr =	simm.s32 $0x1  }
0x2: {  	[smem:$0x3F98] =	sst lr;
	_ =	strace $0xD0000000  }
0x3: {  	_ = 	snop  }
0x4: {  	_ = 	snop  }
0x5: {  	_ = 	snop  }
0x6: {  	_ = 	snop  }
0x7: {  	_ = 	snop  }
__scs_overlays_trampoline_lowered:
0x8: {  	[smem:$0x3FA7] =	sst s0  }
0x9: {  	[smem:$0x3FA8] =	sst s1  }
0xa: {  	[smem:$0x3FA9] =	sst s2  }
0xb: {  	[smem:$0x3FAA] =	sst s3  }
0xc: {  	[smem:$0x3FAB] =	sst s4  }
0xd: {  	[smem:$0x3FAC] =	sst s5  }
0xe: {  	[smem:$0x3FAD] =	sst s6  }
0xf: {  	[smem:$0x3FAE] =	sst s7  }
0x10: {  	[smem:$0x3FAF] =	sst s8  }
0x11: {  	[smem:$0x3FB0] =	sst s9;
	s0 =	simm.s32 @!p0 $0x0  }
0x12: {  	s1 =	sld [smem:$0x3F96];
	s0 =	simm.s32 @p0 $0x1  }
0x13: {  	[smem:$0x3FB1] =	sst s0;
	s0 =	simm.s32 @!p1 $0x0  }
0x14: {  	s2 =	sld [smem:$0x3F95];
	s0 =	simm.s32 @p1 $0x1  }
0x15: {  	[smem:$0x3FB2] =	sst s0;
	s0 =	simm.s32 @!p2 $0x0  }
0x16: {  	s3 =	sld [smem:$0x3FDB];
	s0 =	simm.s32 @p2 $0x1  }
0x17: {  	s4 =	simm.s32 $0x1BF5;
	[smem:$0x3FB4] =	sst s0  }
0x18: {  	s0 =	sld [smem:$0x3F97];
	_ =	swait.ge [sflag:s4], $0x0  }
0x19: {  	s7 =	sld [smem:$0x3F98]  }
0x1a: {  	s8 =	sadd.s32 $0xFFFFE003, lr  }
0x1b: {  	s9 =	sadd.s32 $0xFFFFFEF7, lr;
	s5 =	simm.s32 $0xFFFFFFFF;
	p2 =	slt.u32 s8, $0xFFFFF086  }
0x1c: {  	p1 =	slt.u32 s9, $0xF7A;
	s5 =	simm.s32 @!p2 $0x0  }
0x1d: {  	s5 =	simm.s32 @p1 $0x1;
	p0 =	seq.s32 s7, s2  }
0x1e: {  	s7 =	smul.u32 @!p0 $0xF7A, s2;
	p2 =	seq.s32 @!p0 s5, $0x0  }
0x1f: {  	s9 =	smul.u32 $0xF7A, s1;
	s8 =	simm.s32 @!p0 $0x1BF5;
	p2 =	por !p2, p0  }
0x20: {  	[sflag:s8] =	ssyncset.s32 @!p0 $0xFFFFF086;
	s6 =	sadd.s32 @!p0 s3, s7;
	s7 =	simm.s32 @!p0 $0x108  }
0x21: {  	s3 =	sadd.s32 s3, s9;
	s6 =	sadd.s32 @!p0 $0x88, s6;
	s7 =	simm.s32 @p2 $0x1082  }
0x22: {  	[simem:s7], [sflag:s8] =	dma.local @!p0 [hbm:s6], $0xF7A  }
0x23: {  	s9 =	sor.u32 $0xD0000000, s2;
	s6 =	simm.s32 $0x108;
	_ =	swait.ge @!p0 [sflag:s8], $0x0  }
0x24: {  	s3 =	sadd.s32 $0x88, s3;
	s6 =	simm.s32 @!p1 $0x1082;
	[sflag:s4] =	ssyncset.s32 $0xFFFFF086  }
0x25: {  	[simem:s6], [sflag:s4] =	dma.local [hbm:s3], $0xF7A  }
0x26: {  	[smem:$0x3F98] =	sst s1;
	(tag) =	ssettag s2;
	_ =	strace s9  }
0x27: {  	s1 =	sld [smem:$0x3FA8]  }
0x28: {  	s2 =	sld [smem:$0x3FA9]  }
0x29: {  	s4 =	sld [smem:$0x3FAB]  }
0x2a: {  	p0 =	seq.s32 s5, $0x0;
	s5 =	sld [smem:$0x3FAC]  }
0x2b: {  	s6 =	sld [smem:$0x3FAD]  }
0x2c: {  	s7 =	sld [smem:$0x3FAE]  }
0x2d: {  	s3 =	simm.s32 $0x108;
	s8 =	sld [smem:$0x3FAF]  }
0x2e: {  	s3 =	simm.s32 @!p0 $0x1082;
	s9 =	sld [smem:$0x3FB0]  }
0x2f: {  	lr =	sadd.s32 s0, s3;
	s0 =	sld [smem:$0x3FA7]  }
0x30: {  	s3 =	sld [smem:$0x3FAA]  }
0x31: {  	[smem:$0x3FB3] =	sst s10  }
0x32: {  	s10 =	sld [smem:$0x3FB1];
	_ =	sdelay $0x3  }
0x33: {  	p0 =	seq.s32 s10, $0x1;
	s10 =	sld [smem:$0x3FB3];
	_ =	sdelay $0x3  }
0x34: {  	[smem:$0x3FB3] =	sst s10  }
0x35: {  	s10 =	sld [smem:$0x3FB2];
	_ =	sdelay $0x3  }
0x36: {  	p1 =	seq.s32 s10, $0x1;
	s10 =	sld [smem:$0x3FB3];
	_ =	sdelay $0x3  }
0x37: {  	[smem:$0x3FB3] =	sst s10  }
0x38: {  	s10 =	sld [smem:$0x3FB4]  }
0x39: {  	_ = 	snop;
	(pc) =	sbr.ind lr, $3  }
0x3a: {  	_ = 	snop  }
0x3b: {  	_ = 	snop  }
0x3c: {  	p2 =	seq.s32 s10, $0x1;
	s10 =	sld [smem:$0x3FB3]  }
0x3d: {  	_ =	shalt  }
0x3e: {  	_ =	shalt  }
0x3f: {  	_ =	shalt  }
0x40: {  	_ =	shalt  }
0x41: {  	_ =	shalt  }
0x42: {  	_ =	shalt  }
0x43: {  	_ =	shalt  }
0x44: {  	_ =	shalt  }
0x45: {  	_ =	shalt  }
0x46: {  	_ =	shalt  }
0x47: {  	_ =	shalt  }
0x48: {  	_ =	shalt  }
0x49: {  	_ =	shalt  }
0x4a: {  	_ =	shalt  }
0x4b: {  	_ =	shalt  }
0x4c: {  	_ =	shalt  }
0x4d: {  	_ =	shalt  }
0x4e: {  	_ =	shalt  }
0x4f: {  	_ =	shalt  }
0x50: {  	_ =	shalt  }
0x51: {  	_ =	shalt  }
0x52: {  	_ =	shalt  }
0x53: {  	_ =	shalt  }
0x54: {  	_ =	shalt  }
0x55: {  	_ =	shalt  }
0x56: {  	_ =	shalt  }
0x57: {  	_ =	shalt  }
0x58: {  	_ =	shalt  }
0x59: {  	_ =	shalt  }
0x5a: {  	_ =	shalt  }
0x5b: {  	_ =	shalt  }
0x5c: {  	_ =	shalt  }
0x5d: {  	_ =	shalt  }
0x5e: {  	_ =	shalt  }
0x5f: {  	_ =	shalt  }
0x60: {  	_ =	shalt  }
0x61: {  	_ =	shalt  }
0x62: {  	_ =	shalt  }
0x63: {  	_ =	shalt  }
0x64: {  	_ =	shalt  }
0x65: {  	_ =	shalt  }
0x66: {  	_ =	shalt  }
0x67: {  	_ =	shalt  }
0x68: {  	_ =	shalt  }
0x69: {  	_ =	shalt  }
0x6a: {  	_ =	shalt  }
0x6b: {  	_ =	shalt  }
0x6c: {  	_ =	shalt  }
0x6d: {  	_ =	shalt  }
0x6e: {  	_ =	shalt  }
0x6f: {  	_ =	shalt  }
0x70: {  	_ =	shalt  }
0x71: {  	_ =	shalt  }
0x72: {  	_ =	shalt  }
0x73: {  	_ =	shalt  }
0x74: {  	_ =	shalt  }
0x75: {  	_ =	shalt  }
0x76: {  	_ =	shalt  }
0x77: {  	_ =	shalt  }
0x78: {  	_ =	shalt  }
0x79: {  	_ =	shalt  }
0x7a: {  	_ =	shalt  }
0x7b: {  	_ =	shalt  }
0x7c: {  	_ =	shalt  }
0x7d: {  	_ =	shalt  }
0x7e: {  	_ =	shalt  }
0x7f: {  	_ =	shalt  }
0x80: {  	_ =	shalt  }
0x81: {  	_ =	shalt  }
0x82: {  	_ =	shalt  }
0x83: {  	_ =	shalt  }
0x84: {  	_ =	shalt  }
0x85: {  	_ =	shalt  }
0x86: {  	_ =	shalt  }
0x87: {  	_ =	shalt  }
.Lfunc_end0:
.L_simem_size_0:
called_computation.2_lowered:
.L_overlay_start_0:
0x88: {  	s2 =	sld [smem:$0x3FD9]  }
0x89: {  	s3 =	sld [smem:$0x3FFE];
	_ =	sdelay $0x1  }
0x8a: {  	s1 =	srdreg.scid  }
0x8b: {  	s0 =	sand.u32 $0x1, s1  }
0x8c: {  	s16 =	sshll.u32 s0, $0xA;
	s2 =	sadd.s32 s3, s2  }
0x8d: {  	s2 =	sadd.s32 s2, s16  }
0x8e: {  	[smem:$0x3FBF] =	sst s2  }
0x8f: {  	_ = 	snop  }
0x90: {  	(tm) =	ssettm $0x1  }
0x91: {  	s17 =	sld [smem:$0x3FFB];
	_ =	sdelay $0x3  }
0x92: {  	_ =	strace s17  }
0x93: {  	s2 =	sld [smem:$0x3FFC];
	_ =	sdelay $0x3  }
0x94: {  	_ =	strace s2  }
0x95: {  	s2 =	sld [smem:$0x3FFD];
	_ =	sdelay $0x3  }
0x96: {  	_ =	strace s2  }
0x97: {  	_ =	strace $0x8FFFFFFF  }
0x98: {  	s18 =	sld [smem:$0x3FDB];
	_ =	sdelay $0x1  }
0x99: {  	s19 =	simm.s32 $_scs_section_size  }
0x9a: {  	s4 =	simm.s32 $_size__tile_overlayer_lowered;
	s5 =	simm.s32 $_tile_overlayer_lowered  }
0x9b: {  	s22 =	simm.s32 $0x1BFF;
	s21 =	sshll.u32 s5, $0x1;
	s2 =	sadd.s32 s19, s18  }
0x9c: {  	s6 =	simm.s32 $0x0;
	s20 =	sshll.u32 s4, $0x1;
	s4 =	sadd.s32 s21, s2  }
0x9d: {  	[timem:s6], [sflag:s22] =	dma.local [hbm:s4], s20  }
0x9e: {  	_ =	swait.ge [sflag:s22], s20  }
0x9f: {  	s3 =	ssub.s32 $0x0, s20;
	[sflag:s22] =	ssyncset.done $0x0  }
0xa0: {  	[sflag:s22] =	ssyncadd.s32 s3;
	_ =	sdelay $0x1  }
0xa1: {  	s23 =	simm.s32 $0x1B8B  }
0xa2: {  	_ =	swait.ge [sflag:s23], $0x1  }
0xa3: {  	[sflag:s23] =	ssyncset.done $0x0  }
0xa4: {  	s25 =	simm.s32 $0x1B8E;
	s24 =	sld [smem:$0x3FFE];
	[sflag:s23] =	ssyncadd.s32 $0xFFFFFFFF  }
0xa5: {  	s26 =	simm.s32 $execute0_lowered;
	[smem:$0x3FD2] =	sst s25  }
0xa6: {  	s4 =	sshll.u32 s26, $0x1;
	_ =	strace $0x8000004C;
	[dreg:$0x1] =	wrdreg $0xFFFFFFFF  }
0xa7: {  	s28 =	simm.s32 $_size_execute0_lowered;
	s2 =	sadd.s32 s2, s4;
	[dreg:$0x0] =	wrdreg $0x0  }
0xa8: {  	s4 =	sshll.u32 s28, $0x1;
	[dreg:$0x2] =	wrdreg s2  }
0xa9: {  	[dreg:$0x3] =	wrdreg s4  }
0xaa: {  	[dreg:$0x4] =	wrdreg $0xC0  }
0xab: {  	_ =	task [dreg:s6], $0x5FFFF  }
0xac: {  	[dreg:$0x1] =	wrdreg $0xFFFFFFFF  }
0xad: {  	[dreg:$0x0] =	wrdreg $0x60  }
0xae: {  	[dreg:$0x2] =	wrdreg s24  }
0xaf: {  	[dreg:$0x3] =	wrdreg $0xB0000  }
0xb0: {  	[dreg:$0x4] =	wrdreg $0x9  }
0xb1: {  	_ =	task.clear_ibuf [dreg:s6], $0x5FFFF;
	_ =	strace $0x9000004C  }
0xb2: {  	s29 =	simm.s32 $0x9;
	_ =	strace $0x8000004E  }
0xb3: {  	_ =	swait.ge [sflag:s29], $0x1  }
0xb4: {  	[sflag:s29] =	ssyncadd.s32 $0xFFFFFFFF  }
0xb5: {  	_ =	strace $0x9000004E  }
0xb6: {  	_ =	sfence  }
0xb7: {  	s30 =	sld [smem:$0x0];
	_ =	sdelay $0x2  }
0xb8: {  	s31 =	sshll.u32 s1, $0xD;
	s1 =	sshrl.u32 s1, $0x2  }
0xb9: {  	s3 =	sand.u32 $0x4000, s31;
	s1 =	sadd.s32 s1, s30  }
0xba: {  	s0 =	sor.u32 s3, s0;
	s1 =	sshll.u32 s1, $0x11  }
0xbb: {  	s0 =	sor.u32 s1, s0  }
0xbc: {  	s0 =	sadd.s32 $0x8F2B, s0  }
0xbd: {  	[sflag:s0] =	ssyncadd.remote.s32 $0x1  }
0xbe: {  	_ =	sfence.sel $0xFFFF  }
0xbf: {  	[dreg:$0x0] =	wrdreg $0xFFFFFFFF;
	(pc) =	sbr.abs _section_cstart, $3  }
0xc0: {  	[dreg:$0x1] =	wrdreg $0xFFFFFFFF  }
0xc1: {  	_ =	task.clear_ibuf [dreg:s6], $0x2FFFF;
	_ =	strace $0x9FFFFFFF  }
0xc2: {  	(tm) =	ssettm $0x7FFFFFFF  }
0xc3: {  	_ =	shalt  }
tec
execute0_lowered:
.L_overlay_start_1:
0x0: {  	(tag) =	ssettag $0x1  }
0x1: {  	s0 =	rddreg [dreg:$0x0]  }
0x2: {  	s1 =	rddreg [dreg:$0x1];
	s2 =	srdreg.scid  }
0x3: {  	s26 =	stileid.u32;
	s3 =	sadd.s32 $0xEA00, s0;
	s4 =	sadd.s32 $0x1AA00, s0  }
0x4: {  	s2 =	sand.u32 $0x1, s2;
	s8 =	smul.u32 $0x1F400, s26;
	s9 =	sadd.s32 $0x9EA00, s0  }
0x5: {  	s17 =	smul.u32 $0x7D000, s26;
	p0 =	sgt.u32 s26, $0x9;
	s5 =	ssub.s32 $0x2, s2  }
0x6: {  	s6 =	smul.u32 $0x138800, s2;
	s2 =	sshll.u32 s2, $0x4;
	s7 =	sshrl.u32 s5, $0x1  }
0x7: {  	s2 =	sor.u32 s26, s2;
	s18 =	sadd.s32 $0x4000, s8;
	s19 =	sadd.s32 $0x8000, s8  }
0x8: {  	s20 =	sadd.s32 $0xC000, s8;
	s17 =	sshrl.u32 s17, $0x2;
	s5 =	ssub.s32 s5, s7  }
0x9: {  	s10 =	sadd.s32 s8, s6;
	s2 =	smul.u32 $0x3000, s2;
	s11 =	sadd.s32 s6, s18  }
0xa: {  	s22 =	sadd.s32 s6, s19;
	s23 =	sadd.s32 s6, s20;
	s17 =	sadd.s32 s17, s1  }
0xb: {  	s18 =	sadd.s32 s18, s1;
	s19 =	sadd.s32 s19, s1;
	s20 =	sadd.s32 s20, s1  }
0xc: {  	s7 =	simm.s32 $0x1;
	s10 =	sshrl.u32 s10, $0x3;
	s21 =	sshrl.u32 s11, $0x3  }
0xd: {  	s24 =	sshrl.u32 s23, $0x3;
	s23 =	sadd.s32 $0x18000, s8;
	s26 =	sadd.s32 $0x4000, s17  }
0xe: {  	s28 =	sadd.s32 $0x8000, s17;
	s29 =	sadd.s32 $0xC000, s17;
	s30 =	sadd.s32 $0x10000, s17  }
0xf: {  	s31 =	sadd.s32 $0x14000, s17;
	s10 =	sadd.s32 s9, s10;
	s14 =	sadd.s32 s6, s23  }
0x10: {  	s2 =	sshrl.u32 s2, $0x3;
	[dreg:$0x3] =	wrdreg s10;
	s10 =	sadd.s32 s9, s21  }
0x11: {  	s21 =	sadd.s32 $0x10000, s8;
	s15 =	sshrl.u32 s14, $0x3;
	s11 =	sadd.s32 s3, s2  }
0x12: {  	s16 =	sadd.s32 $0x300, s2;
	s14 =	simm.s32 $0x0;
	[dreg:$0x4] =	wrdreg s10  }
0x13: {  	s10 =	sshrl.u32 s22, $0x3;
	s25 =	sadd.s32 s6, s21;
	s22 =	sadd.s32 $0x14000, s8  }
0x14: {  	s8 =	sadd.s32 $0x1C000, s8;
	[smem:$0x7FF] =	sst s14;
	s21 =	sadd.s32 s21, s1  }
0x15: {  	s10 =	sadd.s32 s9, s10;
	s12 =	sshrl.u32 s25, $0x3;
	s13 =	sadd.s32 s6, s22  }
0x16: {  	s6 =	sadd.s32 s6, s8;
	[dreg:$0x5] =	wrdreg s10;
	s10 =	sadd.s32 s9, s24  }
0x17: {  	s6 =	sshrl.u32 s6, $0x3;
	[dreg:$0x6] =	wrdreg s10;
	s10 =	sadd.s32 s9, s12  }
0x18: {  	s6 =	sadd.s32 s9, s6;
	[dreg:$0x7] =	wrdreg s10;
	s10 =	sshrl.u32 s13, $0x3  }
0x19: {  	s25 =	sadd.s32 s23, s1;
	[dreg:$0xa] =	wrdreg s6;
	s10 =	sadd.s32 s9, s10  }
0x1a: {  	s24 =	sadd.s32 s22, s1;
	[dreg:$0x8] =	wrdreg s10;
	s10 =	sadd.s32 s9, s15  }
0x1b: {  	s12 =	sadd.s32 s4, s2;
	s2 =	sadd.s32 $0x1C000, s17;
	[dreg:$0x9] =	wrdreg s10  }
0x1c: {  	s13 =	sadd.s32 s3, s16;
	_ =	strace $0x8000004D;
	[dreg:$0xb] =	wrdreg s18  }
0x1d: {  	s3 =	simm.s32 $0x3;
	s6 =	simm.s32 $0x3000;
	[dreg:$0xc] =	wrdreg s19  }
0x1e: {  	s15 =	sadd.s32 s4, s16;
	s16 =	sadd.s32 $0x76A00, s0;
	[dreg:$0xd] =	wrdreg s20  }
.Ltmp0:
0x1f: {  	s0 =	sadd.s32 $0x18000, s17;
	[dreg:$0xe] =	wrdreg s21;
	(pc) =	sbr.rel .LBB2_1-.Ltmp0, $4  }
0x20: {  	s4 =	simm.s32 $0x1800;
	s9 =	simm.s32 $0x2;
	[dreg:$0xf] =	wrdreg s24  }
0x21: {  	s10 =	simm.s32 $0x1480;
	[dreg:$0x10] =	wrdreg s25;
	s24 =	sadd.s32 s8, s1  }
0x22: {  	s25 =	smax.u32 s5, $0x1;
	s5 =	simm.s32 $0x80;
	s8 =	simm.s32 $0x7000  }
0x23: {  	v0 =	vimm.f32 $0.0e+00;
	s18 =	simm.s32 $0x2C00;
	s19 =	simm.s32 $0x2C80;
	s20 =	simm.s32 $0x0  }
.LBB2_9:
0x24: {  	s20 =	sadd.s32 $0x1, s20  }
0x25: {  	p1 =	sne.s32 s20, s25  }
.Ltmp1:
0x26: {  	_ = 	snop;
	(pc) =	sbr.rel @!p1 .LBB2_10-.Ltmp1, $1  }
0x27: {  	_ =	sdelay $0x3  }
.LBB2_1:
0x28: {  	s21 =	simm.s32 $0x0;
	s22 =	simm.s32 $0x200  }
.LBB2_2:
0x29: {  	p1 =	sne.s32 s22, $0xFE00;
	[tilespmem:s21+$0x3070] =	vst v0  }
0x2a: {  	[tilespmem:s21+$0x3000] =	vst v0  }
0x2b: {  	[tilespmem:s21+$0x3010] =	vst v0  }
.Ltmp2:
0x2c: {  	[tilespmem:s21+$0x3020] =	vst v0;
	(pc) =	sbr.rel @p1 .LBB2_2-.Ltmp2, $4  }
0x2d: {  	[tilespmem:s21+$0x3030] =	vst v0  }
0x2e: {  	[tilespmem:s21+$0x3040] =	vst v0  }
0x2f: {  	[tilespmem:s21+$0x3050] =	vst v0  }
0x30: {  	[tilespmem:s21+$0x3060] =	vst v0;
	s21 =	sshra.s32 s22, $0x2;
	s22 =	sadd.s32 $0x200, s22  }
0x31: {  	[tilespmem:s21+$0x3070] =	vst v0  }
0x32: {  	[tilespmem:s21+$0x3000] =	vst v0  }
0x33: {  	[tilespmem:s21+$0x3010] =	vst v0  }
0x34: {  	[tilespmem:s21+$0x3020] =	vst v0  }
0x35: {  	[tilespmem:s21+$0x3030] =	vst v0  }
0x36: {  	[tilespmem:s21+$0x3040] =	vst v0  }
0x37: {  	[tilespmem:s21+$0x3050] =	vst v0  }
0x38: {  	[tilespmem:s21+$0x3060] =	vst v0;
	s21 =	simm.s32 @!p0 $0x3000;
	s22 =	simm.s32 @!p0 $0x3  }
0x39: {  	[spmem:s17] =	stream.linear.scatter @!p0 [tilespmem:s21], [sflag:$0x3], $0x4000, $0x38;
	[tilespmem:$0x1E880] =	vst v63  }
0x3a: {  	_ =	swait.ge @!p0 [sflag:s22], $0x4000  }
0x3b: {  	[sflag:s22] =	ssyncset.done @!p0 $0x0  }
0x3c: {  	[sflag:s22] =	ssyncadd.s32 @!p0 $0xFFFFC000  }
0x3d: {  	[spmem:s26] =	stream.linear.scatter @!p0 [tilespmem:s21], [sflag:$0x3], $0x4000, $0x38;
	[tilespmem:$0x1E880] =	vst v63  }
0x3e: {  	_ =	swait.ge @!p0 [sflag:s22], $0x4000  }
0x3f: {  	[sflag:s22] =	ssyncset.done @!p0 $0x0  }
0x40: {  	[sflag:s22] =	ssyncadd.s32 @!p0 $0xFFFFC000  }
0x41: {  	[spmem:s28] =	stream.linear.scatter @!p0 [tilespmem:s21], [sflag:$0x3], $0x4000, $0x38;
	[tilespmem:$0x1E880] =	vst v63  }
0x42: {  	_ =	swait.ge @!p0 [sflag:s22], $0x4000  }
0x43: {  	[sflag:s22] =	ssyncset.done @!p0 $0x0  }
0x44: {  	[sflag:s22] =	ssyncadd.s32 @!p0 $0xFFFFC000  }
0x45: {  	[spmem:s29] =	stream.linear.scatter @!p0 [tilespmem:s21], [sflag:$0x3], $0x4000, $0x38;
	[tilespmem:$0x1E880] =	vst v63  }
0x46: {  	_ =	swait.ge @!p0 [sflag:s22], $0x4000  }
0x47: {  	[sflag:s22] =	ssyncset.done @!p0 $0x0  }
0x48: {  	[sflag:s22] =	ssyncadd.s32 @!p0 $0xFFFFC000  }
0x49: {  	[spmem:s30] =	stream.linear.scatter @!p0 [tilespmem:s21], [sflag:$0x3], $0x4000, $0x38;
	[tilespmem:$0x1E880] =	vst v63  }
0x4a: {  	_ =	swait.ge @!p0 [sflag:s22], $0x4000  }
0x4b: {  	[sflag:s22] =	ssyncset.done @!p0 $0x0  }
0x4c: {  	[sflag:s22] =	ssyncadd.s32 @!p0 $0xFFFFC000  }
0x4d: {  	[spmem:s31] =	stream.linear.scatter @!p0 [tilespmem:s21], [sflag:$0x3], $0x4000, $0x38;
	[tilespmem:$0x1E880] =	vst v63  }
0x4e: {  	_ =	swait.ge @!p0 [sflag:s22], $0x4000  }
0x4f: {  	[sflag:s22] =	ssyncset.done @!p0 $0x0  }
0x50: {  	[sflag:s22] =	ssyncadd.s32 @!p0 $0xFFFFC000  }
0x51: {  	[spmem:s0] =	stream.linear.scatter @!p0 [tilespmem:s21], [sflag:$0x3], $0x4000, $0x38;
	[tilespmem:$0x1E880] =	vst v63  }
0x52: {  	_ =	swait.ge @!p0 [sflag:s22], $0x4000  }
0x53: {  	[sflag:s22] =	ssyncset.done @!p0 $0x0  }
0x54: {  	[sflag:s22] =	ssyncadd.s32 @!p0 $0xFFFFC000  }
0x55: {  	[spmem:s2] =	stream.linear.scatter @!p0 [tilespmem:s21], [sflag:$0x3], $0x3400, $0x38;
	[tilespmem:$0x1E880] =	vst v63  }
0x56: {  	_ =	swait.ge @!p0 [sflag:s22], $0x3400  }
0x57: {  	[sflag:s22] =	ssyncset.done @!p0 $0x0  }
0x58: {  	[sflag:s22] =	ssyncadd.s32 @!p0 $0xFFFFCC00  }
0x59: {  	s23 =	simm.s32 $0x0;
	[bflag:$0x0] =	sbarrier.arrive $0xFFFF  }
0x5a: {  	[tilespmem:s23], [sflag:$0x3] =	stream.linear.gather [hbm4b:s11+s23], $0x1500, $0x38;
	[tilespmem:$0x1E880] =	vst v63  }
0x5b: {  	_ =	swait.ge [sflag:s3], $0x1500  }
0x5c: {  	[sflag:s3] =	ssyncset.done $0x0  }
0x5d: {  	[sflag:s3] =	ssyncadd.s32 $0xFFFFEB00  }
0x5e: {  	[tilespmem:s4], [sflag:$0x3] =	stream.linear.gather [hbm4b:s12+s23], $0x1500, $0x38;
	[tilespmem:$0x1E880] =	vst v63  }
0x5f: {  	_ =	swait.ge [sflag:s3], $0x1500  }
0x60: {  	[sflag:s3] =	ssyncset.done $0x0  }
0x61: {  	[sflag:s3] =	ssyncadd.s32 $0xFFFFEB00  }
0x62: {  	[tilespmem:s6], [sflag:$0x1] =	stream.indirect.gather [hbm4b:s16+s5], $0x80, s23, s5, $0xb8;
	[tilespmem:$0x1E880] =	vst v63  }
0x63: {  	_ =	swait.ge [sflag:s7], $0x4000  }
0x64: {  	[sflag:s7] =	ssyncset.done $0x0  }
0x65: {  	s22 =	simm.s32 $0x80;
	[sflag:s7] =	ssyncadd.s32 $0xFFFFC000  }
0x66: {  	[tilespmem:s8], [sflag:$0x2] =	stream.indirect.gather [hbm4b:s16+s5], $0x80, s22, s5, $0xb8;
	[tilespmem:$0x1E880] =	vst v63  }
0x67: {  	s23 =	simm.s32 $0x1800  }
0x68: {  	[spmem:s1] =	stream.indirect.scatter.add.f32 [tilespmem:s6], [sflag:$0x3], $0x80, s23, s5, $0xb8;
	[tilespmem:$0x1E880] =	vst v63  }
0x69: {  	_ =	swait.ge [sflag:s3], $0x4000  }
0x6a: {  	[sflag:s3] =	ssyncset.done $0x0  }
0x6b: {  	[sflag:s3] =	ssyncadd.s32 $0xFFFFC000  }
0x6c: {  	_ =	swait.ge [sflag:s9], $0x4000  }
0x6d: {  	[sflag:s9] =	ssyncset.done $0x0  }
0x6e: {  	s22 =	simm.s32 $0x100;
	[sflag:s9] =	ssyncadd.s32 $0xFFFFC000  }
0x6f: {  	[tilespmem:s6], [sflag:$0x1] =	stream.indirect.gather [hbm4b:s16+s5], $0x80, s22, s5, $0xb8;
	[tilespmem:$0x1E880] =	vst v63  }
0x70: {  	s23 =	simm.s32 $0x1880  }
0x71: {  	[spmem:s1] =	stream.indirect.scatter.add.f32 [tilespmem:s8], [sflag:$0x3], $0x80, s23, s5, $0xb8;
	[tilespmem:$0x1E880] =	vst v63  }
0x72: {  	_ =	swait.ge [sflag:s3], $0x4000  }
0x73: {  	s21 =	simm.s32 $0x400;
	[sflag:s3] =	ssyncset.done $0x0  }
.LBB2_4:
0x74: {  	p1 =	sne.s32 s21, $0x4C00  }
0x75: {  	[sflag:s3] =	ssyncadd.s32 $0xFFFFC000;
	s22 =	smov.u32 s21;
	s21 =	sadd.s32 $0x400, s21  }
0x76: {  	_ = 	snop  }
0x77: {  	_ =	swait.ge [sflag:s7], $0x4000  }
0x78: {  	s22 =	sshra.s32 s22, $0x2;
	[sflag:s7] =	ssyncset.done $0x0  }
0x79: {  	s23 =	sadd.s32 $0x80, s22;
	[sflag:s7] =	ssyncadd.s32 $0xFFFFC000  }
0x7a: {  	[tilespmem:s8], [sflag:$0x2] =	stream.indirect.gather [hbm4b:s16+s5], $0x80, s23, s5, $0xb8;
	[tilespmem:$0x1E880] =	vst v63  }
0x7b: {  	s23 =	sadd.s32 $0x1800, s22  }
0x7c: {  	[spmem:s1] =	stream.indirect.scatter.add.f32 [tilespmem:s6], [sflag:$0x3], $0x80, s23, s5, $0xb8;
	[tilespmem:$0x1E880] =	vst v63  }
0x7d: {  	_ =	swait.ge [sflag:s3], $0x4000  }
0x7e: {  	[sflag:s3] =	ssyncset.done $0x0  }
0x7f: {  	[sflag:s3] =	ssyncadd.s32 $0xFFFFC000  }
0x80: {  	_ =	swait.ge [sflag:s9], $0x4000  }
0x81: {  	[sflag:s9] =	ssyncset.done $0x0  }
0x82: {  	s23 =	sadd.s32 $0x100, s22;
	[sflag:s9] =	ssyncadd.s32 $0xFFFFC000  }
0x83: {  	[tilespmem:s6], [sflag:$0x1] =	stream.indirect.gather [hbm4b:s16+s5], $0x80, s23, s5, $0xb8;
	[tilespmem:$0x1E880] =	vst v63  }
.Ltmp3:
0x84: {  	_ = 	snop;
	(pc) =	sbr.rel @p1 .LBB2_4-.Ltmp3, $4  }
0x85: {  	s22 =	sadd.s32 $0x1880, s22  }
0x86: {  	[spmem:s1] =	stream.indirect.scatter.add.f32 [tilespmem:s8], [sflag:$0x3], $0x80, s22, s5, $0xb8;
	[tilespmem:$0x1E880] =	vst v63  }
0x87: {  	_ =	swait.ge [sflag:s3], $0x4000  }
0x88: {  	[sflag:s3] =	ssyncset.done $0x0  }
0x89: {  	[sflag:s3] =	ssyncadd.s32 $0xFFFFC000  }
0x8a: {  	_ =	swait.ge [sflag:s7], $0x4000  }
0x8b: {  	[sflag:s7] =	ssyncset.done $0x0  }
0x8c: {  	[sflag:s7] =	ssyncadd.s32 $0xFFFFC000  }
0x8d: {  	[tilespmem:s8], [sflag:$0x2] =	stream.indirect.gather [hbm4b:s16+s5], $0x80, s10, s5, $0xb8;
	[tilespmem:$0x1E880] =	vst v63  }
0x8e: {  	_ = 	snop  }
0x8f: {  	[spmem:s1] =	stream.indirect.scatter.add.f32 [tilespmem:s6], [sflag:$0x3], $0x80, s18, s5, $0xb8;
	[tilespmem:$0x1E880] =	vst v63  }
0x90: {  	_ =	swait.ge [sflag:s3], $0x4000  }
0x91: {  	[sflag:s3] =	ssyncset.done $0x0  }
0x92: {  	[sflag:s3] =	ssyncadd.s32 $0xFFFFC000  }
0x93: {  	_ =	swait.ge [sflag:s9], $0x4000  }
0x94: {  	[sflag:s9] =	ssyncset.done $0x0  }
0x95: {  	[sflag:s9] =	ssyncadd.s32 $0xFFFFC000  }
0x96: {  	[spmem:s1] =	stream.indirect.scatter.add.f32 [tilespmem:s8], [sflag:$0x3], $0x80, s19, s5, $0xb8;
	[tilespmem:$0x1E880] =	vst v63  }
0x97: {  	_ =	swait.ge [sflag:s3], $0x4000  }
0x98: {  	[sflag:s3] =	ssyncset.done $0x0  }
0x99: {  	s21 =	simm.s32 $0x0;
	[sflag:s3] =	ssyncadd.s32 $0xFFFFC000  }
0x9a: {  	[tilespmem:s21], [sflag:$0x3] =	stream.linear.gather [hbm4b:s13+s21], $0x1500, $0x38;
	[tilespmem:$0x1E880] =	vst v63  }
0x9b: {  	_ =	swait.ge [sflag:s3], $0x1500  }
0x9c: {  	[sflag:s3] =	ssyncset.done $0x0  }
0x9d: {  	[sflag:s3] =	ssyncadd.s32 $0xFFFFEB00  }
0x9e: {  	[tilespmem:s4], [sflag:$0x3] =	stream.linear.gather [hbm4b:s15+s21], $0x1500, $0x38;
	[tilespmem:$0x1E880] =	vst v63  }
0x9f: {  	_ =	swait.ge [sflag:s3], $0x1500  }
0xa0: {  	[sflag:s3] =	ssyncset.done $0x0  }
0xa1: {  	[sflag:s3] =	ssyncadd.s32 $0xFFFFEB00  }
0xa2: {  	[tilespmem:s6], [sflag:$0x1] =	stream.indirect.gather [hbm4b:s16+s5], $0x80, s21, s5, $0xb8;
	[tilespmem:$0x1E880] =	vst v63  }
0xa3: {  	_ =	swait.ge [sflag:s7], $0x4000  }
0xa4: {  	[sflag:s7] =	ssyncset.done $0x0  }
0xa5: {  	s22 =	simm.s32 $0x80;
	[sflag:s7] =	ssyncadd.s32 $0xFFFFC000  }
0xa6: {  	[tilespmem:s8], [sflag:$0x2] =	stream.indirect.gather [hbm4b:s16+s5], $0x80, s22, s5, $0xb8;
	[tilespmem:$0x1E880] =	vst v63  }
0xa7: {  	s23 =	simm.s32 $0x1800  }
0xa8: {  	[spmem:s1] =	stream.indirect.scatter.add.f32 [tilespmem:s6], [sflag:$0x3], $0x80, s23, s5, $0xb8;
	[tilespmem:$0x1E880] =	vst v63  }
0xa9: {  	_ =	swait.ge [sflag:s3], $0x4000  }
0xaa: {  	[sflag:s3] =	ssyncset.done $0x0  }
0xab: {  	[sflag:s3] =	ssyncadd.s32 $0xFFFFC000  }
0xac: {  	_ =	swait.ge [sflag:s9], $0x4000  }
0xad: {  	[sflag:s9] =	ssyncset.done $0x0  }
0xae: {  	s22 =	simm.s32 $0x100;
	[sflag:s9] =	ssyncadd.s32 $0xFFFFC000  }
0xaf: {  	[tilespmem:s6], [sflag:$0x1] =	stream.indirect.gather [hbm4b:s16+s5], $0x80, s22, s5, $0xb8;
	[tilespmem:$0x1E880] =	vst v63  }
0xb0: {  	s23 =	simm.s32 $0x1880  }
0xb1: {  	[spmem:s1] =	stream.indirect.scatter.add.f32 [tilespmem:s8], [sflag:$0x3], $0x80, s23, s5, $0xb8;
	[tilespmem:$0x1E880] =	vst v63  }
0xb2: {  	_ =	swait.ge [sflag:s3], $0x4000  }
0xb3: {  	s21 =	simm.s32 $0x400;
	[sflag:s3] =	ssyncset.done $0x0  }
.LBB2_6:
0xb4: {  	p1 =	sne.s32 s21, $0x4C00  }
0xb5: {  	[sflag:s3] =	ssyncadd.s32 $0xFFFFC000;
	s22 =	smov.u32 s21;
	s21 =	sadd.s32 $0x400, s21  }
0xb6: {  	_ = 	snop  }
0xb7: {  	_ =	swait.ge [sflag:s7], $0x4000  }
0xb8: {  	s22 =	sshra.s32 s22, $0x2;
	[sflag:s7] =	ssyncset.done $0x0  }
0xb9: {  	s23 =	sadd.s32 $0x80, s22;
	[sflag:s7] =	ssyncadd.s32 $0xFFFFC000  }
0xba: {  	[tilespmem:s8], [sflag:$0x2] =	stream.indirect.gather [hbm4b:s16+s5], $0x80, s23, s5, $0xb8;
	[tilespmem:$0x1E880] =	vst v63  }
0xbb: {  	s23 =	sadd.s32 $0x1800, s22  }
0xbc: {  	[spmem:s1] =	stream.indirect.scatter.add.f32 [tilespmem:s6], [sflag:$0x3], $0x80, s23, s5, $0xb8;
	[tilespmem:$0x1E880] =	vst v63  }
0xbd: {  	_ =	swait.ge [sflag:s3], $0x4000  }
0xbe: {  	[sflag:s3] =	ssyncset.done $0x0  }
0xbf: {  	[sflag:s3] =	ssyncadd.s32 $0xFFFFC000  }
0xc0: {  	_ =	swait.ge [sflag:s9], $0x4000  }
0xc1: {  	[sflag:s9] =	ssyncset.done $0x0  }
0xc2: {  	s23 =	sadd.s32 $0x100, s22;
	[sflag:s9] =	ssyncadd.s32 $0xFFFFC000  }
0xc3: {  	[tilespmem:s6], [sflag:$0x1] =	stream.indirect.gather [hbm4b:s16+s5], $0x80, s23, s5, $0xb8;
	[tilespmem:$0x1E880] =	vst v63  }
.Ltmp4:
0xc4: {  	_ = 	snop;
	(pc) =	sbr.rel @p1 .LBB2_6-.Ltmp4, $4  }
0xc5: {  	s22 =	sadd.s32 $0x1880, s22  }
0xc6: {  	[spmem:s1] =	stream.indirect.scatter.add.f32 [tilespmem:s8], [sflag:$0x3], $0x80, s22, s5, $0xb8;
	[tilespmem:$0x1E880] =	vst v63  }
0xc7: {  	_ =	swait.ge [sflag:s3], $0x4000  }
0xc8: {  	[sflag:s3] =	ssyncset.done $0x0  }
0xc9: {  	[sflag:s3] =	ssyncadd.s32 $0xFFFFC000  }
0xca: {  	_ =	swait.ge [sflag:s7], $0x4000  }
0xcb: {  	[sflag:s7] =	ssyncset.done $0x0  }
0xcc: {  	[sflag:s7] =	ssyncadd.s32 $0xFFFFC000  }
0xcd: {  	[tilespmem:s8], [sflag:$0x2] =	stream.indirect.gather [hbm4b:s16+s5], $0x80, s10, s5, $0xb8;
	[tilespmem:$0x1E880] =	vst v63  }
0xce: {  	_ = 	snop  }
0xcf: {  	[spmem:s1] =	stream.indirect.scatter.add.f32 [tilespmem:s6], [sflag:$0x3], $0x80, s18, s5, $0xb8;
	[tilespmem:$0x1E880] =	vst v63  }
0xd0: {  	_ =	swait.ge [sflag:s3], $0x4000  }
0xd1: {  	[sflag:s3] =	ssyncset.done $0x0  }
0xd2: {  	[sflag:s3] =	ssyncadd.s32 $0xFFFFC000  }
0xd3: {  	_ =	swait.ge [sflag:s9], $0x4000  }
0xd4: {  	[sflag:s9] =	ssyncset.done $0x0  }
0xd5: {  	[sflag:s9] =	ssyncadd.s32 $0xFFFFC000  }
0xd6: {  	[spmem:s1] =	stream.indirect.scatter.add.f32 [tilespmem:s8], [sflag:$0x3], $0x80, s19, s5, $0xb8;
	[tilespmem:$0x1E880] =	vst v63  }
.Ltmp5:
0xd7: {  	_ =	swait.ge [sflag:s3], $0x4000;
	(pc) =	sbr.rel @p0 .LBB2_9-.Ltmp5, $3  }
0xd8: {  	[sflag:s3] =	ssyncset.done $0x0  }
0xd9: {  	[sflag:s3] =	ssyncadd.s32 $0xFFFFC000  }
0xda: {  	[bflag:$0x0] =	sbarrier.arrive $0xFFFF;
	_ =	sdelay $0x1  }
0xdb: {  	[tilespmem:s6], [sflag:$0x3] =	stream.linear.gather [spmem:s17], $0x4000, $0x38;
	[tilespmem:$0x1E880] =	vst v63  }
0xdc: {  	_ =	swait.ge [sflag:s3], $0x4000  }
0xdd: {  	[sflag:s3] =	ssyncset.done $0x0  }
0xde: {  	s21 =	rddreg [dreg:$0x3];
	[sflag:s3] =	ssyncadd.s32 $0xFFFFC000  }
0xdf: {  	[hbm4b:s21+s14] =	stream.linear.scatter [tilespmem:s6], [sflag:$0x3], $0x4000, $0x38;
	[tilespmem:$0x1E880] =	vst v63  }
0xe0: {  	_ =	swait.ge [sflag:s3], $0x4000  }
0xe1: {  	[sflag:s3] =	ssyncset.done $0x0  }
0xe2: {  	s23 =	rddreg [dreg:$0xb];
	[sflag:s3] =	ssyncadd.s32 $0xFFFFC000  }
0xe3: {  	[tilespmem:s6], [sflag:$0x3] =	stream.linear.gather [spmem:s23], $0x4000, $0x38;
	[tilespmem:$0x1E880] =	vst v63  }
0xe4: {  	_ =	swait.ge [sflag:s3], $0x4000  }
0xe5: {  	[sflag:s3] =	ssyncset.done $0x0  }
0xe6: {  	s22 =	rddreg [dreg:$0x4];
	[sflag:s3] =	ssyncadd.s32 $0xFFFFC000  }
0xe7: {  	[hbm4b:s22+s14] =	stream.linear.scatter [tilespmem:s6], [sflag:$0x3], $0x4000, $0x38;
	[tilespmem:$0x1E880] =	vst v63  }
0xe8: {  	_ =	swait.ge [sflag:s3], $0x4000  }
0xe9: {  	[sflag:s3] =	ssyncset.done $0x0  }
0xea: {  	s23 =	rddreg [dreg:$0xc];
	[sflag:s3] =	ssyncadd.s32 $0xFFFFC000  }
0xeb: {  	[tilespmem:s6], [sflag:$0x3] =	stream.linear.gather [spmem:s23], $0x4000, $0x38;
	[tilespmem:$0x1E880] =	vst v63  }
0xec: {  	_ =	swait.ge [sflag:s3], $0x4000  }
0xed: {  	[sflag:s3] =	ssyncset.done $0x0  }
0xee: {  	s22 =	rddreg [dreg:$0x5];
	[sflag:s3] =	ssyncadd.s32 $0xFFFFC000  }
0xef: {  	[hbm4b:s22+s14] =	stream.linear.scatter [tilespmem:s6], [sflag:$0x3], $0x4000, $0x38;
	[tilespmem:$0x1E880] =	vst v63  }
0xf0: {  	_ =	swait.ge [sflag:s3], $0x4000  }
0xf1: {  	[sflag:s3] =	ssyncset.done $0x0  }
0xf2: {  	s23 =	rddreg [dreg:$0xd];
	[sflag:s3] =	ssyncadd.s32 $0xFFFFC000  }
0xf3: {  	[tilespmem:s6], [sflag:$0x3] =	stream.linear.gather [spmem:s23], $0x4000, $0x38;
	[tilespmem:$0x1E880] =	vst v63  }
0xf4: {  	_ =	swait.ge [sflag:s3], $0x4000  }
0xf5: {  	[sflag:s3] =	ssyncset.done $0x0  }
0xf6: {  	s22 =	rddreg [dreg:$0x6];
	[sflag:s3] =	ssyncadd.s32 $0xFFFFC000  }
0xf7: {  	[hbm4b:s22+s14] =	stream.linear.scatter [tilespmem:s6], [sflag:$0x3], $0x4000, $0x38;
	[tilespmem:$0x1E880] =	vst v63  }
0xf8: {  	_ =	swait.ge [sflag:s3], $0x4000  }
0xf9: {  	[sflag:s3] =	ssyncset.done $0x0  }
0xfa: {  	s23 =	rddreg [dreg:$0xe];
	[sflag:s3] =	ssyncadd.s32 $0xFFFFC000  }
0xfb: {  	[tilespmem:s6], [sflag:$0x3] =	stream.linear.gather [spmem:s23], $0x4000, $0x38;
	[tilespmem:$0x1E880] =	vst v63  }
0xfc: {  	_ =	swait.ge [sflag:s3], $0x4000  }
0xfd: {  	[sflag:s3] =	ssyncset.done $0x0  }
0xfe: {  	s22 =	rddreg [dreg:$0x7];
	[sflag:s3] =	ssyncadd.s32 $0xFFFFC000  }
0xff: {  	[hbm4b:s22+s14] =	stream.linear.scatter [tilespmem:s6], [sflag:$0x3], $0x4000, $0x38;
	[tilespmem:$0x1E880] =	vst v63  }
0x100: {  	_ =	swait.ge [sflag:s3], $0x4000  }
0x101: {  	[sflag:s3] =	ssyncset.done $0x0  }
0x102: {  	s23 =	rddreg [dreg:$0xf];
	[sflag:s3] =	ssyncadd.s32 $0xFFFFC000  }
0x103: {  	[tilespmem:s6], [sflag:$0x3] =	stream.linear.gather [spmem:s23], $0x4000, $0x38;
	[tilespmem:$0x1E880] =	vst v63  }
0x104: {  	_ =	swait.ge [sflag:s3], $0x4000  }
0x105: {  	[sflag:s3] =	ssyncset.done $0x0  }
0x106: {  	s22 =	rddreg [dreg:$0x8];
	[sflag:s3] =	ssyncadd.s32 $0xFFFFC000  }
0x107: {  	[hbm4b:s22+s14] =	stream.linear.scatter [tilespmem:s6], [sflag:$0x3], $0x4000, $0x38;
	[tilespmem:$0x1E880] =	vst v63  }
0x108: {  	_ =	swait.ge [sflag:s3], $0x4000  }
0x109: {  	[sflag:s3] =	ssyncset.done $0x0  }
0x10a: {  	s23 =	rddreg [dreg:$0x10];
	[sflag:s3] =	ssyncadd.s32 $0xFFFFC000  }
0x10b: {  	[tilespmem:s6], [sflag:$0x3] =	stream.linear.gather [spmem:s23], $0x4000, $0x38;
	[tilespmem:$0x1E880] =	vst v63  }
0x10c: {  	_ =	swait.ge [sflag:s3], $0x4000  }
0x10d: {  	[sflag:s3] =	ssyncset.done $0x0  }
0x10e: {  	s22 =	rddreg [dreg:$0x9];
	[sflag:s3] =	ssyncadd.s32 $0xFFFFC000  }
0x10f: {  	[hbm4b:s22+s14] =	stream.linear.scatter [tilespmem:s6], [sflag:$0x3], $0x4000, $0x38;
	[tilespmem:$0x1E880] =	vst v63  }
0x110: {  	_ =	swait.ge [sflag:s3], $0x4000  }
0x111: {  	[sflag:s3] =	ssyncset.done $0x0  }
0x112: {  	[sflag:s3] =	ssyncadd.s32 $0xFFFFC000  }
0x113: {  	[tilespmem:s6], [sflag:$0x3] =	stream.linear.gather [spmem:s24], $0x3400, $0x38;
	[tilespmem:$0x1E880] =	vst v63  }
0x114: {  	_ =	swait.ge [sflag:s3], $0x3400  }
0x115: {  	[sflag:s3] =	ssyncset.done $0x0  }
.Ltmp6:
0x116: {  	s23 =	rddreg [dreg:$0xa];
	[sflag:s3] =	ssyncadd.s32 $0xFFFFCC00;
	(pc) =	sbr.rel .LBB2_9-.Ltmp6, $4  }
0x117: {  	[hbm4b:s23+s14] =	stream.linear.scatter [tilespmem:s6], [sflag:$0x3], $0x3400, $0x38;
	[tilespmem:$0x1E880] =	vst v63  }
0x118: {  	_ =	swait.ge [sflag:s3], $0x3400  }
0x119: {  	[sflag:s3] =	ssyncset.done $0x0  }
0x11a: {  	[sflag:s3] =	ssyncadd.s32 $0xFFFFCC00  }
.LBB2_10:
0x11b: {  	_ =	sfence.sel $0x180000  }
0x11c: {  	[bflag:$0x0] =	sbarrier.arrive $0xFFFF  }
0x11d: {  	_ =	strace $0x9000004D  }
0x11e: {  	s0 =	stileid.u32;
	[bflag:$0x2] =	sbarrier.arrive $0xFFFF  }
0x11f: {  	p0 =	sne.s32 s0, $0x0;
	s0 =	rddreg [dreg:$0x2]  }
0x120: {  	s0 =	sadd.s32 @!p0 $0x100000, s0  }
0x121: {  	[sflag:s0] =	ssyncadd.tile.s32 @!p0 $0x1;
	_ =	shalt  }
.Lfunc_end2:
_tile_overlayer_lowered:
.L_overlay_start_2:
0x122: {  	(tag) =	ssettag $0x2  }
0x123: {  	s0 =	rddreg [dreg:$0x0];
	s2 =	stileid.u32  }
0x124: {  	s1 =	rddreg [dreg:$0x1];
	p0 =	sne.s32 s2, $0x0  }
0x125: {  	s3 =	rddreg [dreg:$0x2];
	[bflag:$0x3] =	sbarrier.arrive $0xFFFF;
	s2 =	simm.s32 @!p0 $0x1C03  }
0x126: {  	[timem:s3], [sflag:s2] =	dma.local @!p0 [hbm:s0], s1  }
0x127: {  	s0 =	simm.s32 @!p0 $0x3  }
0x128: {  	_ =	swait.ge @!p0 [sflag:s0], s1  }
0x129: {  	s1 =	ssub.s32 @!p0 $0x0, s1;
	[sflag:s0] =	ssyncset.done @!p0 $0x0  }
0x12a: {  	[sflag:s0] =	ssyncadd.s32 @!p0 s1  }
0x12b: {  	[bflag:$0x3] =	sbarrier.arrive $0xFFFF  }
0x12c: {  	_ =	shalt  }

// kernel: kernel.8.cloned.1.call-start
scs
__scs_entry_jumppad:
0x0: {  	(pc) =	sbr.rel $0x88, $3  }
0x1: {  	(tag) =	ssettag $0x0;
	lr =	simm.s32 $0x1  }
0x2: {  	[smem:$0x3F98] =	sst lr;
	_ =	strace $0xD0000000  }
0x3: {  	_ = 	snop  }
0x4: {  	_ = 	snop  }
0x5: {  	_ = 	snop  }
0x6: {  	_ = 	snop  }
0x7: {  	_ = 	snop  }
__scs_overlays_trampoline_lowered:
0x8: {  	[smem:$0x3FA7] =	sst s0  }
0x9: {  	[smem:$0x3FA8] =	sst s1  }
0xa: {  	[smem:$0x3FA9] =	sst s2  }
0xb: {  	[smem:$0x3FAA] =	sst s3  }
0xc: {  	[smem:$0x3FAB] =	sst s4  }
0xd: {  	[smem:$0x3FAC] =	sst s5  }
0xe: {  	[smem:$0x3FAD] =	sst s6  }
0xf: {  	[smem:$0x3FAE] =	sst s7  }
0x10: {  	[smem:$0x3FAF] =	sst s8  }
0x11: {  	[smem:$0x3FB0] =	sst s9;
	s0 =	simm.s32 @!p0 $0x0  }
0x12: {  	s1 =	sld [smem:$0x3F96];
	s0 =	simm.s32 @p0 $0x1  }
0x13: {  	[smem:$0x3FB1] =	sst s0;
	s0 =	simm.s32 @!p1 $0x0  }
0x14: {  	s2 =	sld [smem:$0x3F95];
	s0 =	simm.s32 @p1 $0x1  }
0x15: {  	[smem:$0x3FB2] =	sst s0;
	s0 =	simm.s32 @!p2 $0x0  }
0x16: {  	s3 =	sld [smem:$0x3FDB];
	s0 =	simm.s32 @p2 $0x1  }
0x17: {  	s4 =	simm.s32 $0x1BF5;
	[smem:$0x3FB4] =	sst s0  }
0x18: {  	s0 =	sld [smem:$0x3F97];
	_ =	swait.ge [sflag:s4], $0x0  }
0x19: {  	s7 =	sld [smem:$0x3F98]  }
0x1a: {  	s8 =	sadd.s32 $0xFFFFE003, lr  }
0x1b: {  	s9 =	sadd.s32 $0xFFFFFEF7, lr;
	s5 =	simm.s32 $0xFFFFFFFF;
	p2 =	slt.u32 s8, $0xFFFFF086  }
0x1c: {  	p1 =	slt.u32 s9, $0xF7A;
	s5 =	simm.s32 @!p2 $0x0  }
0x1d: {  	s5 =	simm.s32 @p1 $0x1;
	p0 =	seq.s32 s7, s2  }
0x1e: {  	s7 =	smul.u32 @!p0 $0xF7A, s2;
	p2 =	seq.s32 @!p0 s5, $0x0  }
0x1f: {  	s9 =	smul.u32 $0xF7A, s1;
	s8 =	simm.s32 @!p0 $0x1BF5;
	p2 =	por !p2, p0  }
0x20: {  	[sflag:s8] =	ssyncset.s32 @!p0 $0xFFFFF086;
	s6 =	sadd.s32 @!p0 s3, s7;
	s7 =	simm.s32 @!p0 $0x108  }
0x21: {  	s3 =	sadd.s32 s3, s9;
	s6 =	sadd.s32 @!p0 $0x88, s6;
	s7 =	simm.s32 @p2 $0x1082  }
0x22: {  	[simem:s7], [sflag:s8] =	dma.local @!p0 [hbm:s6], $0xF7A  }
0x23: {  	s9 =	sor.u32 $0xD0000000, s2;
	s6 =	simm.s32 $0x108;
	_ =	swait.ge @!p0 [sflag:s8], $0x0  }
0x24: {  	s3 =	sadd.s32 $0x88, s3;
	s6 =	simm.s32 @!p1 $0x1082;
	[sflag:s4] =	ssyncset.s32 $0xFFFFF086  }
0x25: {  	[simem:s6], [sflag:s4] =	dma.local [hbm:s3], $0xF7A  }
0x26: {  	[smem:$0x3F98] =	sst s1;
	(tag) =	ssettag s2;
	_ =	strace s9  }
0x27: {  	s1 =	sld [smem:$0x3FA8]  }
0x28: {  	s2 =	sld [smem:$0x3FA9]  }
0x29: {  	s4 =	sld [smem:$0x3FAB]  }
0x2a: {  	p0 =	seq.s32 s5, $0x0;
	s5 =	sld [smem:$0x3FAC]  }
0x2b: {  	s6 =	sld [smem:$0x3FAD]  }
0x2c: {  	s7 =	sld [smem:$0x3FAE]  }
0x2d: {  	s3 =	simm.s32 $0x108;
	s8 =	sld [smem:$0x3FAF]  }
0x2e: {  	s3 =	simm.s32 @!p0 $0x1082;
	s9 =	sld [smem:$0x3FB0]  }
0x2f: {  	lr =	sadd.s32 s0, s3;
	s0 =	sld [smem:$0x3FA7]  }
0x30: {  	s3 =	sld [smem:$0x3FAA]  }
0x31: {  	[smem:$0x3FB3] =	sst s10  }
0x32: {  	s10 =	sld [smem:$0x3FB1];
	_ =	sdelay $0x3  }
0x33: {  	p0 =	seq.s32 s10, $0x1;
	s10 =	sld [smem:$0x3FB3];
	_ =	sdelay $0x3  }
0x34: {  	[smem:$0x3FB3] =	sst s10  }
0x35: {  	s10 =	sld [smem:$0x3FB2];
	_ =	sdelay $0x3  }
0x36: {  	p1 =	seq.s32 s10, $0x1;
	s10 =	sld [smem:$0x3FB3];
	_ =	sdelay $0x3  }
0x37: {  	[smem:$0x3FB3] =	sst s10  }
0x38: {  	s10 =	sld [smem:$0x3FB4]  }
0x39: {  	_ = 	snop;
	(pc) =	sbr.ind lr, $3  }
0x3a: {  	_ = 	snop  }
0x3b: {  	_ = 	snop  }
0x3c: {  	p2 =	seq.s32 s10, $0x1;
	s10 =	sld [smem:$0x3FB3]  }
0x3d: {  	_ =	shalt  }
0x3e: {  	_ =	shalt  }
0x3f: {  	_ =	shalt  }
0x40: {  	_ =	shalt  }
0x41: {  	_ =	shalt  }
0x42: {  	_ =	shalt  }
0x43: {  	_ =	shalt  }
0x44: {  	_ =	shalt  }
0x45: {  	_ =	shalt  }
0x46: {  	_ =	shalt  }
0x47: {  	_ =	shalt  }
0x48: {  	_ =	shalt  }
0x49: {  	_ =	shalt  }
0x4a: {  	_ =	shalt  }
0x4b: {  	_ =	shalt  }
0x4c: {  	_ =	shalt  }
0x4d: {  	_ =	shalt  }
0x4e: {  	_ =	shalt  }
0x4f: {  	_ =	shalt  }
0x50: {  	_ =	shalt  }
0x51: {  	_ =	shalt  }
0x52: {  	_ =	shalt  }
0x53: {  	_ =	shalt  }
0x54: {  	_ =	shalt  }
0x55: {  	_ =	shalt  }
0x56: {  	_ =	shalt  }
0x57: {  	_ =	shalt  }
0x58: {  	_ =	shalt  }
0x59: {  	_ =	shalt  }
0x5a: {  	_ =	shalt  }
0x5b: {  	_ =	shalt  }
0x5c: {  	_ =	shalt  }
0x5d: {  	_ =	shalt  }
0x5e: {  	_ =	shalt  }
0x5f: {  	_ =	shalt  }
0x60: {  	_ =	shalt  }
0x61: {  	_ =	shalt  }
0x62: {  	_ =	shalt  }
0x63: {  	_ =	shalt  }
0x64: {  	_ =	shalt  }
0x65: {  	_ =	shalt  }
0x66: {  	_ =	shalt  }
0x67: {  	_ =	shalt  }
0x68: {  	_ =	shalt  }
0x69: {  	_ =	shalt  }
0x6a: {  	_ =	shalt  }
0x6b: {  	_ =	shalt  }
0x6c: {  	_ =	shalt  }
0x6d: {  	_ =	shalt  }
0x6e: {  	_ =	shalt  }
0x6f: {  	_ =	shalt  }
0x70: {  	_ =	shalt  }
0x71: {  	_ =	shalt  }
0x72: {  	_ =	shalt  }
0x73: {  	_ =	shalt  }
0x74: {  	_ =	shalt  }
0x75: {  	_ =	shalt  }
0x76: {  	_ =	shalt  }
0x77: {  	_ =	shalt  }
0x78: {  	_ =	shalt  }
0x79: {  	_ =	shalt  }
0x7a: {  	_ =	shalt  }
0x7b: {  	_ =	shalt  }
0x7c: {  	_ =	shalt  }
0x7d: {  	_ =	shalt  }
0x7e: {  	_ =	shalt  }
0x7f: {  	_ =	shalt  }
0x80: {  	_ =	shalt  }
0x81: {  	_ =	shalt  }
0x82: {  	_ =	shalt  }
0x83: {  	_ =	shalt  }
0x84: {  	_ =	shalt  }
0x85: {  	_ =	shalt  }
0x86: {  	_ =	shalt  }
0x87: {  	_ =	shalt  }
.Lfunc_end0:
.L_simem_size_0:
called_computation_lowered:
.L_overlay_start_0:
0x88: {  	s2 =	sld [smem:$0x3FD9]  }
0x89: {  	s3 =	sld [smem:$0x3FFE];
	_ =	sdelay $0x1  }
0x8a: {  	s1 =	srdreg.scid  }
0x8b: {  	s0 =	sand.u32 $0x1, s1  }
0x8c: {  	s16 =	sshll.u32 s0, $0xA;
	s2 =	sadd.s32 s3, s2  }
0x8d: {  	s2 =	sadd.s32 s2, s16  }
0x8e: {  	[smem:$0x3FBF] =	sst s2  }
0x8f: {  	_ = 	snop  }
0x90: {  	(tm) =	ssettm $0x1  }
0x91: {  	s17 =	sld [smem:$0x3FFB];
	_ =	sdelay $0x3  }
0x92: {  	_ =	strace s17  }
0x93: {  	s2 =	sld [smem:$0x3FFC];
	_ =	sdelay $0x3  }
0x94: {  	_ =	strace s2  }
0x95: {  	s2 =	sld [smem:$0x3FFD];
	_ =	sdelay $0x3  }
0x96: {  	_ =	strace s2  }
0x97: {  	_ =	strace $0x8FFFFFFF  }
0x98: {  	s18 =	sld [smem:$0x3FDB];
	_ =	sdelay $0x1  }
0x99: {  	s19 =	simm.s32 $_scs_section_size  }
0x9a: {  	s4 =	simm.s32 $_size__tile_overlayer_lowered;
	s5 =	simm.s32 $_tile_overlayer_lowered  }
0x9b: {  	s22 =	simm.s32 $0x1BFF;
	s21 =	sshll.u32 s5, $0x1;
	s2 =	sadd.s32 s19, s18  }
0x9c: {  	s6 =	simm.s32 $0x0;
	s20 =	sshll.u32 s4, $0x1;
	s4 =	sadd.s32 s21, s2  }
0x9d: {  	[timem:s6], [sflag:s22] =	dma.local [hbm:s4], s20  }
0x9e: {  	_ =	swait.ge [sflag:s22], s20  }
0x9f: {  	s3 =	ssub.s32 $0x0, s20;
	[sflag:s22] =	ssyncset.done $0x0  }
0xa0: {  	[sflag:s22] =	ssyncadd.s32 s3;
	_ =	sdelay $0x1  }
0xa1: {  	s23 =	simm.s32 $0x1B8B  }
0xa2: {  	_ =	swait.ge [sflag:s23], $0x1  }
0xa3: {  	[sflag:s23] =	ssyncset.done $0x0  }
0xa4: {  	s25 =	simm.s32 $0x1B8E;
	s24 =	sld [smem:$0x3FFE];
	[sflag:s23] =	ssyncadd.s32 $0xFFFFFFFF  }
0xa5: {  	s26 =	simm.s32 $execute0_lowered;
	[smem:$0x3FD2] =	sst s25  }
0xa6: {  	s4 =	sshll.u32 s26, $0x1;
	_ =	strace $0x80000046;
	[dreg:$0x1] =	wrdreg $0xFFFFFFFF  }
0xa7: {  	s28 =	simm.s32 $_size_execute0_lowered;
	s2 =	sadd.s32 s2, s4;
	[dreg:$0x0] =	wrdreg $0x0  }
0xa8: {  	s4 =	sshll.u32 s28, $0x1;
	[dreg:$0x2] =	wrdreg s2  }
0xa9: {  	[dreg:$0x3] =	wrdreg s4  }
0xaa: {  	[dreg:$0x4] =	wrdreg $0xC0  }
0xab: {  	_ =	task [dreg:s6], $0x5FFFF  }
0xac: {  	[dreg:$0x1] =	wrdreg $0xFFFFFFFF  }
0xad: {  	[dreg:$0x0] =	wrdreg $0x60  }
0xae: {  	[dreg:$0x2] =	wrdreg s24  }
0xaf: {  	[dreg:$0x3] =	wrdreg $0x58000  }
0xb0: {  	[dreg:$0x4] =	wrdreg $0x9  }
0xb1: {  	_ =	task.clear_ibuf [dreg:s6], $0x5FFFF;
	_ =	strace $0x90000046  }
0xb2: {  	s29 =	simm.s32 $0x9;
	_ =	strace $0x80000048  }
0xb3: {  	_ =	swait.ge [sflag:s29], $0x1  }
0xb4: {  	[sflag:s29] =	ssyncadd.s32 $0xFFFFFFFF  }
0xb5: {  	_ =	strace $0x90000048  }
0xb6: {  	_ =	sfence  }
0xb7: {  	s30 =	sld [smem:$0x0];
	_ =	sdelay $0x2  }
0xb8: {  	s31 =	sshll.u32 s1, $0xD;
	s1 =	sshrl.u32 s1, $0x2  }
0xb9: {  	s3 =	sand.u32 $0x4000, s31;
	s1 =	sadd.s32 s1, s30  }
0xba: {  	s0 =	sor.u32 s3, s0;
	s1 =	sshll.u32 s1, $0x11  }
0xbb: {  	s0 =	sor.u32 s1, s0  }
0xbc: {  	s0 =	sadd.s32 $0x8F2B, s0  }
0xbd: {  	[sflag:s0] =	ssyncadd.remote.s32 $0x1  }
0xbe: {  	_ =	sfence.sel $0xFFFF  }
0xbf: {  	[dreg:$0x0] =	wrdreg $0xFFFFFFFF;
	(pc) =	sbr.abs _section_cstart, $3  }
0xc0: {  	[dreg:$0x1] =	wrdreg $0xFFFFFFFF  }
0xc1: {  	_ =	task.clear_ibuf [dreg:s6], $0x2FFFF;
	_ =	strace $0x9FFFFFFF  }
0xc2: {  	(tm) =	ssettm $0x7FFFFFFF  }
0xc3: {  	_ =	shalt  }
tec
execute0_lowered:
.L_overlay_start_1:
0x0: {  	(tag) =	ssettag $0x1  }
0x1: {  	s0 =	srdreg.scid;
	s4 =	rddreg [dreg:$0x0]  }
0x2: {  	s6 =	stileid.u32;
	s1 =	rddreg [dreg:$0x1];
	s2 =	simm.s32 $0x0  }
0x3: {  	s8 =	simm.s32 $0x10;
	s9 =	simm.s32 $0x5400;
	s10 =	simm.s32 $0x5480  }
0x4: {  	s11 =	simm.s32 $0x3400;
	s12 =	simm.s32 $0x5500;
	s13 =	simm.s32 $0x3C00  }
0x5: {  	s14 =	simm.s32 $0x5580;
	s15 =	simm.s32 $0x4400;
	s3 =	sand.u32 $0x1, s0  }
0x6: {  	s16 =	simm.s32 $0x5600;
	s17 =	simm.s32 $0x4C00;
	s0 =	sshll.u32 s3, $0x4  }
0x7: {  	s18 =	simm.s32 $0x0;
	s7 =	smul.u32 $0x500, s3;
	s5 =	sor.u32 s6, s0  }
0x8: {  	[smem:$0x7FF] =	sst s2;
	p0 =	sne.s32 s6, $0x0;
	s5 =	smul.u32 $0x580, s5  }
0x9: {  	s3 =	ssub.s32 $0x2, s3;
	s0 =	rddreg [dreg:$0x2];
	_ =	strace $0x80000047  }
0xa: {  	v0 =	vlaneseq.u32;
	s31 =	sshrl.u32 s3, $0x1;
	s6 =	simm.s32 $0x1;
	s5 =	sadd.s32 s5, s4  }
0xb: {  	v1 =	vimm.f32 $0.0e+00;
	v6 =	vimm.f32 $1.000000000e+00;
	v2 =	vor.u32 $0x10, v0;
	s4 =	sadd.s32 s7, s4;
	s7 =	ssub.s32 s3, s31;
	s3 =	sadd.s32 $0x3000, s5  }
0xc: {  	v3 =	vor.u32 $0x20, v0;
	v4 =	vor.u32 $0x30, v0;
	v5 =	vor.u32 $0x40, v0;
	s4 =	sadd.s32 $0xE000, s4;
	s5 =	smax.u32 s7, $0x1;
	s7 =	simm.s32 $0x2C00  }
.LBB2_1:
0xd: {  	s19 =	simm.s32 $0x70;
	s20 =	simm.s32 $0x3C0  }
.LBB2_2:
0xe: {  	p1 =	sne.s32 s20, $0x9FC0;
	[tilespmem:s19+$0x2C00] =	vst v1  }
0xf: {  	[tilespmem:s19+$0x2B90] =	vst v1  }
0x10: {  	[tilespmem:s19+$0x2BA0] =	vst v1  }
.Ltmp0:
0x11: {  	[tilespmem:s19+$0x2BB0] =	vst v1;
	(pc) =	sbr.rel @p1 .LBB2_2-.Ltmp0, $4  }
0x12: {  	[tilespmem:s19+$0x2BC0] =	vst v1  }
0x13: {  	[tilespmem:s19+$0x2BD0] =	vst v1  }
0x14: {  	[tilespmem:s19+$0x2BE0] =	vst v1  }
0x15: {  	[tilespmem:s19+$0x2BF0] =	vst v1;
	s19 =	sshra.s32 s20, $0x2;
	s20 =	sadd.s32 $0x200, s20  }
0x16: {  	[tilespmem:s19+$0x2C00] =	vst v1  }
0x17: {  	[tilespmem:s19+$0x2B90] =	vst v1  }
0x18: {  	[tilespmem:s19+$0x2BA0] =	vst v1  }
0x19: {  	[tilespmem:s19+$0x2BB0] =	vst v1  }
0x1a: {  	[tilespmem:s19+$0x2BC0] =	vst v1  }
0x1b: {  	[tilespmem:s19+$0x2BD0] =	vst v1  }
0x1c: {  	[tilespmem:s19+$0x2BE0] =	vst v1  }
0x1d: {  	[tilespmem:s19+$0x2BF0] =	vst v1  }
0x1e: {  	[tilespmem:$0x5400] =	vst v0  }
0x1f: {  	[tilespmem:$0x5480] =	vst v2  }
0x20: {  	[tilespmem:$0x5500] =	vst v3  }
0x21: {  	[tilespmem:$0x5580] =	vst v4  }
0x22: {  	s19 =	simm.s32 @!p0 $0x2C00;
	[tilespmem:$0x5600] =	vst v5  }
0x23: {  	[spmem:s1] =	stream.linear.scatter @!p0 [tilespmem:s19], [sflag:$0x1], $0x2800, $0x38;
	[tilespmem:$0x5A80] =	vst v63  }
0x24: {  	s19 =	simm.s32 @!p0 $0x1  }
0x25: {  	_ =	swait.ge @!p0 [sflag:s19], $0x2800  }
0x26: {  	[sflag:s19] =	ssyncset.done @!p0 $0x0  }
0x27: {  	[sflag:s19] =	ssyncadd.s32 @!p0 $0xFFFFD800  }
0x28: {  	[bflag:$0x0] =	sbarrier.arrive $0xFFFF  }
0x29: {  	[tilespmem:s2], [sflag:$0x1] =	stream.linear.gather [hbm4b:s3+s2], $0x2A00, $0x38;
	[tilespmem:$0x5A80] =	vst v63  }
0x2a: {  	_ =	swait.ge [sflag:s6], $0x2A00  }
0x2b: {  	[sflag:s6] =	ssyncset.done $0x0  }
0x2c: {  	s19 =	simm.s32 $0x1C0;
	[sflag:s6] =	ssyncadd.s32 $0xFFFFD600  }
.LBB2_4:
0x2d: {  	s20 =	sshra.s32 s19, $0x2  }
0x2e: {  	v7 =	vld [tilespmem:s20+$0xFFFFFF90];
	_ =	sdelay $0x7  }
0x2f: {  	[tilespmem:v7+s7+$0x0] =	vst.idx.add.f32.msk $0xffff, v6  }
0x30: {  	v7 =	vld [tilespmem:s20+$0xFFFFFFA0];
	_ =	sdelay $0x7  }
0x31: {  	[tilespmem:v7+s7+$0x0] =	vst.idx.add.f32.msk $0xffff, v6  }
0x32: {  	v7 =	vld [tilespmem:s20+$0xFFFFFFB0];
	_ =	sdelay $0x7  }
0x33: {  	[tilespmem:v7+s7+$0x0] =	vst.idx.add.f32.msk $0xffff, v6  }
0x34: {  	v7 =	vld [tilespmem:s20+$0xFFFFFFC0];
	_ =	sdelay $0x7  }
0x35: {  	[tilespmem:v7+s7+$0x0] =	vst.idx.add.f32.msk $0xffff, v6  }
0x36: {  	v7 =	vld [tilespmem:s20+$0xFFFFFFD0];
	_ =	sdelay $0x7  }
0x37: {  	[tilespmem:v7+s7+$0x0] =	vst.idx.add.f32.msk $0xffff, v6  }
0x38: {  	v7 =	vld [tilespmem:s20+$0xFFFFFFE0];
	_ =	sdelay $0x7  }
0x39: {  	[tilespmem:v7+s7+$0x0] =	vst.idx.add.f32.msk $0xffff, v6  }
0x3a: {  	v7 =	vld [tilespmem:s20+$0xFFFFFFF0];
	_ =	sdelay $0x7  }
0x3b: {  	[tilespmem:v7+s7+$0x0] =	vst.idx.add.f32.msk $0xffff, v6  }
0x3c: {  	v7 =	vld [tilespmem:s20+$0x0];
	_ =	sdelay $0x2  }
0x3d: {  	p1 =	sne.s32 s19, $0xA7C0  }
.Ltmp1:
0x3e: {  	_ = 	snop;
	(pc) =	sbr.rel @p1 .LBB2_4-.Ltmp1, $2  }
0x3f: {  	_ =	sdelay $0x2  }
0x40: {  	s19 =	sadd.s32 $0x200, s19;
	[tilespmem:v7+s7+$0x0] =	vst.idx.add.f32.msk $0xffff, v6  }
0x41: {  	[spmem:s1] =	stream.indirect.scatter.add.f32 [tilespmem:s7], [sflag:$0x1], $0x80, s9, s8, $0xb8;
	[tilespmem:$0x5A80] =	vst v63  }
0x42: {  	_ =	swait.ge [sflag:s6], $0x800  }
0x43: {  	[sflag:s6] =	ssyncset.done $0x0  }
0x44: {  	[sflag:s6] =	ssyncadd.s32 $0xFFFFF800  }
0x45: {  	[spmem:s1] =	stream.indirect.scatter.add.f32 [tilespmem:s11], [sflag:$0x1], $0x80, s10, s8, $0xb8;
	[tilespmem:$0x5A80] =	vst v63  }
0x46: {  	_ =	swait.ge [sflag:s6], $0x800  }
0x47: {  	[sflag:s6] =	ssyncset.done $0x0  }
0x48: {  	[sflag:s6] =	ssyncadd.s32 $0xFFFFF800  }
0x49: {  	[spmem:s1] =	stream.indirect.scatter.add.f32 [tilespmem:s13], [sflag:$0x1], $0x80, s12, s8, $0xb8;
	[tilespmem:$0x5A80] =	vst v63  }
0x4a: {  	_ =	swait.ge [sflag:s6], $0x800  }
0x4b: {  	[sflag:s6] =	ssyncset.done $0x0  }
0x4c: {  	[sflag:s6] =	ssyncadd.s32 $0xFFFFF800  }
0x4d: {  	[spmem:s1] =	stream.indirect.scatter.add.f32 [tilespmem:s15], [sflag:$0x1], $0x80, s14, s8, $0xb8;
	[tilespmem:$0x5A80] =	vst v63  }
0x4e: {  	_ =	swait.ge [sflag:s6], $0x800  }
0x4f: {  	[sflag:s6] =	ssyncset.done $0x0  }
0x50: {  	[sflag:s6] =	ssyncadd.s32 $0xFFFFF800  }
0x51: {  	[spmem:s1] =	stream.indirect.scatter.add.f32 [tilespmem:s17], [sflag:$0x1], $0x80, s16, s8, $0xb8;
	[tilespmem:$0x5A80] =	vst v63  }
0x52: {  	_ =	swait.ge [sflag:s6], $0x800  }
0x53: {  	[sflag:s6] =	ssyncset.done $0x0  }
0x54: {  	[sflag:s6] =	ssyncadd.s32 $0xFFFFF800  }
0x55: {  	s19 =	simm.s32 @!p0 $0x2C00;
	s20 =	simm.s32 @!p0 $0x1;
	[bflag:$0x0] =	sbarrier.arrive $0xFFFF  }
0x56: {  	[tilespmem:s19], [sflag:$0x1] =	stream.linear.gather @!p0 [spmem:s1], $0x2800, $0x38;
	[tilespmem:$0x5A80] =	vst v63  }
0x57: {  	s18 =	sadd.s32 $0x1, s18;
	_ =	swait.ge @!p0 [sflag:s20], $0x2800  }
0x58: {  	p1 =	sne.s32 s18, s5;
	[sflag:s20] =	ssyncset.done @!p0 $0x0  }
.Ltmp2:
0x59: {  	s21 =	simm.s32 @!p0 $0x0;
	[sflag:s20] =	ssyncadd.s32 @!p0 $0xFFFFD800;
	(pc) =	sbr.rel @p1 .LBB2_1-.Ltmp2, $4  }
0x5a: {  	[hbm4b:s4+s21] =	stream.linear.scatter @!p0 [tilespmem:s19], [sflag:$0x1], $0x2800, $0x38;
	[tilespmem:$0x5A80] =	vst v63  }
0x5b: {  	_ =	swait.ge @!p0 [sflag:s20], $0x2800  }
0x5c: {  	[sflag:s20] =	ssyncset.done @!p0 $0x0  }
0x5d: {  	[sflag:s20] =	ssyncadd.s32 @!p0 $0xFFFFD800  }
0x5e: {  	_ =	sfence.sel $0x180000  }
0x5f: {  	[bflag:$0x0] =	sbarrier.arrive $0xFFFF  }
0x60: {  	_ =	strace $0x90000047  }
0x61: {  	s0 =	sadd.s32 @!p0 $0x100000, s0;
	[bflag:$0x2] =	sbarrier.arrive $0xFFFF  }
0x62: {  	[sflag:s0] =	ssyncadd.tile.s32 @!p0 $0x1;
	_ =	shalt  }
.Lfunc_end2:
_tile_overlayer_lowered:
.L_overlay_start_2:
0x63: {  	(tag) =	ssettag $0x2  }
0x64: {  	s0 =	rddreg [dreg:$0x0];
	s2 =	stileid.u32  }
0x65: {  	s1 =	rddreg [dreg:$0x1];
	p0 =	sne.s32 s2, $0x0  }
0x66: {  	s3 =	rddreg [dreg:$0x2];
	[bflag:$0x3] =	sbarrier.arrive $0xFFFF;
	s2 =	simm.s32 @!p0 $0x1C01  }
0x67: {  	[timem:s3], [sflag:s2] =	dma.local @!p0 [hbm:s0], s1  }
0x68: {  	s0 =	simm.s32 @!p0 $0x1  }
0x69: {  	_ =	swait.ge @!p0 [sflag:s0], s1  }
0x6a: {  	s1 =	ssub.s32 @!p0 $0x0, s1;
	[sflag:s0] =	ssyncset.done @!p0 $0x0  }
0x6b: {  	[sflag:s0] =	ssyncadd.s32 @!p0 s1  }
0x6c: {  	[bflag:$0x3] =	sbarrier.arrive $0xFFFF  }
0x6d: {  	_ =	shalt  }

</sc_bundles>
